<compile_context>
chip_gen: v7x
topology: tpu7x:2x2x1
jax: 0.10.2.dev20260603
libtpu: 0.0.44.dev20260713+nightly
codegen_flags: <defaults>
</compile_context>

<pallas_src>
import functools

import jax
import jax.numpy as jnp
import numpy as np
from jax import lax
from jax.experimental import pallas as pl
from jax.experimental.pallas import tpu as pltpu
from jax.experimental.pallas import tpu_sc as plsc

DMODEL = 1024
N_EXPERTS = 16
EXPERT_SIZE = 128
N_HEADS = 2
EH = N_EXPERTS * EXPERT_SIZE
N_TOK = 4096

TB = 512

_info = plsc.get_sparse_core_info()
_NC, _NS, _NL = _info.num_cores, _info.num_subcores, _info.num_lanes
_NW = _NC * _NS
_TPW = N_TOK // _NW


def _sel_block(x_ref, es_ref, selt_ref):
    selt_ref[...] = lax.dot_general(
        es_ref[...], x_ref[...],
        dimension_numbers=(((1,), (1,)), ((), ())),
        preferred_element_type=jnp.float32,
    )


def _router_logits_t(x, expert_sel):
    blk = 1024
    return pl.pallas_call(
        _sel_block,
        grid=(N_TOK // blk,),
        in_specs=[
            pl.BlockSpec((blk, DMODEL), lambda i: (i, 0)),
            pl.BlockSpec((N_EXPERTS, DMODEL), lambda i: (0, 0)),
        ],
        out_specs=pl.BlockSpec((N_EXPERTS, blk), lambda i: (0, i)),
        out_shape=jax.ShapeDtypeStruct((N_EXPERTS, N_TOK), jnp.float32),
    )(x, expert_sel)


@functools.partial(
    pl.kernel,
    mesh=plsc.VectorSubcoreMesh(core_axis_name="c", subcore_axis_name="s"),
    out_type=jax.ShapeDtypeStruct((N_EXPERTS, N_TOK), jnp.float32),
    scratch_types=[
        pltpu.VMEM((N_EXPERTS, _TPW), jnp.float32),
        pltpu.VMEM((N_EXPERTS, _TPW), jnp.float32),
    ],
)
def _route_sc(selt_hbm, gt_hbm, sel_v, g_v):
    wid = lax.axis_index("s") * _NC + lax.axis_index("c")
    base = wid * _TPW
    pltpu.sync_copy(selt_hbm.at[:, pl.ds(base, _TPW)], sel_v)

    neg_big = jnp.full((_NL,), -3.0e38, jnp.float32)
    neg_gate = jnp.full((_NL,), -1.0e30, jnp.float32)

    for j in range(_TPW // _NL):
        sl = pl.ds(j * _NL, _NL)
        v = [sel_v[e, sl] for e in range(N_EXPERTS)]
        def tree_max(vals):
            while len(vals) > 1:
                vals = [jnp.maximum(vals[i], vals[i + 1])
                        for i in range(0, len(vals), 2)]
            return vals[0]
        m1 = tree_max(v)
        v2 = [jnp.where(v[e] == m1, neg_big, v[e]) for e in range(N_EXPERTS)]
        m2 = tree_max(v2)
        for e in range(N_EXPERTS):
            keep = (v[e] == m1) | (v[e] == m2)
            g_v[e, sl] = jnp.where(keep, v[e], neg_gate)

    pltpu.sync_copy(g_v, gt_hbm.at[:, pl.ds(base, _TPW)])


def _moe_block(xb_ref, gt_ref, ex_ref, k3_ref, v_ref, out_ref, k_scr):
    @pl.when(pl.program_id(0) == 0)
    def _relayout_keys():
        for e in range(N_EXPERTS):
            k_scr[:, e * EXPERT_SIZE:(e + 1) * EXPERT_SIZE] = k3_ref[e]

    g_big = lax.dot_general(
        gt_ref[...].astype(jnp.bfloat16), ex_ref[...],
        dimension_numbers=(((0,), (0,)), ((), ())),
        preferred_element_type=jnp.float32,
    )
    h = jnp.dot(xb_ref[...].astype(jnp.bfloat16), k_scr[...],
                preferred_element_type=jnp.float32)
    h = jnp.maximum(h + g_big, 0.0)
    out_ref[...] = jnp.dot(h.astype(jnp.bfloat16), v_ref[...],
                           preferred_element_type=jnp.float32)


def _moe_dense(xb, g_t, expand, k3, v_all):
    return pl.pallas_call(
        _moe_block,
        grid=(N_TOK // TB,),
        in_specs=[
            pl.BlockSpec((TB, DMODEL), lambda i: (i, 0)),
            pl.BlockSpec((N_EXPERTS, TB), lambda i: (0, i)),
            pl.BlockSpec((N_EXPERTS, EH), lambda i: (0, 0)),
            pl.BlockSpec((N_EXPERTS, DMODEL, EXPERT_SIZE), lambda i: (0, 0, 0)),
            pl.BlockSpec((EH, DMODEL), lambda i: (0, 0)),
        ],
        out_specs=pl.BlockSpec((TB, DMODEL), lambda i: (i, 0)),
        out_shape=jax.ShapeDtypeStruct((N_TOK, DMODEL), jnp.float32),
        scratch_shapes=[pltpu.VMEM((DMODEL, EH), jnp.bfloat16)],
    )(xb, g_t, expand, k3, v_all)


@jax.jit
def kernel(x, keys_w, values, expert_sel):
    k3 = keys_w.astype(jnp.bfloat16)
    v_all = values.reshape(EH, DMODEL).astype(jnp.bfloat16)
    expand = jnp.asarray(
        np.kron(np.eye(N_EXPERTS, dtype=np.float32),
                np.ones((1, EXPERT_SIZE), dtype=np.float32)),
        dtype=jnp.bfloat16)

    sel_t = _router_logits_t(x, expert_sel)
    g_t = _route_sc(sel_t)
    return _moe_dense(x, g_t, expand, k3, v_all)

# --- scband reference (transcript-rebuilt; emitter-appended) ---
"""Pipeline reference for scband-mo-e-807453852457 (READ-ONLY COPY).

The authoritative reference and input builder live on the scoring server;
editing this copy changes nothing except your own understanding.
"""

import jax, jax.numpy as jnp
import numpy as np

DMODEL = 1024
N_EXPERTS = 16
EXPERT_SIZE = 128
N_HEADS = 2
N_TOKENS = 4096


def setup_inputs(seed: int = 0) -> dict:
    key = jax.random.key(seed)
    k1, k2, k3, k4 = jax.random.split(key, 4)
    x = jax.random.normal(k1, (N_TOKENS, DMODEL), dtype=jnp.float32)
    # keys: [n_experts, k_vec_dim, expert_size], init std = dmodel**-0.5
    keys_w = jax.random.normal(k2, (N_EXPERTS, DMODEL, EXPERT_SIZE), dtype=jnp.float32) * (DMODEL ** -0.5)
    # values: [n_experts, expert_size, v_dim]
    values = jax.random.normal(k3, (N_EXPERTS, EXPERT_SIZE, DMODEL), dtype=jnp.float32) * (EXPERT_SIZE ** -0.5)
    # expert_sel: [n_experts, k_vec_dim], init std = k_vec_dim**-0.5
    expert_sel = jax.random.normal(k4, (N_EXPERTS, DMODEL), dtype=jnp.float32) * (DMODEL ** -0.5)
    return {"x": x, "keys_w": keys_w, "values": values, "expert_sel": expert_sel}


def reference(x, keys_w, values, expert_sel):
    # selection: sel = F.linear(x, expert_sel) -> [N, n_experts]
    sel = x @ expert_sel.T
    # topk_mode='full', pick n_heads experts per token
    sel_val, sel_idx = jax.lax.top_k(sel, N_HEADS)  # [N, H]
    # gather per-selected-expert key matrices: [N, H, DMODEL, EXPERT_SIZE]
    k_sel = jnp.take(keys_w, sel_idx, axis=0)
    # expert up-projection scores: [N, H, EXPERT_SIZE]
    scores = jnp.einsum('nd,nhde->nhe', x, k_sel)
    # selection_mode='add': add expert selection score before activation (relu)
    scores = jax.nn.relu(scores + sel_val[..., None])
    # gather value matrices and down-project, summing over heads: [N, DMODEL]
    v_sel = jnp.take(values, sel_idx, axis=0)  # [N, H, EXPERT_SIZE, DMODEL]
    out = jnp.einsum('nhe,nhev->nv', scores, v_sel)
    return out

if __name__ == "__main__":
    import jax
    _d = setup_inputs()
    print(jax.jit(kernel)(*tuple(_d.values())))

</pallas_src>

<mosaic_0001>
#map = affine_map<(d0, d1) -> (0, 0)>
module attributes {stable_mosaic.version = 14 : i64} {
  func.func @_route_sc(%arg0: i32, %arg1: i32, %arg2: memref<16x4096xf32, #tpu.memory_space<hbm>>, %arg3: memref<16x4096xf32, #tpu.memory_space<hbm>>, %arg4: memref<16x128xf32, #tpu.memory_space<vmem>>, %arg5: memref<16x128xf32, #tpu.memory_space<vmem>>) attributes {dimension_semantics = [#tpu.dimension_semantics<core_parallel>, #tpu.dimension_semantics<subcore_parallel>], iteration_bounds = array<i64: 2, 16>, scalar_prefetch = 0 : i64, scratch_operands = 2 : i64, tpu.core_type = #tpu.core_type<sc_vector_subcore>, window_params = [{transform_indices = #map}, {transform_indices = #map}]} {
    %mul3A = arith.constant 2 : i32
    %mul3A_0 = arith.muli %arg1, %mul3A : i32
    %add3A = arith.addi %mul3A_0, %arg0 : i32
    %mul3A_1 = arith.constant 128 : i32
    %mul3A_2 = arith.muli %add3A, %mul3A_1 : i32
    "tpu.region"() ({
      %run_scoped3A = tpu.sem_alloc : memref<!tpu.dma_semaphore, #tpu.memory_space<semaphore_mem>>
      %dma_start3A = arith.constant 0 : i32
      %dma_start3A_2416 = tpu.memref_slice %arg2[%dma_start3A, %mul3A_2] : memref<16x4096xf32, #tpu.memory_space<hbm>> -> memref<16x128xf32, #tpu.memory_space<hbm>>
      %dma_start3A_2417 = arith.constant 0 : i32
      %dma_start3A_2418 = tpu.memref_slice %arg2[%dma_start3A_2417, %mul3A_2] : memref<16x4096xf32, #tpu.memory_space<hbm>> -> memref<16x128xf32, #tpu.memory_space<hbm>>
      tpu.enqueue_dma source(%dma_start3A_2418 : memref<16x128xf32, #tpu.memory_space<hbm>>) target(%arg4 : memref<16x128xf32, #tpu.memory_space<vmem>>) target_semaphore(%run_scoped3A : memref<!tpu.dma_semaphore, #tpu.memory_space<semaphore_mem>>)
      %dma_wait3A = arith.constant 0 : i32
      %dma_wait3A_2419 = tpu.memref_slice %arg2[%dma_wait3A, %mul3A_2] : memref<16x4096xf32, #tpu.memory_space<hbm>> -> memref<16x128xf32, #tpu.memory_space<hbm>>
      %dma_wait3A_2420 = arith.constant 0 : i32
      %dma_wait3A_2421 = tpu.memref_slice %arg2[%dma_wait3A_2420, %mul3A_2] : memref<16x4096xf32, #tpu.memory_space<hbm>> -> memref<16x128xf32, #tpu.memory_space<hbm>>
      tpu.wait_dma2 semaphore(%run_scoped3A : memref<!tpu.dma_semaphore, #tpu.memory_space<semaphore_mem>>) src(%dma_wait3A_2421 : memref<16x128xf32, #tpu.memory_space<hbm>>) dst(%arg4 : memref<16x128xf32, #tpu.memory_space<vmem>>)
      tpu.yield
    }) : () -> ()
    %broadcast_in_dim3A = arith.constant -3.000000e+38 : f32
    %broadcast_in_dim3A_3 = vector.broadcast %broadcast_in_dim3A : f32 to vector<16xf32>
    %broadcast_in_dim3A_4 = arith.constant -1.000000e+30 : f32
    %broadcast_in_dim3A_5 = vector.broadcast %broadcast_in_dim3A_4 : f32 to vector<16xf32>
    %get3A = arith.constant 0 : i32
    %get3A_6 = arith.index_cast %get3A : i32 to index
    %get3A_7 = arith.constant 0 : index
    %get3A_8 = tpu.vector_load %arg4[%get3A_6, %get3A_7] {strides = array<i32>} : memref<16x128xf32, #tpu.memory_space<vmem>>, vector<1x16xf32>,
    %get3A_9 = vector.shape_cast %get3A_8 : vector<1x16xf32> to vector<16xf32>
    %get3A_10 = arith.constant 1 : i32
    %get3A_11 = arith.index_cast %get3A_10 : i32 to index
    %get3A_12 = arith.constant 0 : index
    %get3A_13 = tpu.vector_load %arg4[%get3A_11, %get3A_12] {strides = array<i32>} : memref<16x128xf32, #tpu.memory_space<vmem>>, vector<1x16xf32>,
    %get3A_14 = vector.shape_cast %get3A_13 : vector<1x16xf32> to vector<16xf32>
    %get3A_15 = arith.constant 2 : i32
    %get3A_16 = arith.index_cast %get3A_15 : i32 to index
    %get3A_17 = arith.constant 0 : index
    %get3A_18 = tpu.vector_load %arg4[%get3A_16, %get3A_17] {strides = array<i32>} : memref<16x128xf32, #tpu.memory_space<vmem>>, vector<1x16xf32>,
    %get3A_19 = vector.shape_cast %get3A_18 : vector<1x16xf32> to vector<16xf32>
    %get3A_20 = arith.constant 3 : i32
    %get3A_21 = arith.index_cast %get3A_20 : i32 to index
    %get3A_22 = arith.constant 0 : index
    %get3A_23 = tpu.vector_load %arg4[%get3A_21, %get3A_22] {strides = array<i32>} : memref<16x128xf32, #tpu.memory_space<vmem>>, vector<1x16xf32>,
    %get3A_24 = vector.shape_cast %get3A_23 : vector<1x16xf32> to vector<16xf32>
    %get3A_25 = arith.constant 4 : i32
    %get3A_26 = arith.index_cast %get3A_25 : i32 to index
    %get3A_27 = arith.constant 0 : index
    %get3A_28 = tpu.vector_load %arg4[%get3A_26, %get3A_27] {strides = array<i32>} : memref<16x128xf32, #tpu.memory_space<vmem>>, vector<1x16xf32>,
    %get3A_29 = vector.shape_cast %get3A_28 : vector<1x16xf32> to vector<16xf32>
    %get3A_30 = arith.constant 5 : i32
    %get3A_31 = arith.index_cast %get3A_30 : i32 to index
    %get3A_32 = arith.constant 0 : index
    %get3A_33 = tpu.vector_load %arg4[%get3A_31, %get3A_32] {strides = array<i32>} : memref<16x128xf32, #tpu.memory_space<vmem>>, vector<1x16xf32>,
    %get3A_34 = vector.shape_cast %get3A_33 : vector<1x16xf32> to vector<16xf32>
    %get3A_35 = arith.constant 6 : i32
    %get3A_36 = arith.index_cast %get3A_35 : i32 to index
    %get3A_37 = arith.constant 0 : index
    %get3A_38 = tpu.vector_load %arg4[%get3A_36, %get3A_37] {strides = array<i32>} : memref<16x128xf32, #tpu.memory_space<vmem>>, vector<1x16xf32>,
    %get3A_39 = vector.shape_cast %get3A_38 : vector<1x16xf32> to vector<16xf32>
    %get3A_40 = arith.constant 7 : i32
    %get3A_41 = arith.index_cast %get3A_40 : i32 to index
    %get3A_42 = arith.constant 0 : index
    %get3A_43 = tpu.vector_load %arg4[%get3A_41, %get3A_42] {strides = array<i32>} : memref<16x128xf32, #tpu.memory_space<vmem>>, vector<1x16xf32>,
    %get3A_44 = vector.shape_cast %get3A_43 : vector<1x16xf32> to vector<16xf32>
    %get3A_45 = arith.constant 8 : i32
    %get3A_46 = arith.index_cast %get3A_45 : i32 to index
    %get3A_47 = arith.constant 0 : index
    %get3A_48 = tpu.vector_load %arg4[%get3A_46, %get3A_47] {strides = array<i32>} : memref<16x128xf32, #tpu.memory_space<vmem>>, vector<1x16xf32>,
    %get3A_49 = vector.shape_cast %get3A_48 : vector<1x16xf32> to vector<16xf32>
    %get3A_50 = arith.constant 9 : i32
    %get3A_51 = arith.index_cast %get3A_50 : i32 to index
    %get3A_52 = arith.constant 0 : index
    %get3A_53 = tpu.vector_load %arg4[%get3A_51, %get3A_52] {strides = array<i32>} : memref<16x128xf32, #tpu.memory_space<vmem>>, vector<1x16xf32>,
    %get3A_54 = vector.shape_cast %get3A_53 : vector<1x16xf32> to vector<16xf32>
    %get3A_55 = arith.constant 10 : i32
    %get3A_56 = arith.index_cast %get3A_55 : i32 to index
    %get3A_57 = arith.constant 0 : index
    %get3A_58 = tpu.vector_load %arg4[%get3A_56, %get3A_57] {strides = array<i32>} : memref<16x128xf32, #tpu.memory_space<vmem>>, vector<1x16xf32>,
    %get3A_59 = vector.shape_cast %get3A_58 : vector<1x16xf32> to vector<16xf32>
    %get3A_60 = arith.constant 11 : i32
    %get3A_61 = arith.index_cast %get3A_60 : i32 to index
    %get3A_62 = arith.constant 0 : index
    %get3A_63 = tpu.vector_load %arg4[%get3A_61, %get3A_62] {strides = array<i32>} : memref<16x128xf32, #tpu.memory_space<vmem>>, vector<1x16xf32>,
    %get3A_64 = vector.shape_cast %get3A_63 : vector<1x16xf32> to vector<16xf32>
    %get3A_65 = arith.constant 12 : i32
    %get3A_66 = arith.index_cast %get3A_65 : i32 to index
    %get3A_67 = arith.constant 0 : index
    %get3A_68 = tpu.vector_load %arg4[%get3A_66, %get3A_67] {strides = array<i32>} : memref<16x128xf32, #tpu.memory_space<vmem>>, vector<1x16xf32>,
    %get3A_69 = vector.shape_cast %get3A_68 : vector<1x16xf32> to vector<16xf32>
    %get3A_70 = arith.constant 13 : i32
    %get3A_71 = arith.index_cast %get3A_70 : i32 to index
    %get3A_72 = arith.constant 0 : index
    %get3A_73 = tpu.vector_load %arg4[%get3A_71, %get3A_72] {strides = array<i32>} : memref<16x128xf32, #tpu.memory_space<vmem>>, vector<1x16xf32>,
    %get3A_74 = vector.shape_cast %get3A_73 : vector<1x16xf32> to vector<16xf32>
    %get3A_75 = arith.constant 14 : i32
    %get3A_76 = arith.index_cast %get3A_75 : i32 to index
    %get3A_77 = arith.constant 0 : index
    %get3A_78 = tpu.vector_load %arg4[%get3A_76, %get3A_77] {strides = array<i32>} : memref<16x128xf32, #tpu.memory_space<vmem>>, vector<1x16xf32>,
    %get3A_79 = vector.shape_cast %get3A_78 : vector<1x16xf32> to vector<16xf32>
    %get3A_80 = arith.constant 15 : i32
    %get3A_81 = arith.index_cast %get3A_80 : i32 to index
    %get3A_82 = arith.constant 0 : index
    %get3A_83 = tpu.vector_load %arg4[%get3A_81, %get3A_82] {strides = array<i32>} : memref<16x128xf32, #tpu.memory_space<vmem>>, vector<1x16xf32>,
    %get3A_84 = vector.shape_cast %get3A_83 : vector<1x16xf32> to vector<16xf32>
    %max3A = arith.maximumf %get3A_9, %get3A_14 : vector<16xf32>
    %max3A_85 = arith.maximumf %get3A_19, %get3A_24 : vector<16xf32>
    %max3A_86 = arith.maximumf %get3A_29, %get3A_34 : vector<16xf32>
    %max3A_87 = arith.maximumf %get3A_39, %get3A_44 : vector<16xf32>
    %max3A_88 = arith.maximumf %get3A_49, %get3A_54 : vector<16xf32>
    %max3A_89 = arith.maximumf %get3A_59, %get3A_64 : vector<16xf32>
    %max3A_90 = arith.maximumf %get3A_69, %get3A_74 : vector<16xf32>
    %max3A_91 = arith.maximumf %get3A_79, %get3A_84 : vector<16xf32>
    %max3A_92 = arith.maximumf %max3A, %max3A_85 : vector<16xf32>
    %max3A_93 = arith.maximumf %max3A_86, %max3A_87 : vector<16xf32>
    %max3A_94 = arith.maximumf %max3A_88, %max3A_89 : vector<16xf32>
    %max3A_95 = arith.maximumf %max3A_90, %max3A_91 : vector<16xf32>
    %max3A_96 = arith.maximumf %max3A_92, %max3A_93 : vector<16xf32>
    %max3A_97 = arith.maximumf %max3A_94, %max3A_95 : vector<16xf32>
    %max3A_98 = arith.maximumf %max3A_96, %max3A_97 : vector<16xf32>
    %eq3A = arith.cmpf oeq, %get3A_9, %max3A_98 : vector<16xf32>
    %select_n3A = arith.select %eq3A, %broadcast_in_dim3A_3, %get3A_9 : vector<16xi1>, vector<16xf32>
    %eq3A_99 = arith.cmpf oeq, %get3A_14, %max3A_98 : vector<16xf32>
    %select_n3A_100 = arith.select %eq3A_99, %broadcast_in_dim3A_3, %get3A_14 : vector<16xi1>, vector<16xf32>
    %eq3A_101 = arith.cmpf oeq, %get3A_19, %max3A_98 : vector<16xf32>
    %select_n3A_102 = arith.select %eq3A_101, %broadcast_in_dim3A_3, %get3A_19 : vector<16xi1>, vector<16xf32>
    %eq3A_103 = arith.cmpf oeq, %get3A_24, %max3A_98 : vector<16xf32>
    %select_n3A_104 = arith.select %eq3A_103, %broadcast_in_dim3A_3, %get3A_24 : vector<16xi1>, vector<16xf32>
    %eq3A_105 = arith.cmpf oeq, %get3A_29, %max3A_98 : vector<16xf32>
    %select_n3A_106 = arith.select %eq3A_105, %broadcast_in_dim3A_3, %get3A_29 : vector<16xi1>, vector<16xf32>
    %eq3A_107 = arith.cmpf oeq, %get3A_34, %max3A_98 : vector<16xf32>
    %select_n3A_108 = arith.select %eq3A_107, %broadcast_in_dim3A_3, %get3A_34 : vector<16xi1>, vector<16xf32>
    %eq3A_109 = arith.cmpf oeq, %get3A_39, %max3A_98 : vector<16xf32>
    %select_n3A_110 = arith.select %eq3A_109, %broadcast_in_dim3A_3, %get3A_39 : vector<16xi1>, vector<16xf32>
    %eq3A_111 = arith.cmpf oeq, %get3A_44, %max3A_98 : vector<16xf32>
    %select_n3A_112 = arith.select %eq3A_111, %broadcast_in_dim3A_3, %get3A_44 : vector<16xi1>, vector<16xf32>
    %eq3A_113 = arith.cmpf oeq, %get3A_49, %max3A_98 : vector<16xf32>
    %select_n3A_114 = arith.select %eq3A_113, %broadcast_in_dim3A_3, %get3A_49 : vector<16xi1>, vector<16xf32>
    %eq3A_115 = arith.cmpf oeq, %get3A_54, %max3A_98 : vector<16xf32>
    %select_n3A_116 = arith.select %eq3A_115, %broadcast_in_dim3A_3, %get3A_54 : vector<16xi1>, vector<16xf32>
    %eq3A_117 = arith.cmpf oeq, %get3A_59, %max3A_98 : vector<16xf32>
    %select_n3A_118 = arith.select %eq3A_117, %broadcast_in_dim3A_3, %get3A_59 : vector<16xi1>, vector<16xf32>
    %eq3A_119 = arith.cmpf oeq, %get3A_64, %max3A_98 : vector<16xf32>
    %select_n3A_120 = arith.select %eq3A_119, %broadcast_in_dim3A_3, %get3A_64 : vector<16xi1>, vector<16xf32>
    %eq3A_121 = arith.cmpf oeq, %get3A_69, %max3A_98 : vector<16xf32>
    %select_n3A_122 = arith.select %eq3A_121, %broadcast_in_dim3A_3, %get3A_69 : vector<16xi1>, vector<16xf32>
    %eq3A_123 = arith.cmpf oeq, %get3A_74, %max3A_98 : vector<16xf32>
    %select_n3A_124 = arith.select %eq3A_123, %broadcast_in_dim3A_3, %get3A_74 : vector<16xi1>, vector<16xf32>
    %eq3A_125 = arith.cmpf oeq, %get3A_79, %max3A_98 : vector<16xf32>
    %select_n3A_126 = arith.select %eq3A_125, %broadcast_in_dim3A_3, %get3A_79 : vector<16xi1>, vector<16xf32>
    %eq3A_127 = arith.cmpf oeq, %get3A_84, %max3A_98 : vector<16xf32>
    %select_n3A_128 = arith.select %eq3A_127, %broadcast_in_dim3A_3, %get3A_84 : vector<16xi1>, vector<16xf32>
    %max3A_129 = arith.maximumf %select_n3A, %select_n3A_100 : vector<16xf32>
    %max3A_130 = arith.maximumf %select_n3A_102, %select_n3A_104 : vector<16xf32>
    %max3A_131 = arith.maximumf %select_n3A_106, %select_n3A_108 : vector<16xf32>
    %max3A_132 = arith.maximumf %select_n3A_110, %select_n3A_112 : vector<16xf32>
    %max3A_133 = arith.maximumf %select_n3A_114, %select_n3A_116 : vector<16xf32>
    %max3A_134 = arith.maximumf %select_n3A_118, %select_n3A_120 : vector<16xf32>
    %max3A_135 = arith.maximumf %select_n3A_122, %select_n3A_124 : vector<16xf32>
    %max3A_136 = arith.maximumf %select_n3A_126, %select_n3A_128 : vector<16xf32>
    %max3A_137 = arith.maximumf %max3A_129, %max3A_130 : vector<16xf32>
    %max3A_138 = arith.maximumf %max3A_131, %max3A_132 : vector<16xf32>
    %max3A_139 = arith.maximumf %max3A_133, %max3A_134 : vector<16xf32>
    %max3A_140 = arith.maximumf %max3A_135, %max3A_136 : vector<16xf32>
    %max3A_141 = arith.maximumf %max3A_137, %max3A_138 : vector<16xf32>
    %max3A_142 = arith.maximumf %max3A_139, %max3A_140 : vector<16xf32>
    %max3A_143 = arith.maximumf %max3A_141, %max3A_142 : vector<16xf32>
    %eq3A_144 = arith.cmpf oeq, %get3A_9, %max3A_98 : vector<16xf32>
    %eq3A_145 = arith.cmpf oeq, %get3A_9, %max3A_143 : vector<16xf32>
    %or3A = arith.ori %eq3A_144, %eq3A_145 : vector<16xi1>
    %select_n3A_146 = arith.select %or3A, %get3A_9, %broadcast_in_dim3A_5 : vector<16xi1>, vector<16xf32>
    %swap3A = arith.constant 0 : i32
    %swap3A_147 = arith.index_cast %swap3A : i32 to index
    %swap3A_148 = arith.constant 0 : index
    %swap3A_149 = tpu.vector_load %arg5[%swap3A_147, %swap3A_148] {strides = array<i32>} : memref<16x128xf32, #tpu.memory_space<vmem>>, vector<1x16xf32>,
    %swap3A_150 = vector.shape_cast %swap3A_149 : vector<1x16xf32> to vector<16xf32>
    %swap3A_151 = vector.shape_cast %select_n3A_146 : vector<16xf32> to vector<1x16xf32>
    tpu.vector_store %arg5[%swap3A_147, %swap3A_148], %swap3A_151 {strides = array<i32>} : memref<16x128xf32, #tpu.memory_space<vmem>>, vector<1x16xf32>,
    %eq3A_152 = arith.cmpf oeq, %get3A_14, %max3A_98 : vector<16xf32>
    %eq3A_153 = arith.cmpf oeq, %get3A_14, %max3A_143 : vector<16xf32>
    %or3A_154 = arith.ori %eq3A_152, %eq3A_153 : vector<16xi1>
    %select_n3A_155 = arith.select %or3A_154, %get3A_14, %broadcast_in_dim3A_5 : vector<16xi1>, vector<16xf32>
    %swap3A_156 = arith.constant 1 : i32
    %swap3A_157 = arith.index_cast %swap3A_156 : i32 to index
    %swap3A_158 = arith.constant 0 : index
    %swap3A_159 = tpu.vector_load %arg5[%swap3A_157, %swap3A_158] {strides = array<i32>} : memref<16x128xf32, #tpu.memory_space<vmem>>, vector<1x16xf32>,
    %swap3A_160 = vector.shape_cast %swap3A_159 : vector<1x16xf32> to vector<16xf32>
    %swap3A_161 = vector.shape_cast %select_n3A_155 : vector<16xf32> to vector<1x16xf32>
    tpu.vector_store %arg5[%swap3A_157, %swap3A_158], %swap3A_161 {strides = array<i32>} : memref<16x128xf32, #tpu.memory_space<vmem>>, vector<1x16xf32>,
    %eq3A_162 = arith.cmpf oeq, %get3A_19, %max3A_98 : vector<16xf32>
    %eq3A_163 = arith.cmpf oeq, %get3A_19, %max3A_143 : vector<16xf32>
    %or3A_164 = arith.ori %eq3A_162, %eq3A_163 : vector<16xi1>
    %select_n3A_165 = arith.select %or3A_164, %get3A_19, %broadcast_in_dim3A_5 : vector<16xi1>, vector<16xf32>
    %swap3A_166 = arith.constant 2 : i32
    %swap3A_167 = arith.index_cast %swap3A_166 : i32 to index
    %swap3A_168 = arith.constant 0 : index
    %swap3A_169 = tpu.vector_load %arg5[%swap3A_167, %swap3A_168] {strides = array<i32>} : memref<16x128xf32, #tpu.memory_space<vmem>>, vector<1x16xf32>,
    %swap3A_170 = vector.shape_cast %swap3A_169 : vector<1x16xf32> to vector<16xf32>
    %swap3A_171 = vector.shape_cast %select_n3A_165 : vector<16xf32> to vector<1x16xf32>
    tpu.vector_store %arg5[%swap3A_167, %swap3A_168], %swap3A_171 {strides = array<i32>} : memref<16x128xf32, #tpu.memory_space<vmem>>, vector<1x16xf32>,
    %eq3A_172 = arith.cmpf oeq, %get3A_24, %max3A_98 : vector<16xf32>
    %eq3A_173 = arith.cmpf oeq, %get3A_24, %max3A_143 : vector<16xf32>
    %or3A_174 = arith.ori %eq3A_172, %eq3A_173 : vector<16xi1>
    %select_n3A_175 = arith.select %or3A_174, %get3A_24, %broadcast_in_dim3A_5 : vector<16xi1>, vector<16xf32>
    %swap3A_176 = arith.constant 3 : i32
    %swap3A_177 = arith.index_cast %swap3A_176 : i32 to index
    %swap3A_178 = arith.constant 0 : index
    %swap3A_179 = tpu.vector_load %arg5[%swap3A_177, %swap3A_178] {strides = array<i32>} : memref<16x128xf32, #tpu.memory_space<vmem>>, vector<1x16xf32>,
    %swap3A_180 = vector.shape_cast %swap3A_179 : vector<1x16xf32> to vector<16xf32>
    %swap3A_181 = vector.shape_cast %select_n3A_175 : vector<16xf32> to vector<1x16xf32>
    tpu.vector_store %arg5[%swap3A_177, %swap3A_178], %swap3A_181 {strides = array<i32>} : memref<16x128xf32, #tpu.memory_space<vmem>>, vector<1x16xf32>,
    %eq3A_182 = arith.cmpf oeq, %get3A_29, %max3A_98 : vector<16xf32>
    %eq3A_183 = arith.cmpf oeq, %get3A_29, %max3A_143 : vector<16xf32>
    %or3A_184 = arith.ori %eq3A_182, %eq3A_183 : vector<16xi1>
    %select_n3A_185 = arith.select %or3A_184, %get3A_29, %broadcast_in_dim3A_5 : vector<16xi1>, vector<16xf32>
    %swap3A_186 = arith.constant 4 : i32
    %swap3A_187 = arith.index_cast %swap3A_186 : i32 to index
    %swap3A_188 = arith.constant 0 : index
    %swap3A_189 = tpu.vector_load %arg5[%swap3A_187, %swap3A_188] {strides = array<i32>} : memref<16x128xf32, #tpu.memory_space<vmem>>, vector<1x16xf32>,
    %swap3A_190 = vector.shape_cast %swap3A_189 : vector<1x16xf32> to vector<16xf32>
    %swap3A_191 = vector.shape_cast %select_n3A_185 : vector<16xf32> to vector<1x16xf32>
    tpu.vector_store %arg5[%swap3A_187, %swap3A_188], %swap3A_191 {strides = array<i32>} : memref<16x128xf32, #tpu.memory_space<vmem>>, vector<1x16xf32>,
    %eq3A_192 = arith.cmpf oeq, %get3A_34, %max3A_98 : vector<16xf32>
    %eq3A_193 = arith.cmpf oeq, %get3A_34, %max3A_143 : vector<16xf32>
    %or3A_194 = arith.ori %eq3A_192, %eq3A_193 : vector<16xi1>
    %select_n3A_195 = arith.select %or3A_194, %get3A_34, %broadcast_in_dim3A_5 : vector<16xi1>, vector<16xf32>
    %swap3A_196 = arith.constant 5 : i32
    %swap3A_197 = arith.index_cast %swap3A_196 : i32 to index
    %swap3A_198 = arith.constant 0 : index
    %swap3A_199 = tpu.vector_load %arg5[%swap3A_197, %swap3A_198] {strides = array<i32>} : memref<16x128xf32, #tpu.memory_space<vmem>>, vector<1x16xf32>,
    %swap3A_200 = vector.shape_cast %swap3A_199 : vector<1x16xf32> to vector<16xf32>
    %swap3A_201 = vector.shape_cast %select_n3A_195 : vector<16xf32> to vector<1x16xf32>
    tpu.vector_store %arg5[%swap3A_197, %swap3A_198], %swap3A_201 {strides = array<i32>} : memref<16x128xf32, #tpu.memory_space<vmem>>, vector<1x16xf32>,
    %eq3A_202 = arith.cmpf oeq, %get3A_39, %max3A_98 : vector<16xf32>
    %eq3A_203 = arith.cmpf oeq, %get3A_39, %max3A_143 : vector<16xf32>
    %or3A_204 = arith.ori %eq3A_202, %eq3A_203 : vector<16xi1>
    %select_n3A_205 = arith.select %or3A_204, %get3A_39, %broadcast_in_dim3A_5 : vector<16xi1>, vector<16xf32>
    %swap3A_206 = arith.constant 6 : i32
    %swap3A_207 = arith.index_cast %swap3A_206 : i32 to index
    %swap3A_208 = arith.constant 0 : index
    %swap3A_209 = tpu.vector_load %arg5[%swap3A_207, %swap3A_208] {strides = array<i32>} : memref<16x128xf32, #tpu.memory_space<vmem>>, vector<1x16xf32>,
    %swap3A_210 = vector.shape_cast %swap3A_209 : vector<1x16xf32> to vector<16xf32>
    %swap3A_211 = vector.shape_cast %select_n3A_205 : vector<16xf32> to vector<1x16xf32>
    tpu.vector_store %arg5[%swap3A_207, %swap3A_208], %swap3A_211 {strides = array<i32>} : memref<16x128xf32, #tpu.memory_space<vmem>>, vector<1x16xf32>,
    %eq3A_212 = arith.cmpf oeq, %get3A_44, %max3A_98 : vector<16xf32>
    %eq3A_213 = arith.cmpf oeq, %get3A_44, %max3A_143 : vector<16xf32>
    %or3A_214 = arith.ori %eq3A_212, %eq3A_213 : vector<16xi1>
    %select_n3A_215 = arith.select %or3A_214, %get3A_44, %broadcast_in_dim3A_5 : vector<16xi1>, vector<16xf32>
    %swap3A_216 = arith.constant 7 : i32
    %swap3A_217 = arith.index_cast %swap3A_216 : i32 to index
    %swap3A_218 = arith.constant 0 : index
    %swap3A_219 = tpu.vector_load %arg5[%swap3A_217, %swap3A_218] {strides = array<i32>} : memref<16x128xf32, #tpu.memory_space<vmem>>, vector<1x16xf32>,
    %swap3A_220 = vector.shape_cast %swap3A_219 : vector<1x16xf32> to vector<16xf32>
    %swap3A_221 = vector.shape_cast %select_n3A_215 : vector<16xf32> to vector<1x16xf32>
    tpu.vector_store %arg5[%swap3A_217, %swap3A_218], %swap3A_221 {strides = array<i32>} : memref<16x128xf32, #tpu.memory_space<vmem>>, vector<1x16xf32>,
    %eq3A_222 = arith.cmpf oeq, %get3A_49, %max3A_98 : vector<16xf32>
    %eq3A_223 = arith.cmpf oeq, %get3A_49, %max3A_143 : vector<16xf32>
    %or3A_224 = arith.ori %eq3A_222, %eq3A_223 : vector<16xi1>
    %select_n3A_225 = arith.select %or3A_224, %get3A_49, %broadcast_in_dim3A_5 : vector<16xi1>, vector<16xf32>
    %swap3A_226 = arith.constant 8 : i32
    %swap3A_227 = arith.index_cast %swap3A_226 : i32 to index
    %swap3A_228 = arith.constant 0 : index
    %swap3A_229 = tpu.vector_load %arg5[%swap3A_227, %swap3A_228] {strides = array<i32>} : memref<16x128xf32, #tpu.memory_space<vmem>>, vector<1x16xf32>,
    %swap3A_230 = vector.shape_cast %swap3A_229 : vector<1x16xf32> to vector<16xf32>
    %swap3A_231 = vector.shape_cast %select_n3A_225 : vector<16xf32> to vector<1x16xf32>
    tpu.vector_store %arg5[%swap3A_227, %swap3A_228], %swap3A_231 {strides = array<i32>} : memref<16x128xf32, #tpu.memory_space<vmem>>, vector<1x16xf32>,
    %eq3A_232 = arith.cmpf oeq, %get3A_54, %max3A_98 : vector<16xf32>
    %eq3A_233 = arith.cmpf oeq, %get3A_54, %max3A_143 : vector<16xf32>
    %or3A_234 = arith.ori %eq3A_232, %eq3A_233 : vector<16xi1>
    %select_n3A_235 = arith.select %or3A_234, %get3A_54, %broadcast_in_dim3A_5 : vector<16xi1>, vector<16xf32>
    %swap3A_236 = arith.constant 9 : i32
    %swap3A_237 = arith.index_cast %swap3A_236 : i32 to index
    %swap3A_238 = arith.constant 0 : index
    %swap3A_239 = tpu.vector_load %arg5[%swap3A_237, %swap3A_238] {strides = array<i32>} : memref<16x128xf32, #tpu.memory_space<vmem>>, vector<1x16xf32>,
    %swap3A_240 = vector.shape_cast %swap3A_239 : vector<1x16xf32> to vector<16xf32>
    %swap3A_241 = vector.shape_cast %select_n3A_235 : vector<16xf32> to vector<1x16xf32>
    tpu.vector_store %arg5[%swap3A_237, %swap3A_238], %swap3A_241 {strides = array<i32>} : memref<16x128xf32, #tpu.memory_space<vmem>>, vector<1x16xf32>,
    %eq3A_242 = arith.cmpf oeq, %get3A_59, %max3A_98 : vector<16xf32>
    %eq3A_243 = arith.cmpf oeq, %get3A_59, %max3A_143 : vector<16xf32>
    %or3A_244 = arith.ori %eq3A_242, %eq3A_243 : vector<16xi1>
    %select_n3A_245 = arith.select %or3A_244, %get3A_59, %broadcast_in_dim3A_5 : vector<16xi1>, vector<16xf32>
    %swap3A_246 = arith.constant 10 : i32
    %swap3A_247 = arith.index_cast %swap3A_246 : i32 to index
    %swap3A_248 = arith.constant 0 : index
    %swap3A_249 = tpu.vector_load %arg5[%swap3A_247, %swap3A_248] {strides = array<i32>} : memref<16x128xf32, #tpu.memory_space<vmem>>, vector<1x16xf32>,
    %swap3A_250 = vector.shape_cast %swap3A_249 : vector<1x16xf32> to vector<16xf32>
    %swap3A_251 = vector.shape_cast %select_n3A_245 : vector<16xf32> to vector<1x16xf32>
    tpu.vector_store %arg5[%swap3A_247, %swap3A_248], %swap3A_251 {strides = array<i32>} : memref<16x128xf32, #tpu.memory_space<vmem>>, vector<1x16xf32>,
    %eq3A_252 = arith.cmpf oeq, %get3A_64, %max3A_98 : vector<16xf32>
    %eq3A_253 = arith.cmpf oeq, %get3A_64, %max3A_143 : vector<16xf32>
    %or3A_254 = arith.ori %eq3A_252, %eq3A_253 : vector<16xi1>
    %select_n3A_255 = arith.select %or3A_254, %get3A_64, %broadcast_in_dim3A_5 : vector<16xi1>, vector<16xf32>
    %swap3A_256 = arith.constant 11 : i32
    %swap3A_257 = arith.index_cast %swap3A_256 : i32 to index
    %swap3A_258 = arith.constant 0 : index
    %swap3A_259 = tpu.vector_load %arg5[%swap3A_257, %swap3A_258] {strides = array<i32>} : memref<16x128xf32, #tpu.memory_space<vmem>>, vector<1x16xf32>,
    %swap3A_260 = vector.shape_cast %swap3A_259 : vector<1x16xf32> to vector<16xf32>
    %swap3A_261 = vector.shape_cast %select_n3A_255 : vector<16xf32> to vector<1x16xf32>
    tpu.vector_store %arg5[%swap3A_257, %swap3A_258], %swap3A_261 {strides = array<i32>} : memref<16x128xf32, #tpu.memory_space<vmem>>, vector<1x16xf32>,
    %eq3A_262 = arith.cmpf oeq, %get3A_69, %max3A_98 : vector<16xf32>
    %eq3A_263 = arith.cmpf oeq, %get3A_69, %max3A_143 : vector<16xf32>
    %or3A_264 = arith.ori %eq3A_262, %eq3A_263 : vector<16xi1>
    %select_n3A_265 = arith.select %or3A_264, %get3A_69, %broadcast_in_dim3A_5 : vector<16xi1>, vector<16xf32>
    %swap3A_266 = arith.constant 12 : i32
    %swap3A_267 = arith.index_cast %swap3A_266 : i32 to index
    %swap3A_268 = arith.constant 0 : index
    %swap3A_269 = tpu.vector_load %arg5[%swap3A_267, %swap3A_268] {strides = array<i32>} : memref<16x128xf32, #tpu.memory_space<vmem>>, vector<1x16xf32>,
    %swap3A_270 = vector.shape_cast %swap3A_269 : vector<1x16xf32> to vector<16xf32>
    %swap3A_271 = vector.shape_cast %select_n3A_265 : vector<16xf32> to vector<1x16xf32>
    tpu.vector_store %arg5[%swap3A_267, %swap3A_268], %swap3A_271 {strides = array<i32>} : memref<16x128xf32, #tpu.memory_space<vmem>>, vector<1x16xf32>,
    %eq3A_272 = arith.cmpf oeq, %get3A_74, %max3A_98 : vector<16xf32>
    %eq3A_273 = arith.cmpf oeq, %get3A_74, %max3A_143 : vector<16xf32>
    %or3A_274 = arith.ori %eq3A_272, %eq3A_273 : vector<16xi1>
    %select_n3A_275 = arith.select %or3A_274, %get3A_74, %broadcast_in_dim3A_5 : vector<16xi1>, vector<16xf32>
    %swap3A_276 = arith.constant 13 : i32
    %swap3A_277 = arith.index_cast %swap3A_276 : i32 to index
    %swap3A_278 = arith.constant 0 : index
    %swap3A_279 = tpu.vector_load %arg5[%swap3A_277, %swap3A_278] {strides = array<i32>} : memref<16x128xf32, #tpu.memory_space<vmem>>, vector<1x16xf32>,
    %swap3A_280 = vector.shape_cast %swap3A_279 : vector<1x16xf32> to vector<16xf32>
    %swap3A_281 = vector.shape_cast %select_n3A_275 : vector<16xf32> to vector<1x16xf32>
    tpu.vector_store %arg5[%swap3A_277, %swap3A_278], %swap3A_281 {strides = array<i32>} : memref<16x128xf32, #tpu.memory_space<vmem>>, vector<1x16xf32>,
    %eq3A_282 = arith.cmpf oeq, %get3A_79, %max3A_98 : vector<16xf32>
    %eq3A_283 = arith.cmpf oeq, %get3A_79, %max3A_143 : vector<16xf32>
    %or3A_284 = arith.ori %eq3A_282, %eq3A_283 : vector<16xi1>
    %select_n3A_285 = arith.select %or3A_284, %get3A_79, %broadcast_in_dim3A_5 : vector<16xi1>, vector<16xf32>
    %swap3A_286 = arith.constant 14 : i32
    %swap3A_287 = arith.index_cast %swap3A_286 : i32 to index
    %swap3A_288 = arith.constant 0 : index
    %swap3A_289 = tpu.vector_load %arg5[%swap3A_287, %swap3A_288] {strides = array<i32>} : memref<16x128xf32, #tpu.memory_space<vmem>>, vector<1x16xf32>,
    %swap3A_290 = vector.shape_cast %swap3A_289 : vector<1x16xf32> to vector<16xf32>
    %swap3A_291 = vector.shape_cast %select_n3A_285 : vector<16xf32> to vector<1x16xf32>
    tpu.vector_store %arg5[%swap3A_287, %swap3A_288], %swap3A_291 {strides = array<i32>} : memref<16x128xf32, #tpu.memory_space<vmem>>, vector<1x16xf32>,
    %eq3A_292 = arith.cmpf oeq, %get3A_84, %max3A_98 : vector<16xf32>
    %eq3A_293 = arith.cmpf oeq, %get3A_84, %max3A_143 : vector<16xf32>
    %or3A_294 = arith.ori %eq3A_292, %eq3A_293 : vector<16xi1>
    %select_n3A_295 = arith.select %or3A_294, %get3A_84, %broadcast_in_dim3A_5 : vector<16xi1>, vector<16xf32>
    %swap3A_296 = arith.constant 15 : i32
    %swap3A_297 = arith.index_cast %swap3A_296 : i32 to index
    %swap3A_298 = arith.constant 0 : index
    %swap3A_299 = tpu.vector_load %arg5[%swap3A_297, %swap3A_298] {strides = array<i32>} : memref<16x128xf32, #tpu.memory_space<vmem>>, vector<1x16xf32>,
    %swap3A_300 = vector.shape_cast %swap3A_299 : vector<1x16xf32> to vector<16xf32>
    %swap3A_301 = vector.shape_cast %select_n3A_295 : vector<16xf32> to vector<1x16xf32>
    tpu.vector_store %arg5[%swap3A_297, %swap3A_298], %swap3A_301 {strides = array<i32>} : memref<16x128xf32, #tpu.memory_space<vmem>>, vector<1x16xf32>,
    %get3A_302 = arith.constant 0 : i32
    %get3A_303 = arith.index_cast %get3A_302 : i32 to index
    %get3A_304 = arith.constant 16 : index
    %get3A_305 = tpu.vector_load %arg4[%get3A_303, %get3A_304] {strides = array<i32>} : memref<16x128xf32, #tpu.memory_space<vmem>>, vector<1x16xf32>,
    %get3A_306 = vector.shape_cast %get3A_305 : vector<1x16xf32> to vector<16xf32>
    %get3A_307 = arith.constant 1 : i32
    %get3A_308 = arith.index_cast %get3A_307 : i32 to index
    %get3A_309 = arith.constant 16 : index
    %get3A_310 = tpu.vector_load %arg4[%get3A_308, %get3A_309] {strides = array<i32>} : memref<16x128xf32, #tpu.memory_space<vmem>>, vector<1x16xf32>,
    %get3A_311 = vector.shape_cast %get3A_310 : vector<1x16xf32> to vector<16xf32>
    %get3A_312 = arith.constant 2 : i32
    %get3A_313 = arith.index_cast %get3A_312 : i32 to index
    %get3A_314 = arith.constant 16 : index
    %get3A_315 = tpu.vector_load %arg4[%get3A_313, %get3A_314] {strides = array<i32>} : memref<16x128xf32, #tpu.memory_space<vmem>>, vector<1x16xf32>,
    %get3A_316 = vector.shape_cast %get3A_315 : vector<1x16xf32> to vector<16xf32>
    %get3A_317 = arith.constant 3 : i32
    %get3A_318 = arith.index_cast %get3A_317 : i32 to index
    %get3A_319 = arith.constant 16 : index
    %get3A_320 = tpu.vector_load %arg4[%get3A_318, %get3A_319] {strides = array<i32>} : memref<16x128xf32, #tpu.memory_space<vmem>>, vector<1x16xf32>,
    %get3A_321 = vector.shape_cast %get3A_320 : vector<1x16xf32> to vector<16xf32>
    %get3A_322 = arith.constant 4 : i32
    %get3A_323 = arith.index_cast %get3A_322 : i32 to index
    %get3A_324 = arith.constant 16 : index
    %get3A_325 = tpu.vector_load %arg4[%get3A_323, %get3A_324] {strides = array<i32>} : memref<16x128xf32, #tpu.memory_space<vmem>>, vector<1x16xf32>,
    %get3A_326 = vector.shape_cast %get3A_325 : vector<1x16xf32> to vector<16xf32>
    %get3A_327 = arith.constant 5 : i32
    %get3A_328 = arith.index_cast %get3A_327 : i32 to index
    %get3A_329 = arith.constant 16 : index
    %get3A_330 = tpu.vector_load %arg4[%get3A_328, %get3A_329] {strides = array<i32>} : memref<16x128xf32, #tpu.memory_space<vmem>>, vector<1x16xf32>,
    %get3A_331 = vector.shape_cast %get3A_330 : vector<1x16xf32> to vector<16xf32>
    %get3A_332 = arith.constant 6 : i32
    %get3A_333 = arith.index_cast %get3A_332 : i32 to index
    %get3A_334 = arith.constant 16 : index
    %get3A_335 = tpu.vector_load %arg4[%get3A_333, %get3A_334] {strides = array<i32>} : memref<16x128xf32, #tpu.memory_space<vmem>>, vector<1x16xf32>,
    %get3A_336 = vector.shape_cast %get3A_335 : vector<1x16xf32> to vector<16xf32>
    %get3A_337 = arith.constant 7 : i32
    %get3A_338 = arith.index_cast %get3A_337 : i32 to index
    %get3A_339 = arith.constant 16 : index
    %get3A_340 = tpu.vector_load %arg4[%get3A_338, %get3A_339] {strides = array<i32>} : memref<16x128xf32, #tpu.memory_space<vmem>>, vector<1x16xf32>,
    %get3A_341 = vector.shape_cast %get3A_340 : vector<1x16xf32> to vector<16xf32>
    %get3A_342 = arith.constant 8 : i32
    %get3A_343 = arith.index_cast %get3A_342 : i32 to index
    %get3A_344 = arith.constant 16 : index
    %get3A_345 = tpu.vector_load %arg4[%get3A_343, %get3A_344] {strides = array<i32>} : memref<16x128xf32, #tpu.memory_space<vmem>>, vector<1x16xf32>,
    %get3A_346 = vector.shape_cast %get3A_345 : vector<1x16xf32> to vector<16xf32>
    %get3A_347 = arith.constant 9 : i32
    %get3A_348 = arith.index_cast %get3A_347 : i32 to index
    %get3A_349 = arith.constant 16 : index
    %get3A_350 = tpu.vector_load %arg4[%get3A_348, %get3A_349] {strides = array<i32>} : memref<16x128xf32, #tpu.memory_space<vmem>>, vector<1x16xf32>,
    %get3A_351 = vector.shape_cast %get3A_350 : vector<1x16xf32> to vector<16xf32>
    %get3A_352 = arith.constant 10 : i32
    %get3A_353 = arith.index_cast %get3A_352 : i32 to index
    %get3A_354 = arith.constant 16 : index
    %get3A_355 = tpu.vector_load %arg4[%get3A_353, %get3A_354] {strides = array<i32>} : memref<16x128xf32, #tpu.memory_space<vmem>>, vector<1x16xf32>,
    %get3A_356 = vector.shape_cast %get3A_355 : vector<1x16xf32> to vector<16xf32>
    %get3A_357 = arith.constant 11 : i32
    %get3A_358 = arith.index_cast %get3A_357 : i32 to index
    %get3A_359 = arith.constant 16 : index
    %get3A_360 = tpu.vector_load %arg4[%get3A_358, %get3A_359] {strides = array<i32>} : memref<16x128xf32, #tpu.memory_space<vmem>>, vector<1x16xf32>,
    %get3A_361 = vector.shape_cast %get3A_360 : vector<1x16xf32> to vector<16xf32>
    %get3A_362 = arith.constant 12 : i32
    %get3A_363 = arith.index_cast %get3A_362 : i32 to index
    %get3A_364 = arith.constant 16 : index
    %get3A_365 = tpu.vector_load %arg4[%get3A_363, %get3A_364] {strides = array<i32>} : memref<16x128xf32, #tpu.memory_space<vmem>>, vector<1x16xf32>,
    %get3A_366 = vector.shape_cast %get3A_365 : vector<1x16xf32> to vector<16xf32>
    %get3A_367 = arith.constant 13 : i32
    %get3A_368 = arith.index_cast %get3A_367 : i32 to index
    %get3A_369 = arith.constant 16 : index
    %get3A_370 = tpu.vector_load %arg4[%get3A_368, %get3A_369] {strides = array<i32>} : memref<16x128xf32, #tpu.memory_space<vmem>>, vector<1x16xf32>,
    %get3A_371 = vector.shape_cast %get3A_370 : vector<1x16xf32> to vector<16xf32>
    %get3A_372 = arith.constant 14 : i32
    %get3A_373 = arith.index_cast %get3A_372 : i32 to index
    %get3A_374 = arith.constant 16 : index
    %get3A_375 = tpu.vector_load %arg4[%get3A_373, %get3A_374] {strides = array<i32>} : memref<16x128xf32, #tpu.memory_space<vmem>>, vector<1x16xf32>,
    %get3A_376 = vector.shape_cast %get3A_375 : vector<1x16xf32> to vector<16xf32>
    %get3A_377 = arith.constant 15 : i32
    %get3A_378 = arith.index_cast %get3A_377 : i32 to index
    %get3A_379 = arith.constant 16 : index
    %get3A_380 = tpu.vector_load %arg4[%get3A_378, %get3A_379] {strides = array<i32>} : memref<16x128xf32, #tpu.memory_space<vmem>>, vector<1x16xf32>,
    %get3A_381 = vector.shape_cast %get3A_380 : vector<1x16xf32> to vector<16xf32>
    %max3A_382 = arith.maximumf %get3A_306, %get3A_311 : vector<16xf32>
    %max3A_383 = arith.maximumf %get3A_316, %get3A_321 : vector<16xf32>
    %max3A_384 = arith.maximumf %get3A_326, %get3A_331 : vector<16xf32>
    %max3A_385 = arith.maximumf %get3A_336, %get3A_341 : vector<16xf32>
    %max3A_386 = arith.maximumf %get3A_346, %get3A_351 : vector<16xf32>
    %max3A_387 = arith.maximumf %get3A_356, %get3A_361 : vector<16xf32>
    %max3A_388 = arith.maximumf %get3A_366, %get3A_371 : vector<16xf32>
    %max3A_389 = arith.maximumf %get3A_376, %get3A_381 : vector<16xf32>
    %max3A_390 = arith.maximumf %max3A_382, %max3A_383 : vector<16xf32>
    %max3A_391 = arith.maximumf %max3A_384, %max3A_385 : vector<16xf32>
    %max3A_392 = arith.maximumf %max3A_386, %max3A_387 : vector<16xf32>
    %max3A_393 = arith.maximumf %max3A_388, %max3A_389 : vector<16xf32>
    %max3A_394 = arith.maximumf %max3A_390, %max3A_391 : vector<16xf32>
    %max3A_395 = arith.maximumf %max3A_392, %max3A_393 : vector<16xf32>
    %max3A_396 = arith.maximumf %max3A_394, %max3A_395 : vector<16xf32>
    %eq3A_397 = arith.cmpf oeq, %get3A_306, %max3A_396 : vector<16xf32>
    %select_n3A_398 = arith.select %eq3A_397, %broadcast_in_dim3A_3, %get3A_306 : vector<16xi1>, vector<16xf32>
    %eq3A_399 = arith.cmpf oeq, %get3A_311, %max3A_396 : vector<16xf32>
    %select_n3A_400 = arith.select %eq3A_399, %broadcast_in_dim3A_3, %get3A_311 : vector<16xi1>, vector<16xf32>
    %eq3A_401 = arith.cmpf oeq, %get3A_316, %max3A_396 : vector<16xf32>
    %select_n3A_402 = arith.select %eq3A_401, %broadcast_in_dim3A_3, %get3A_316 : vector<16xi1>, vector<16xf32>
    %eq3A_403 = arith.cmpf oeq, %get3A_321, %max3A_396 : vector<16xf32>
    %select_n3A_404 = arith.select %eq3A_403, %broadcast_in_dim3A_3, %get3A_321 : vector<16xi1>, vector<16xf32>
    %eq3A_405 = arith.cmpf oeq, %get3A_326, %max3A_396 : vector<16xf32>
    %select_n3A_406 = arith.select %eq3A_405, %broadcast_in_dim3A_3, %get3A_326 : vector<16xi1>, vector<16xf32>
    %eq3A_407 = arith.cmpf oeq, %get3A_331, %max3A_396 : vector<16xf32>
    %select_n3A_408 = arith.select %eq3A_407, %broadcast_in_dim3A_3, %get3A_331 : vector<16xi1>, vector<16xf32>
    %eq3A_409 = arith.cmpf oeq, %get3A_336, %max3A_396 : vector<16xf32>
    %select_n3A_410 = arith.select %eq3A_409, %broadcast_in_dim3A_3, %get3A_336 : vector<16xi1>, vector<16xf32>
    %eq3A_411 = arith.cmpf oeq, %get3A_341, %max3A_396 : vector<16xf32>
    %select_n3A_412 = arith.select %eq3A_411, %broadcast_in_dim3A_3, %get3A_341 : vector<16xi1>, vector<16xf32>
    %eq3A_413 = arith.cmpf oeq, %get3A_346, %max3A_396 : vector<16xf32>
    %select_n3A_414 = arith.select %eq3A_413, %broadcast_in_dim3A_3, %get3A_346 : vector<16xi1>, vector<16xf32>
    %eq3A_415 = arith.cmpf oeq, %get3A_351, %max3A_396 : vector<16xf32>
    %select_n3A_416 = arith.select %eq3A_415, %broadcast_in_dim3A_3, %get3A_351 : vector<16xi1>, vector<16xf32>
    %eq3A_417 = arith.cmpf oeq, %get3A_356, %max3A_396 : vector<16xf32>
    %select_n3A_418 = arith.select %eq3A_417, %broadcast_in_dim3A_3, %get3A_356 : vector<16xi1>, vector<16xf32>
    %eq3A_419 = arith.cmpf oeq, %get3A_361, %max3A_396 : vector<16xf32>
    %select_n3A_420 = arith.select %eq3A_419, %broadcast_in_dim3A_3, %get3A_361 : vector<16xi1>, vector<16xf32>
    %eq3A_421 = arith.cmpf oeq, %get3A_366, %max3A_396 : vector<16xf32>
    %select_n3A_422 = arith.select %eq3A_421, %broadcast_in_dim3A_3, %get3A_366 : vector<16xi1>, vector<16xf32>
    %eq3A_423 = arith.cmpf oeq, %get3A_371, %max3A_396 : vector<16xf32>
    %select_n3A_424 = arith.select %eq3A_423, %broadcast_in_dim3A_3, %get3A_371 : vector<16xi1>, vector<16xf32>
    %eq3A_425 = arith.cmpf oeq, %get3A_376, %max3A_396 : vector<16xf32>
    %select_n3A_426 = arith.select %eq3A_425, %broadcast_in_dim3A_3, %get3A_376 : vector<16xi1>, vector<16xf32>
    %eq3A_427 = arith.cmpf oeq, %get3A_381, %max3A_396 : vector<16xf32>
    %select_n3A_428 = arith.select %eq3A_427, %broadcast_in_dim3A_3, %get3A_381 : vector<16xi1>, vector<16xf32>
    %max3A_429 = arith.maximumf %select_n3A_398, %select_n3A_400 : vector<16xf32>
    %max3A_430 = arith.maximumf %select_n3A_402, %select_n3A_404 : vector<16xf32>
    %max3A_431 = arith.maximumf %select_n3A_406, %select_n3A_408 : vector<16xf32>
    %max3A_432 = arith.maximumf %select_n3A_410, %select_n3A_412 : vector<16xf32>
    %max3A_433 = arith.maximumf %select_n3A_414, %select_n3A_416 : vector<16xf32>
    %max3A_434 = arith.maximumf %select_n3A_418, %select_n3A_420 : vector<16xf32>
    %max3A_435 = arith.maximumf %select_n3A_422, %select_n3A_424 : vector<16xf32>
    %max3A_436 = arith.maximumf %select_n3A_426, %select_n3A_428 : vector<16xf32>
    %max3A_437 = arith.maximumf %max3A_429, %max3A_430 : vector<16xf32>
    %max3A_438 = arith.maximumf %max3A_431, %max3A_432 : vector<16xf32>
    %max3A_439 = arith.maximumf %max3A_433, %max3A_434 : vector<16xf32>
    %max3A_440 = arith.maximumf %max3A_435, %max3A_436 : vector<16xf32>
    %max3A_441 = arith.maximumf %max3A_437, %max3A_438 : vector<16xf32>
    %max3A_442 = arith.maximumf %max3A_439, %max3A_440 : vector<16xf32>
    %max3A_443 = arith.maximumf %max3A_441, %max3A_442 : vector<16xf32>
    %eq3A_444 = arith.cmpf oeq, %get3A_306, %max3A_396 : vector<16xf32>
    %eq3A_445 = arith.cmpf oeq, %get3A_306, %max3A_443 : vector<16xf32>
    %or3A_446 = arith.ori %eq3A_444, %eq3A_445 : vector<16xi1>
    %select_n3A_447 = arith.select %or3A_446, %get3A_306, %broadcast_in_dim3A_5 : vector<16xi1>, vector<16xf32>
    %swap3A_448 = arith.constant 0 : i32
    %swap3A_449 = arith.index_cast %swap3A_448 : i32 to index
    %swap3A_450 = arith.constant 16 : index
    %swap3A_451 = tpu.vector_load %arg5[%swap3A_449, %swap3A_450] {strides = array<i32>} : memref<16x128xf32, #tpu.memory_space<vmem>>, vector<1x16xf32>,
    %swap3A_452 = vector.shape_cast %swap3A_451 : vector<1x16xf32> to vector<16xf32>
    %swap3A_453 = vector.shape_cast %select_n3A_447 : vector<16xf32> to vector<1x16xf32>
    tpu.vector_store %arg5[%swap3A_449, %swap3A_450], %swap3A_453 {strides = array<i32>} : memref<16x128xf32, #tpu.memory_space<vmem>>, vector<1x16xf32>,
    %eq3A_454 = arith.cmpf oeq, %get3A_311, %max3A_396 : vector<16xf32>
    %eq3A_455 = arith.cmpf oeq, %get3A_311, %max3A_443 : vector<16xf32>
    %or3A_456 = arith.ori %eq3A_454, %eq3A_455 : vector<16xi1>
    %select_n3A_457 = arith.select %or3A_456, %get3A_311, %broadcast_in_dim3A_5 : vector<16xi1>, vector<16xf32>
    %swap3A_458 = arith.constant 1 : i32
    %swap3A_459 = arith.index_cast %swap3A_458 : i32 to index
    %swap3A_460 = arith.constant 16 : index
    %swap3A_461 = tpu.vector_load %arg5[%swap3A_459, %swap3A_460] {strides = array<i32>} : memref<16x128xf32, #tpu.memory_space<vmem>>, vector<1x16xf32>,
    %swap3A_462 = vector.shape_cast %swap3A_461 : vector<1x16xf32> to vector<16xf32>
    %swap3A_463 = vector.shape_cast %select_n3A_457 : vector<16xf32> to vector<1x16xf32>
    tpu.vector_store %arg5[%swap3A_459, %swap3A_460], %swap3A_463 {strides = array<i32>} : memref<16x128xf32, #tpu.memory_space<vmem>>, vector<1x16xf32>,
    %eq3A_464 = arith.cmpf oeq, %get3A_316, %max3A_396 : vector<16xf32>
    %eq3A_465 = arith.cmpf oeq, %get3A_316, %max3A_443 : vector<16xf32>
    %or3A_466 = arith.ori %eq3A_464, %eq3A_465 : vector<16xi1>
    %select_n3A_467 = arith.select %or3A_466, %get3A_316, %broadcast_in_dim3A_5 : vector<16xi1>, vector<16xf32>
    %swap3A_468 = arith.constant 2 : i32
    %swap3A_469 = arith.index_cast %swap3A_468 : i32 to index
    %swap3A_470 = arith.constant 16 : index
    %swap3A_471 = tpu.vector_load %arg5[%swap3A_469, %swap3A_470] {strides = array<i32>} : memref<16x128xf32, #tpu.memory_space<vmem>>, vector<1x16xf32>,
    %swap3A_472 = vector.shape_cast %swap3A_471 : vector<1x16xf32> to vector<16xf32>
    %swap3A_473 = vector.shape_cast %select_n3A_467 : vector<16xf32> to vector<1x16xf32>
    tpu.vector_store %arg5[%swap3A_469, %swap3A_470], %swap3A_473 {strides = array<i32>} : memref<16x128xf32, #tpu.memory_space<vmem>>, vector<1x16xf32>,
    %eq3A_474 = arith.cmpf oeq, %get3A_321, %max3A_396 : vector<16xf32>
    %eq3A_475 = arith.cmpf oeq, %get3A_321, %max3A_443 : vector<16xf32>
    %or3A_476 = arith.ori %eq3A_474, %eq3A_475 : vector<16xi1>
    %select_n3A_477 = arith.select %or3A_476, %get3A_321, %broadcast_in_dim3A_5 : vector<16xi1>, vector<16xf32>
    %swap3A_478 = arith.constant 3 : i32
    %swap3A_479 = arith.index_cast %swap3A_478 : i32 to index
    %swap3A_480 = arith.constant 16 : index
    %swap3A_481 = tpu.vector_load %arg5[%swap3A_479, %swap3A_480] {strides = array<i32>} : memref<16x128xf32, #tpu.memory_space<vmem>>, vector<1x16xf32>,
    %swap3A_482 = vector.shape_cast %swap3A_481 : vector<1x16xf32> to vector<16xf32>
    %swap3A_483 = vector.shape_cast %select_n3A_477 : vector<16xf32> to vector<1x16xf32>
    tpu.vector_store %arg5[%swap3A_479, %swap3A_480], %swap3A_483 {strides = array<i32>} : memref<16x128xf32, #tpu.memory_space<vmem>>, vector<1x16xf32>,
    %eq3A_484 = arith.cmpf oeq, %get3A_326, %max3A_396 : vector<16xf32>
    %eq3A_485 = arith.cmpf oeq, %get3A_326, %max3A_443 : vector<16xf32>
    %or3A_486 = arith.ori %eq3A_484, %eq3A_485 : vector<16xi1>
    %select_n3A_487 = arith.select %or3A_486, %get3A_326, %broadcast_in_dim3A_5 : vector<16xi1>, vector<16xf32>
    %swap3A_488 = arith.constant 4 : i32
    %swap3A_489 = arith.index_cast %swap3A_488 : i32 to index
    %swap3A_490 = arith.constant 16 : index
    %swap3A_491 = tpu.vector_load %arg5[%swap3A_489, %swap3A_490] {strides = array<i32>} : memref<16x128xf32, #tpu.memory_space<vmem>>, vector<1x16xf32>,
    %swap3A_492 = vector.shape_cast %swap3A_491 : vector<1x16xf32> to vector<16xf32>
    %swap3A_493 = vector.shape_cast %select_n3A_487 : vector<16xf32> to vector<1x16xf32>
    tpu.vector_store %arg5[%swap3A_489, %swap3A_490], %swap3A_493 {strides = array<i32>} : memref<16x128xf32, #tpu.memory_space<vmem>>, vector<1x16xf32>,
    %eq3A_494 = arith.cmpf oeq, %get3A_331, %max3A_396 : vector<16xf32>
    %eq3A_495 = arith.cmpf oeq, %get3A_331, %max3A_443 : vector<16xf32>
    %or3A_496 = arith.ori %eq3A_494, %eq3A_495 : vector<16xi1>
    %select_n3A_497 = arith.select %or3A_496, %get3A_331, %broadcast_in_dim3A_5 : vector<16xi1>, vector<16xf32>
    %swap3A_498 = arith.constant 5 : i32
    %swap3A_499 = arith.index_cast %swap3A_498 : i32 to index
    %swap3A_500 = arith.constant 16 : index
    %swap3A_501 = tpu.vector_load %arg5[%swap3A_499, %swap3A_500] {strides = array<i32>} : memref<16x128xf32, #tpu.memory_space<vmem>>, vector<1x16xf32>,
    %swap3A_502 = vector.shape_cast %swap3A_501 : vector<1x16xf32> to vector<16xf32>
    %swap3A_503 = vector.shape_cast %select_n3A_497 : vector<16xf32> to vector<1x16xf32>
    tpu.vector_store %arg5[%swap3A_499, %swap3A_500], %swap3A_503 {strides = array<i32>} : memref<16x128xf32, #tpu.memory_space<vmem>>, vector<1x16xf32>,
    %eq3A_504 = arith.cmpf oeq, %get3A_336, %max3A_396 : vector<16xf32>
    %eq3A_505 = arith.cmpf oeq, %get3A_336, %max3A_443 : vector<16xf32>
    %or3A_506 = arith.ori %eq3A_504, %eq3A_505 : vector<16xi1>
    %select_n3A_507 = arith.select %or3A_506, %get3A_336, %broadcast_in_dim3A_5 : vector<16xi1>, vector<16xf32>
    %swap3A_508 = arith.constant 6 : i32
    %swap3A_509 = arith.index_cast %swap3A_508 : i32 to index
    %swap3A_510 = arith.constant 16 : index
    %swap3A_511 = tpu.vector_load %arg5[%swap3A_509, %swap3A_510] {strides = array<i32>} : memref<16x128xf32, #tpu.memory_space<vmem>>, vector<1x16xf32>,
    %swap3A_512 = vector.shape_cast %swap3A_511 : vector<1x16xf32> to vector<16xf32>
    %swap3A_513 = vector.shape_cast %select_n3A_507 : vector<16xf32> to vector<1x16xf32>
    tpu.vector_store %arg5[%swap3A_509, %swap3A_510], %swap3A_513 {strides = array<i32>} : memref<16x128xf32, #tpu.memory_space<vmem>>, vector<1x16xf32>,
    %eq3A_514 = arith.cmpf oeq, %get3A_341, %max3A_396 : vector<16xf32>
    %eq3A_515 = arith.cmpf oeq, %get3A_341, %max3A_443 : vector<16xf32>
    %or3A_516 = arith.ori %eq3A_514, %eq3A_515 : vector<16xi1>
    %select_n3A_517 = arith.select %or3A_516, %get3A_341, %broadcast_in_dim3A_5 : vector<16xi1>, vector<16xf32>
    %swap3A_518 = arith.constant 7 : i32
    %swap3A_519 = arith.index_cast %swap3A_518 : i32 to index
    %swap3A_520 = arith.constant 16 : index
    %swap3A_521 = tpu.vector_load %arg5[%swap3A_519, %swap3A_520] {strides = array<i32>} : memref<16x128xf32, #tpu.memory_space<vmem>>, vector<1x16xf32>,
    %swap3A_522 = vector.shape_cast %swap3A_521 : vector<1x16xf32> to vector<16xf32>
    %swap3A_523 = vector.shape_cast %select_n3A_517 : vector<16xf32> to vector<1x16xf32>
    tpu.vector_store %arg5[%swap3A_519, %swap3A_520], %swap3A_523 {strides = array<i32>} : memref<16x128xf32, #tpu.memory_space<vmem>>, vector<1x16xf32>,
    %eq3A_524 = arith.cmpf oeq, %get3A_346, %max3A_396 : vector<16xf32>
    %eq3A_525 = arith.cmpf oeq, %get3A_346, %max3A_443 : vector<16xf32>
    %or3A_526 = arith.ori %eq3A_524, %eq3A_525 : vector<16xi1>
    %select_n3A_527 = arith.select %or3A_526, %get3A_346, %broadcast_in_dim3A_5 : vector<16xi1>, vector<16xf32>
    %swap3A_528 = arith.constant 8 : i32
    %swap3A_529 = arith.index_cast %swap3A_528 : i32 to index
    %swap3A_530 = arith.constant 16 : index
    %swap3A_531 = tpu.vector_load %arg5[%swap3A_529, %swap3A_530] {strides = array<i32>} : memref<16x128xf32, #tpu.memory_space<vmem>>, vector<1x16xf32>,
    %swap3A_532 = vector.shape_cast %swap3A_531 : vector<1x16xf32> to vector<16xf32>
    %swap3A_533 = vector.shape_cast %select_n3A_527 : vector<16xf32> to vector<1x16xf32>
    tpu.vector_store %arg5[%swap3A_529, %swap3A_530], %swap3A_533 {strides = array<i32>} : memref<16x128xf32, #tpu.memory_space<vmem>>, vector<1x16xf32>,
    %eq3A_534 = arith.cmpf oeq, %get3A_351, %max3A_396 : vector<16xf32>
    %eq3A_535 = arith.cmpf oeq, %get3A_351, %max3A_443 : vector<16xf32>
    %or3A_536 = arith.ori %eq3A_534, %eq3A_535 : vector<16xi1>
    %select_n3A_537 = arith.select %or3A_536, %get3A_351, %broadcast_in_dim3A_5 : vector<16xi1>, vector<16xf32>
    %swap3A_538 = arith.constant 9 : i32
    %swap3A_539 = arith.index_cast %swap3A_538 : i32 to index
    %swap3A_540 = arith.constant 16 : index
    %swap3A_541 = tpu.vector_load %arg5[%swap3A_539, %swap3A_540] {strides = array<i32>} : memref<16x128xf32, #tpu.memory_space<vmem>>, vector<1x16xf32>,
    %swap3A_542 = vector.shape_cast %swap3A_541 : vector<1x16xf32> to vector<16xf32>
    %swap3A_543 = vector.shape_cast %select_n3A_537 : vector<16xf32> to vector<1x16xf32>
    tpu.vector_store %arg5[%swap3A_539, %swap3A_540], %swap3A_543 {strides = array<i32>} : memref<16x128xf32, #tpu.memory_space<vmem>>, vector<1x16xf32>,
    %eq3A_544 = arith.cmpf oeq, %get3A_356, %max3A_396 : vector<16xf32>
    %eq3A_545 = arith.cmpf oeq, %get3A_356, %max3A_443 : vector<16xf32>
    %or3A_546 = arith.ori %eq3A_544, %eq3A_545 : vector<16xi1>
    %select_n3A_547 = arith.select %or3A_546, %get3A_356, %broadcast_in_dim3A_5 : vector<16xi1>, vector<16xf32>
    %swap3A_548 = arith.constant 10 : i32
    %swap3A_549 = arith.index_cast %swap3A_548 : i32 to index
    %swap3A_550 = arith.constant 16 : index
    %swap3A_551 = tpu.vector_load %arg5[%swap3A_549, %swap3A_550] {strides = array<i32>} : memref<16x128xf32, #tpu.memory_space<vmem>>, vector<1x16xf32>,
    %swap3A_552 = vector.shape_cast %swap3A_551 : vector<1x16xf32> to vector<16xf32>
    %swap3A_553 = vector.shape_cast %select_n3A_547 : vector<16xf32> to vector<1x16xf32>
    tpu.vector_store %arg5[%swap3A_549, %swap3A_550], %swap3A_553 {strides = array<i32>} : memref<16x128xf32, #tpu.memory_space<vmem>>, vector<1x16xf32>,
    %eq3A_554 = arith.cmpf oeq, %get3A_361, %max3A_396 : vector<16xf32>
    %eq3A_555 = arith.cmpf oeq, %get3A_361, %max3A_443 : vector<16xf32>
    %or3A_556 = arith.ori %eq3A_554, %eq3A_555 : vector<16xi1>
    %select_n3A_557 = arith.select %or3A_556, %get3A_361, %broadcast_in_dim3A_5 : vector<16xi1>, vector<16xf32>
    %swap3A_558 = arith.constant 11 : i32
    %swap3A_559 = arith.index_cast %swap3A_558 : i32 to index
    %swap3A_560 = arith.constant 16 : index
    %swap3A_561 = tpu.vector_load %arg5[%swap3A_559, %swap3A_560] {strides = array<i32>} : memref<16x128xf32, #tpu.memory_space<vmem>>, vector<1x16xf32>,
    %swap3A_562 = vector.shape_cast %swap3A_561 : vector<1x16xf32> to vector<16xf32>
    %swap3A_563 = vector.shape_cast %select_n3A_557 : vector<16xf32> to vector<1x16xf32>
    tpu.vector_store %arg5[%swap3A_559, %swap3A_560], %swap3A_563 {strides = array<i32>} : memref<16x128xf32, #tpu.memory_space<vmem>>, vector<1x16xf32>,
    %eq3A_564 = arith.cmpf oeq, %get3A_366, %max3A_396 : vector<16xf32>
    %eq3A_565 = arith.cmpf oeq, %get3A_366, %max3A_443 : vector<16xf32>
    %or3A_566 = arith.ori %eq3A_564, %eq3A_565 : vector<16xi1>
    %select_n3A_567 = arith.select %or3A_566, %get3A_366, %broadcast_in_dim3A_5 : vector<16xi1>, vector<16xf32>
    %swap3A_568 = arith.constant 12 : i32
    %swap3A_569 = arith.index_cast %swap3A_568 : i32 to index
    %swap3A_570 = arith.constant 16 : index
    %swap3A_571 = tpu.vector_load %arg5[%swap3A_569, %swap3A_570] {strides = array<i32>} : memref<16x128xf32, #tpu.memory_space<vmem>>, vector<1x16xf32>,
    %swap3A_572 = vector.shape_cast %swap3A_571 : vector<1x16xf32> to vector<16xf32>
    %swap3A_573 = vector.shape_cast %select_n3A_567 : vector<16xf32> to vector<1x16xf32>
    tpu.vector_store %arg5[%swap3A_569, %swap3A_570], %swap3A_573 {strides = array<i32>} : memref<16x128xf32, #tpu.memory_space<vmem>>, vector<1x16xf32>,
    %eq3A_574 = arith.cmpf oeq, %get3A_371, %max3A_396 : vector<16xf32>
    %eq3A_575 = arith.cmpf oeq, %get3A_371, %max3A_443 : vector<16xf32>
    %or3A_576 = arith.ori %eq3A_574, %eq3A_575 : vector<16xi1>
    %select_n3A_577 = arith.select %or3A_576, %get3A_371, %broadcast_in_dim3A_5 : vector<16xi1>, vector<16xf32>
    %swap3A_578 = arith.constant 13 : i32
    %swap3A_579 = arith.index_cast %swap3A_578 : i32 to index
    %swap3A_580 = arith.constant 16 : index
    %swap3A_581 = tpu.vector_load %arg5[%swap3A_579, %swap3A_580] {strides = array<i32>} : memref<16x128xf32, #tpu.memory_space<vmem>>, vector<1x16xf32>,
    %swap3A_582 = vector.shape_cast %swap3A_581 : vector<1x16xf32> to vector<16xf32>
    %swap3A_583 = vector.shape_cast %select_n3A_577 : vector<16xf32> to vector<1x16xf32>
    tpu.vector_store %arg5[%swap3A_579, %swap3A_580], %swap3A_583 {strides = array<i32>} : memref<16x128xf32, #tpu.memory_space<vmem>>, vector<1x16xf32>,
    %eq3A_584 = arith.cmpf oeq, %get3A_376, %max3A_396 : vector<16xf32>
    %eq3A_585 = arith.cmpf oeq, %get3A_376, %max3A_443 : vector<16xf32>
    %or3A_586 = arith.ori %eq3A_584, %eq3A_585 : vector<16xi1>
    %select_n3A_587 = arith.select %or3A_586, %get3A_376, %broadcast_in_dim3A_5 : vector<16xi1>, vector<16xf32>
    %swap3A_588 = arith.constant 14 : i32
    %swap3A_589 = arith.index_cast %swap3A_588 : i32 to index
    %swap3A_590 = arith.constant 16 : index
    %swap3A_591 = tpu.vector_load %arg5[%swap3A_589, %swap3A_590] {strides = array<i32>} : memref<16x128xf32, #tpu.memory_space<vmem>>, vector<1x16xf32>,
    %swap3A_592 = vector.shape_cast %swap3A_591 : vector<1x16xf32> to vector<16xf32>
    %swap3A_593 = vector.shape_cast %select_n3A_587 : vector<16xf32> to vector<1x16xf32>
    tpu.vector_store %arg5[%swap3A_589, %swap3A_590], %swap3A_593 {strides = array<i32>} : memref<16x128xf32, #tpu.memory_space<vmem>>, vector<1x16xf32>,
    %eq3A_594 = arith.cmpf oeq, %get3A_381, %max3A_396 : vector<16xf32>
    %eq3A_595 = arith.cmpf oeq, %get3A_381, %max3A_443 : vector<16xf32>
    %or3A_596 = arith.ori %eq3A_594, %eq3A_595 : vector<16xi1>
    %select_n3A_597 = arith.select %or3A_596, %get3A_381, %broadcast_in_dim3A_5 : vector<16xi1>, vector<16xf32>
    %swap3A_598 = arith.constant 15 : i32
    %swap3A_599 = arith.index_cast %swap3A_598 : i32 to index
    %swap3A_600 = arith.constant 16 : index
    %swap3A_601 = tpu.vector_load %arg5[%swap3A_599, %swap3A_600] {strides = array<i32>} : memref<16x128xf32, #tpu.memory_space<vmem>>, vector<1x16xf32>,
    %swap3A_602 = vector.shape_cast %swap3A_601 : vector<1x16xf32> to vector<16xf32>
    %swap3A_603 = vector.shape_cast %select_n3A_597 : vector<16xf32> to vector<1x16xf32>
    tpu.vector_store %arg5[%swap3A_599, %swap3A_600], %swap3A_603 {strides = array<i32>} : memref<16x128xf32, #tpu.memory_space<vmem>>, vector<1x16xf32>,
    %get3A_604 = arith.constant 0 : i32
    %get3A_605 = arith.index_cast %get3A_604 : i32 to index
    %get3A_606 = arith.constant 32 : index
    %get3A_607 = tpu.vector_load %arg4[%get3A_605, %get3A_606] {strides = array<i32>} : memref<16x128xf32, #tpu.memory_space<vmem>>, vector<1x16xf32>,
    %get3A_608 = vector.shape_cast %get3A_607 : vector<1x16xf32> to vector<16xf32>
    %get3A_609 = arith.constant 1 : i32
    %get3A_610 = arith.index_cast %get3A_609 : i32 to index
    %get3A_611 = arith.constant 32 : index
    %get3A_612 = tpu.vector_load %arg4[%get3A_610, %get3A_611] {strides = array<i32>} : memref<16x128xf32, #tpu.memory_space<vmem>>, vector<1x16xf32>,
    %get3A_613 = vector.shape_cast %get3A_612 : vector<1x16xf32> to vector<16xf32>
    %get3A_614 = arith.constant 2 : i32
    %get3A_615 = arith.index_cast %get3A_614 : i32 to index
    %get3A_616 = arith.constant 32 : index
    %get3A_617 = tpu.vector_load %arg4[%get3A_615, %get3A_616] {strides = array<i32>} : memref<16x128xf32, #tpu.memory_space<vmem>>, vector<1x16xf32>,
    %get3A_618 = vector.shape_cast %get3A_617 : vector<1x16xf32> to vector<16xf32>
    %get3A_619 = arith.constant 3 : i32
    %get3A_620 = arith.index_cast %get3A_619 : i32 to index
    %get3A_621 = arith.constant 32 : index
    %get3A_622 = tpu.vector_load %arg4[%get3A_620, %get3A_621] {strides = array<i32>} : memref<16x128xf32, #tpu.memory_space<vmem>>, vector<1x16xf32>,
    %get3A_623 = vector.shape_cast %get3A_622 : vector<1x16xf32> to vector<16xf32>
    %get3A_624 = arith.constant 4 : i32
    %get3A_625 = arith.index_cast %get3A_624 : i32 to index
    %get3A_626 = arith.constant 32 : index
    %get3A_627 = tpu.vector_load %arg4[%get3A_625, %get3A_626] {strides = array<i32>} : memref<16x128xf32, #tpu.memory_space<vmem>>, vector<1x16xf32>,
    %get3A_628 = vector.shape_cast %get3A_627 : vector<1x16xf32> to vector<16xf32>
    %get3A_629 = arith.constant 5 : i32
    %get3A_630 = arith.index_cast %get3A_629 : i32 to index
    %get3A_631 = arith.constant 32 : index
    %get3A_632 = tpu.vector_load %arg4[%get3A_630, %get3A_631] {strides = array<i32>} : memref<16x128xf32, #tpu.memory_space<vmem>>, vector<1x16xf32>,
    %get3A_633 = vector.shape_cast %get3A_632 : vector<1x16xf32> to vector<16xf32>
    %get3A_634 = arith.constant 6 : i32
    %get3A_635 = arith.index_cast %get3A_634 : i32 to index
    %get3A_636 = arith.constant 32 : index
    %get3A_637 = tpu.vector_load %arg4[%get3A_635, %get3A_636] {strides = array<i32>} : memref<16x128xf32, #tpu.memory_space<vmem>>, vector<1x16xf32>,
    %get3A_638 = vector.shape_cast %get3A_637 : vector<1x16xf32> to vector<16xf32>
    %get3A_639 = arith.constant 7 : i32
    %get3A_640 = arith.index_cast %get3A_639 : i32 to index
    %get3A_641 = arith.constant 32 : index
    %get3A_642 = tpu.vector_load %arg4[%get3A_640, %get3A_641] {strides = array<i32>} : memref<16x128xf32, #tpu.memory_space<vmem>>, vector<1x16xf32>,
    %get3A_643 = vector.shape_cast %get3A_642 : vector<1x16xf32> to vector<16xf32>
    %get3A_644 = arith.constant 8 : i32
    %get3A_645 = arith.index_cast %get3A_644 : i32 to index
    %get3A_646 = arith.constant 32 : index
    %get3A_647 = tpu.vector_load %arg4[%get3A_645, %get3A_646] {strides = array<i32>} : memref<16x128xf32, #tpu.memory_space<vmem>>, vector<1x16xf32>,
    %get3A_648 = vector.shape_cast %get3A_647 : vector<1x16xf32> to vector<16xf32>
    %get3A_649 = arith.constant 9 : i32
    %get3A_650 = arith.index_cast %get3A_649 : i32 to index
    %get3A_651 = arith.constant 32 : index
    %get3A_652 = tpu.vector_load %arg4[%get3A_650, %get3A_651] {strides = array<i32>} : memref<16x128xf32, #tpu.memory_space<vmem>>, vector<1x16xf32>,
    %get3A_653 = vector.shape_cast %get3A_652 : vector<1x16xf32> to vector<16xf32>
    %get3A_654 = arith.constant 10 : i32
    %get3A_655 = arith.index_cast %get3A_654 : i32 to index
    %get3A_656 = arith.constant 32 : index
    %get3A_657 = tpu.vector_load %arg4[%get3A_655, %get3A_656] {strides = array<i32>} : memref<16x128xf32, #tpu.memory_space<vmem>>, vector<1x16xf32>,
    %get3A_658 = vector.shape_cast %get3A_657 : vector<1x16xf32> to vector<16xf32>
    %get3A_659 = arith.constant 11 : i32
    %get3A_660 = arith.index_cast %get3A_659 : i32 to index
    %get3A_661 = arith.constant 32 : index
    %get3A_662 = tpu.vector_load %arg4[%get3A_660, %get3A_661] {strides = array<i32>} : memref<16x128xf32, #tpu.memory_space<vmem>>, vector<1x16xf32>,
    %get3A_663 = vector.shape_cast %get3A_662 : vector<1x16xf32> to vector<16xf32>
    %get3A_664 = arith.constant 12 : i32
    %get3A_665 = arith.index_cast %get3A_664 : i32 to index
    %get3A_666 = arith.constant 32 : index
    %get3A_667 = tpu.vector_load %arg4[%get3A_665, %get3A_666] {strides = array<i32>} : memref<16x128xf32, #tpu.memory_space<vmem>>, vector<1x16xf32>,
    %get3A_668 = vector.shape_cast %get3A_667 : vector<1x16xf32> to vector<16xf32>
    %get3A_669 = arith.constant 13 : i32
    %get3A_670 = arith.index_cast %get3A_669 : i32 to index
    %get3A_671 = arith.constant 32 : index
    %get3A_672 = tpu.vector_load %arg4[%get3A_670, %get3A_671] {strides = array<i32>} : memref<16x128xf32, #tpu.memory_space<vmem>>, vector<1x16xf32>,
    %get3A_673 = vector.shape_cast %get3A_672 : vector<1x16xf32> to vector<16xf32>
    %get3A_674 = arith.constant 14 : i32
    %get3A_675 = arith.index_cast %get3A_674 : i32 to index
    %get3A_676 = arith.constant 32 : index
    %get3A_677 = tpu.vector_load %arg4[%get3A_675, %get3A_676] {strides = array<i32>} : memref<16x128xf32, #tpu.memory_space<vmem>>, vector<1x16xf32>,
    %get3A_678 = vector.shape_cast %get3A_677 : vector<1x16xf32> to vector<16xf32>
    %get3A_679 = arith.constant 15 : i32
    %get3A_680 = arith.index_cast %get3A_679 : i32 to index
    %get3A_681 = arith.constant 32 : index
    %get3A_682 = tpu.vector_load %arg4[%get3A_680, %get3A_681] {strides = array<i32>} : memref<16x128xf32, #tpu.memory_space<vmem>>, vector<1x16xf32>,
    %get3A_683 = vector.shape_cast %get3A_682 : vector<1x16xf32> to vector<16xf32>
    %max3A_684 = arith.maximumf %get3A_608, %get3A_613 : vector<16xf32>
    %max3A_685 = arith.maximumf %get3A_618, %get3A_623 : vector<16xf32>
    %max3A_686 = arith.maximumf %get3A_628, %get3A_633 : vector<16xf32>
    %max3A_687 = arith.maximumf %get3A_638, %get3A_643 : vector<16xf32>
    %max3A_688 = arith.maximumf %get3A_648, %get3A_653 : vector<16xf32>
    %max3A_689 = arith.maximumf %get3A_658, %get3A_663 : vector<16xf32>
    %max3A_690 = arith.maximumf %get3A_668, %get3A_673 : vector<16xf32>
    %max3A_691 = arith.maximumf %get3A_678, %get3A_683 : vector<16xf32>
    %max3A_692 = arith.maximumf %max3A_684, %max3A_685 : vector<16xf32>
    %max3A_693 = arith.maximumf %max3A_686, %max3A_687 : vector<16xf32>
    %max3A_694 = arith.maximumf %max3A_688, %max3A_689 : vector<16xf32>
    %max3A_695 = arith.maximumf %max3A_690, %max3A_691 : vector<16xf32>
    %max3A_696 = arith.maximumf %max3A_692, %max3A_693 : vector<16xf32>
    %max3A_697 = arith.maximumf %max3A_694, %max3A_695 : vector<16xf32>
    %max3A_698 = arith.maximumf %max3A_696, %max3A_697 : vector<16xf32>
    %eq3A_699 = arith.cmpf oeq, %get3A_608, %max3A_698 : vector<16xf32>
    %select_n3A_700 = arith.select %eq3A_699, %broadcast_in_dim3A_3, %get3A_608 : vector<16xi1>, vector<16xf32>
    %eq3A_701 = arith.cmpf oeq, %get3A_613, %max3A_698 : vector<16xf32>
    %select_n3A_702 = arith.select %eq3A_701, %broadcast_in_dim3A_3, %get3A_613 : vector<16xi1>, vector<16xf32>
    %eq3A_703 = arith.cmpf oeq, %get3A_618, %max3A_698 : vector<16xf32>
    %select_n3A_704 = arith.select %eq3A_703, %broadcast_in_dim3A_3, %get3A_618 : vector<16xi1>, vector<16xf32>
    %eq3A_705 = arith.cmpf oeq, %get3A_623, %max3A_698 : vector<16xf32>
    %select_n3A_706 = arith.select %eq3A_705, %broadcast_in_dim3A_3, %get3A_623 : vector<16xi1>, vector<16xf32>
    %eq3A_707 = arith.cmpf oeq, %get3A_628, %max3A_698 : vector<16xf32>
    %select_n3A_708 = arith.select %eq3A_707, %broadcast_in_dim3A_3, %get3A_628 : vector<16xi1>, vector<16xf32>
    %eq3A_709 = arith.cmpf oeq, %get3A_633, %max3A_698 : vector<16xf32>
    %select_n3A_710 = arith.select %eq3A_709, %broadcast_in_dim3A_3, %get3A_633 : vector<16xi1>, vector<16xf32>
    %eq3A_711 = arith.cmpf oeq, %get3A_638, %max3A_698 : vector<16xf32>
    %select_n3A_712 = arith.select %eq3A_711, %broadcast_in_dim3A_3, %get3A_638 : vector<16xi1>, vector<16xf32>
    %eq3A_713 = arith.cmpf oeq, %get3A_643, %max3A_698 : vector<16xf32>
    %select_n3A_714 = arith.select %eq3A_713, %broadcast_in_dim3A_3, %get3A_643 : vector<16xi1>, vector<16xf32>
    %eq3A_715 = arith.cmpf oeq, %get3A_648, %max3A_698 : vector<16xf32>
    %select_n3A_716 = arith.select %eq3A_715, %broadcast_in_dim3A_3, %get3A_648 : vector<16xi1>, vector<16xf32>
    %eq3A_717 = arith.cmpf oeq, %get3A_653, %max3A_698 : vector<16xf32>
    %select_n3A_718 = arith.select %eq3A_717, %broadcast_in_dim3A_3, %get3A_653 : vector<16xi1>, vector<16xf32>
    %eq3A_719 = arith.cmpf oeq, %get3A_658, %max3A_698 : vector<16xf32>
    %select_n3A_720 = arith.select %eq3A_719, %broadcast_in_dim3A_3, %get3A_658 : vector<16xi1>, vector<16xf32>
    %eq3A_721 = arith.cmpf oeq, %get3A_663, %max3A_698 : vector<16xf32>
    %select_n3A_722 = arith.select %eq3A_721, %broadcast_in_dim3A_3, %get3A_663 : vector<16xi1>, vector<16xf32>
    %eq3A_723 = arith.cmpf oeq, %get3A_668, %max3A_698 : vector<16xf32>
    %select_n3A_724 = arith.select %eq3A_723, %broadcast_in_dim3A_3, %get3A_668 : vector<16xi1>, vector<16xf32>
    %eq3A_725 = arith.cmpf oeq, %get3A_673, %max3A_698 : vector<16xf32>
    %select_n3A_726 = arith.select %eq3A_725, %broadcast_in_dim3A_3, %get3A_673 : vector<16xi1>, vector<16xf32>
    %eq3A_727 = arith.cmpf oeq, %get3A_678, %max3A_698 : vector<16xf32>
    %select_n3A_728 = arith.select %eq3A_727, %broadcast_in_dim3A_3, %get3A_678 : vector<16xi1>, vector<16xf32>
    %eq3A_729 = arith.cmpf oeq, %get3A_683, %max3A_698 : vector<16xf32>
    %select_n3A_730 = arith.select %eq3A_729, %broadcast_in_dim3A_3, %get3A_683 : vector<16xi1>, vector<16xf32>
    %max3A_731 = arith.maximumf %select_n3A_700, %select_n3A_702 : vector<16xf32>
    %max3A_732 = arith.maximumf %select_n3A_704, %select_n3A_706 : vector<16xf32>
    %max3A_733 = arith.maximumf %select_n3A_708, %select_n3A_710 : vector<16xf32>
    %max3A_734 = arith.maximumf %select_n3A_712, %select_n3A_714 : vector<16xf32>
    %max3A_735 = arith.maximumf %select_n3A_716, %select_n3A_718 : vector<16xf32>
    %max3A_736 = arith.maximumf %select_n3A_720, %select_n3A_722 : vector<16xf32>
    %max3A_737 = arith.maximumf %select_n3A_724, %select_n3A_726 : vector<16xf32>
    %max3A_738 = arith.maximumf %select_n3A_728, %select_n3A_730 : vector<16xf32>
    %max3A_739 = arith.maximumf %max3A_731, %max3A_732 : vector<16xf32>
    %max3A_740 = arith.maximumf %max3A_733, %max3A_734 : vector<16xf32>
    %max3A_741 = arith.maximumf %max3A_735, %max3A_736 : vector<16xf32>
    %max3A_742 = arith.maximumf %max3A_737, %max3A_738 : vector<16xf32>
    %max3A_743 = arith.maximumf %max3A_739, %max3A_740 : vector<16xf32>
    %max3A_744 = arith.maximumf %max3A_741, %max3A_742 : vector<16xf32>
    %max3A_745 = arith.maximumf %max3A_743, %max3A_744 : vector<16xf32>
    %eq3A_746 = arith.cmpf oeq, %get3A_608, %max3A_698 : vector<16xf32>
    %eq3A_747 = arith.cmpf oeq, %get3A_608, %max3A_745 : vector<16xf32>
    %or3A_748 = arith.ori %eq3A_746, %eq3A_747 : vector<16xi1>
    %select_n3A_749 = arith.select %or3A_748, %get3A_608, %broadcast_in_dim3A_5 : vector<16xi1>, vector<16xf32>
    %swap3A_750 = arith.constant 0 : i32
    %swap3A_751 = arith.index_cast %swap3A_750 : i32 to index
    %swap3A_752 = arith.constant 32 : index
    %swap3A_753 = tpu.vector_load %arg5[%swap3A_751, %swap3A_752] {strides = array<i32>} : memref<16x128xf32, #tpu.memory_space<vmem>>, vector<1x16xf32>,
    %swap3A_754 = vector.shape_cast %swap3A_753 : vector<1x16xf32> to vector<16xf32>
    %swap3A_755 = vector.shape_cast %select_n3A_749 : vector<16xf32> to vector<1x16xf32>
    tpu.vector_store %arg5[%swap3A_751, %swap3A_752], %swap3A_755 {strides = array<i32>} : memref<16x128xf32, #tpu.memory_space<vmem>>, vector<1x16xf32>,
    %eq3A_756 = arith.cmpf oeq, %get3A_613, %max3A_698 : vector<16xf32>
    %eq3A_757 = arith.cmpf oeq, %get3A_613, %max3A_745 : vector<16xf32>
    %or3A_758 = arith.ori %eq3A_756, %eq3A_757 : vector<16xi1>
    %select_n3A_759 = arith.select %or3A_758, %get3A_613, %broadcast_in_dim3A_5 : vector<16xi1>, vector<16xf32>
    %swap3A_760 = arith.constant 1 : i32
    %swap3A_761 = arith.index_cast %swap3A_760 : i32 to index
    %swap3A_762 = arith.constant 32 : index
    %swap3A_763 = tpu.vector_load %arg5[%swap3A_761, %swap3A_762] {strides = array<i32>} : memref<16x128xf32, #tpu.memory_space<vmem>>, vector<1x16xf32>,
    %swap3A_764 = vector.shape_cast %swap3A_763 : vector<1x16xf32> to vector<16xf32>
    %swap3A_765 = vector.shape_cast %select_n3A_759 : vector<16xf32> to vector<1x16xf32>
    tpu.vector_store %arg5[%swap3A_761, %swap3A_762], %swap3A_765 {strides = array<i32>} : memref<16x128xf32, #tpu.memory_space<vmem>>, vector<1x16xf32>,
    %eq3A_766 = arith.cmpf oeq, %get3A_618, %max3A_698 : vector<16xf32>
    %eq3A_767 = arith.cmpf oeq, %get3A_618, %max3A_745 : vector<16xf32>
    %or3A_768 = arith.ori %eq3A_766, %eq3A_767 : vector<16xi1>
    %select_n3A_769 = arith.select %or3A_768, %get3A_618, %broadcast_in_dim3A_5 : vector<16xi1>, vector<16xf32>
    %swap3A_770 = arith.constant 2 : i32
    %swap3A_771 = arith.index_cast %swap3A_770 : i32 to index
    %swap3A_772 = arith.constant 32 : index
    %swap3A_773 = tpu.vector_load %arg5[%swap3A_771, %swap3A_772] {strides = array<i32>} : memref<16x128xf32, #tpu.memory_space<vmem>>, vector<1x16xf32>,
    %swap3A_774 = vector.shape_cast %swap3A_773 : vector<1x16xf32> to vector<16xf32>
    %swap3A_775 = vector.shape_cast %select_n3A_769 : vector<16xf32> to vector<1x16xf32>
    tpu.vector_store %arg5[%swap3A_771, %swap3A_772], %swap3A_775 {strides = array<i32>} : memref<16x128xf32, #tpu.memory_space<vmem>>, vector<1x16xf32>,
    %eq3A_776 = arith.cmpf oeq, %get3A_623, %max3A_698 : vector<16xf32>
    %eq3A_777 = arith.cmpf oeq, %get3A_623, %max3A_745 : vector<16xf32>
    %or3A_778 = arith.ori %eq3A_776, %eq3A_777 : vector<16xi1>
    %select_n3A_779 = arith.select %or3A_778, %get3A_623, %broadcast_in_dim3A_5 : vector<16xi1>, vector<16xf32>
    %swap3A_780 = arith.constant 3 : i32
    %swap3A_781 = arith.index_cast %swap3A_780 : i32 to index
    %swap3A_782 = arith.constant 32 : index
    %swap3A_783 = tpu.vector_load %arg5[%swap3A_781, %swap3A_782] {strides = array<i32>} : memref<16x128xf32, #tpu.memory_space<vmem>>, vector<1x16xf32>,
    %swap3A_784 = vector.shape_cast %swap3A_783 : vector<1x16xf32> to vector<16xf32>
    %swap3A_785 = vector.shape_cast %select_n3A_779 : vector<16xf32> to vector<1x16xf32>
    tpu.vector_store %arg5[%swap3A_781, %swap3A_782], %swap3A_785 {strides = array<i32>} : memref<16x128xf32, #tpu.memory_space<vmem>>, vector<1x16xf32>,
    %eq3A_786 = arith.cmpf oeq, %get3A_628, %max3A_698 : vector<16xf32>
    %eq3A_787 = arith.cmpf oeq, %get3A_628, %max3A_745 : vector<16xf32>
    %or3A_788 = arith.ori %eq3A_786, %eq3A_787 : vector<16xi1>
    %select_n3A_789 = arith.select %or3A_788, %get3A_628, %broadcast_in_dim3A_5 : vector<16xi1>, vector<16xf32>
    %swap3A_790 = arith.constant 4 : i32
    %swap3A_791 = arith.index_cast %swap3A_790 : i32 to index
    %swap3A_792 = arith.constant 32 : index
    %swap3A_793 = tpu.vector_load %arg5[%swap3A_791, %swap3A_792] {strides = array<i32>} : memref<16x128xf32, #tpu.memory_space<vmem>>, vector<1x16xf32>,
    %swap3A_794 = vector.shape_cast %swap3A_793 : vector<1x16xf32> to vector<16xf32>
    %swap3A_795 = vector.shape_cast %select_n3A_789 : vector<16xf32> to vector<1x16xf32>
    tpu.vector_store %arg5[%swap3A_791, %swap3A_792], %swap3A_795 {strides = array<i32>} : memref<16x128xf32, #tpu.memory_space<vmem>>, vector<1x16xf32>,
    %eq3A_796 = arith.cmpf oeq, %get3A_633, %max3A_698 : vector<16xf32>
    %eq3A_797 = arith.cmpf oeq, %get3A_633, %max3A_745 : vector<16xf32>
    %or3A_798 = arith.ori %eq3A_796, %eq3A_797 : vector<16xi1>
    %select_n3A_799 = arith.select %or3A_798, %get3A_633, %broadcast_in_dim3A_5 : vector<16xi1>, vector<16xf32>
    %swap3A_800 = arith.constant 5 : i32
    %swap3A_801 = arith.index_cast %swap3A_800 : i32 to index
    %swap3A_802 = arith.constant 32 : index
    %swap3A_803 = tpu.vector_load %arg5[%swap3A_801, %swap3A_802] {strides = array<i32>} : memref<16x128xf32, #tpu.memory_space<vmem>>, vector<1x16xf32>,
    %swap3A_804 = vector.shape_cast %swap3A_803 : vector<1x16xf32> to vector<16xf32>
    %swap3A_805 = vector.shape_cast %select_n3A_799 : vector<16xf32> to vector<1x16xf32>
    tpu.vector_store %arg5[%swap3A_801, %swap3A_802], %swap3A_805 {strides = array<i32>} : memref<16x128xf32, #tpu.memory_space<vmem>>, vector<1x16xf32>,
    %eq3A_806 = arith.cmpf oeq, %get3A_638, %max3A_698 : vector<16xf32>
    %eq3A_807 = arith.cmpf oeq, %get3A_638, %max3A_745 : vector<16xf32>
    %or3A_808 = arith.ori %eq3A_806, %eq3A_807 : vector<16xi1>
    %select_n3A_809 = arith.select %or3A_808, %get3A_638, %broadcast_in_dim3A_5 : vector<16xi1>, vector<16xf32>
    %swap3A_810 = arith.constant 6 : i32
    %swap3A_811 = arith.index_cast %swap3A_810 : i32 to index
    %swap3A_812 = arith.constant 32 : index
    %swap3A_813 = tpu.vector_load %arg5[%swap3A_811, %swap3A_812] {strides = array<i32>} : memref<16x128xf32, #tpu.memory_space<vmem>>, vector<1x16xf32>,
    %swap3A_814 = vector.shape_cast %swap3A_813 : vector<1x16xf32> to vector<16xf32>
    %swap3A_815 = vector.shape_cast %select_n3A_809 : vector<16xf32> to vector<1x16xf32>
    tpu.vector_store %arg5[%swap3A_811, %swap3A_812], %swap3A_815 {strides = array<i32>} : memref<16x128xf32, #tpu.memory_space<vmem>>, vector<1x16xf32>,
    %eq3A_816 = arith.cmpf oeq, %get3A_643, %max3A_698 : vector<16xf32>
    %eq3A_817 = arith.cmpf oeq, %get3A_643, %max3A_745 : vector<16xf32>
    %or3A_818 = arith.ori %eq3A_816, %eq3A_817 : vector<16xi1>
    %select_n3A_819 = arith.select %or3A_818, %get3A_643, %broadcast_in_dim3A_5 : vector<16xi1>, vector<16xf32>
    %swap3A_820 = arith.constant 7 : i32
    %swap3A_821 = arith.index_cast %swap3A_820 : i32 to index
    %swap3A_822 = arith.constant 32 : index
    %swap3A_823 = tpu.vector_load %arg5[%swap3A_821, %swap3A_822] {strides = array<i32>} : memref<16x128xf32, #tpu.memory_space<vmem>>, vector<1x16xf32>,
    %swap3A_824 = vector.shape_cast %swap3A_823 : vector<1x16xf32> to vector<16xf32>
    %swap3A_825 = vector.shape_cast %select_n3A_819 : vector<16xf32> to vector<1x16xf32>
    tpu.vector_store %arg5[%swap3A_821, %swap3A_822], %swap3A_825 {strides = array<i32>} : memref<16x128xf32, #tpu.memory_space<vmem>>, vector<1x16xf32>,
    %eq3A_826 = arith.cmpf oeq, %get3A_648, %max3A_698 : vector<16xf32>
    %eq3A_827 = arith.cmpf oeq, %get3A_648, %max3A_745 : vector<16xf32>
    %or3A_828 = arith.ori %eq3A_826, %eq3A_827 : vector<16xi1>
    %select_n3A_829 = arith.select %or3A_828, %get3A_648, %broadcast_in_dim3A_5 : vector<16xi1>, vector<16xf32>
    %swap3A_830 = arith.constant 8 : i32
    %swap3A_831 = arith.index_cast %swap3A_830 : i32 to index
    %swap3A_832 = arith.constant 32 : index
    %swap3A_833 = tpu.vector_load %arg5[%swap3A_831, %swap3A_832] {strides = array<i32>} : memref<16x128xf32, #tpu.memory_space<vmem>>, vector<1x16xf32>,
    %swap3A_834 = vector.shape_cast %swap3A_833 : vector<1x16xf32> to vector<16xf32>
    %swap3A_835 = vector.shape_cast %select_n3A_829 : vector<16xf32> to vector<1x16xf32>
    tpu.vector_store %arg5[%swap3A_831, %swap3A_832], %swap3A_835 {strides = array<i32>} : memref<16x128xf32, #tpu.memory_space<vmem>>, vector<1x16xf32>,
    %eq3A_836 = arith.cmpf oeq, %get3A_653, %max3A_698 : vector<16xf32>
    %eq3A_837 = arith.cmpf oeq, %get3A_653, %max3A_745 : vector<16xf32>
    %or3A_838 = arith.ori %eq3A_836, %eq3A_837 : vector<16xi1>
    %select_n3A_839 = arith.select %or3A_838, %get3A_653, %broadcast_in_dim3A_5 : vector<16xi1>, vector<16xf32>
    %swap3A_840 = arith.constant 9 : i32
    %swap3A_841 = arith.index_cast %swap3A_840 : i32 to index
    %swap3A_842 = arith.constant 32 : index
    %swap3A_843 = tpu.vector_load %arg5[%swap3A_841, %swap3A_842] {strides = array<i32>} : memref<16x128xf32, #tpu.memory_space<vmem>>, vector<1x16xf32>,
    %swap3A_844 = vector.shape_cast %swap3A_843 : vector<1x16xf32> to vector<16xf32>
    %swap3A_845 = vector.shape_cast %select_n3A_839 : vector<16xf32> to vector<1x16xf32>
    tpu.vector_store %arg5[%swap3A_841, %swap3A_842], %swap3A_845 {strides = array<i32>} : memref<16x128xf32, #tpu.memory_space<vmem>>, vector<1x16xf32>,
    %eq3A_846 = arith.cmpf oeq, %get3A_658, %max3A_698 : vector<16xf32>
    %eq3A_847 = arith.cmpf oeq, %get3A_658, %max3A_745 : vector<16xf32>
    %or3A_848 = arith.ori %eq3A_846, %eq3A_847 : vector<16xi1>
    %select_n3A_849 = arith.select %or3A_848, %get3A_658, %broadcast_in_dim3A_5 : vector<16xi1>, vector<16xf32>
    %swap3A_850 = arith.constant 10 : i32
    %swap3A_851 = arith.index_cast %swap3A_850 : i32 to index
    %swap3A_852 = arith.constant 32 : index
    %swap3A_853 = tpu.vector_load %arg5[%swap3A_851, %swap3A_852] {strides = array<i32>} : memref<16x128xf32, #tpu.memory_space<vmem>>, vector<1x16xf32>,
    %swap3A_854 = vector.shape_cast %swap3A_853 : vector<1x16xf32> to vector<16xf32>
    %swap3A_855 = vector.shape_cast %select_n3A_849 : vector<16xf32> to vector<1x16xf32>
    tpu.vector_store %arg5[%swap3A_851, %swap3A_852], %swap3A_855 {strides = array<i32>} : memref<16x128xf32, #tpu.memory_space<vmem>>, vector<1x16xf32>,
    %eq3A_856 = arith.cmpf oeq, %get3A_663, %max3A_698 : vector<16xf32>
    %eq3A_857 = arith.cmpf oeq, %get3A_663, %max3A_745 : vector<16xf32>
    %or3A_858 = arith.ori %eq3A_856, %eq3A_857 : vector<16xi1>
    %select_n3A_859 = arith.select %or3A_858, %get3A_663, %broadcast_in_dim3A_5 : vector<16xi1>, vector<16xf32>
    %swap3A_860 = arith.constant 11 : i32
    %swap3A_861 = arith.index_cast %swap3A_860 : i32 to index
    %swap3A_862 = arith.constant 32 : index
    %swap3A_863 = tpu.vector_load %arg5[%swap3A_861, %swap3A_862] {strides = array<i32>} : memref<16x128xf32, #tpu.memory_space<vmem>>, vector<1x16xf32>,
    %swap3A_864 = vector.shape_cast %swap3A_863 : vector<1x16xf32> to vector<16xf32>
    %swap3A_865 = vector.shape_cast %select_n3A_859 : vector<16xf32> to vector<1x16xf32>
    tpu.vector_store %arg5[%swap3A_861, %swap3A_862], %swap3A_865 {strides = array<i32>} : memref<16x128xf32, #tpu.memory_space<vmem>>, vector<1x16xf32>,
    %eq3A_866 = arith.cmpf oeq, %get3A_668, %max3A_698 : vector<16xf32>
    %eq3A_867 = arith.cmpf oeq, %get3A_668, %max3A_745 : vector<16xf32>
    %or3A_868 = arith.ori %eq3A_866, %eq3A_867 : vector<16xi1>
    %select_n3A_869 = arith.select %or3A_868, %get3A_668, %broadcast_in_dim3A_5 : vector<16xi1>, vector<16xf32>
    %swap3A_870 = arith.constant 12 : i32
    %swap3A_871 = arith.index_cast %swap3A_870 : i32 to index
    %swap3A_872 = arith.constant 32 : index
    %swap3A_873 = tpu.vector_load %arg5[%swap3A_871, %swap3A_872] {strides = array<i32>} : memref<16x128xf32, #tpu.memory_space<vmem>>, vector<1x16xf32>,
    %swap3A_874 = vector.shape_cast %swap3A_873 : vector<1x16xf32> to vector<16xf32>
    %swap3A_875 = vector.shape_cast %select_n3A_869 : vector<16xf32> to vector<1x16xf32>
    tpu.vector_store %arg5[%swap3A_871, %swap3A_872], %swap3A_875 {strides = array<i32>} : memref<16x128xf32, #tpu.memory_space<vmem>>, vector<1x16xf32>,
    %eq3A_876 = arith.cmpf oeq, %get3A_673, %max3A_698 : vector<16xf32>
    %eq3A_877 = arith.cmpf oeq, %get3A_673, %max3A_745 : vector<16xf32>
    %or3A_878 = arith.ori %eq3A_876, %eq3A_877 : vector<16xi1>
    %select_n3A_879 = arith.select %or3A_878, %get3A_673, %broadcast_in_dim3A_5 : vector<16xi1>, vector<16xf32>
    %swap3A_880 = arith.constant 13 : i32
    %swap3A_881 = arith.index_cast %swap3A_880 : i32 to index
    %swap3A_882 = arith.constant 32 : index
    %swap3A_883 = tpu.vector_load %arg5[%swap3A_881, %swap3A_882] {strides = array<i32>} : memref<16x128xf32, #tpu.memory_space<vmem>>, vector<1x16xf32>,
    %swap3A_884 = vector.shape_cast %swap3A_883 : vector<1x16xf32> to vector<16xf32>
    %swap3A_885 = vector.shape_cast %select_n3A_879 : vector<16xf32> to vector<1x16xf32>
    tpu.vector_store %arg5[%swap3A_881, %swap3A_882], %swap3A_885 {strides = array<i32>} : memref<16x128xf32, #tpu.memory_space<vmem>>, vector<1x16xf32>,
    %eq3A_886 = arith.cmpf oeq, %get3A_678, %max3A_698 : vector<16xf32>
    %eq3A_887 = arith.cmpf oeq, %get3A_678, %max3A_745 : vector<16xf32>
    %or3A_888 = arith.ori %eq3A_886, %eq3A_887 : vector<16xi1>
    %select_n3A_889 = arith.select %or3A_888, %get3A_678, %broadcast_in_dim3A_5 : vector<16xi1>, vector<16xf32>
    %swap3A_890 = arith.constant 14 : i32
    %swap3A_891 = arith.index_cast %swap3A_890 : i32 to index
    %swap3A_892 = arith.constant 32 : index
    %swap3A_893 = tpu.vector_load %arg5[%swap3A_891, %swap3A_892] {strides = array<i32>} : memref<16x128xf32, #tpu.memory_space<vmem>>, vector<1x16xf32>,
    %swap3A_894 = vector.shape_cast %swap3A_893 : vector<1x16xf32> to vector<16xf32>
    %swap3A_895 = vector.shape_cast %select_n3A_889 : vector<16xf32> to vector<1x16xf32>
    tpu.vector_store %arg5[%swap3A_891, %swap3A_892], %swap3A_895 {strides = array<i32>} : memref<16x128xf32, #tpu.memory_space<vmem>>, vector<1x16xf32>,
    %eq3A_896 = arith.cmpf oeq, %get3A_683, %max3A_698 : vector<16xf32>
    %eq3A_897 = arith.cmpf oeq, %get3A_683, %max3A_745 : vector<16xf32>
    %or3A_898 = arith.ori %eq3A_896, %eq3A_897 : vector<16xi1>
    %select_n3A_899 = arith.select %or3A_898, %get3A_683, %broadcast_in_dim3A_5 : vector<16xi1>, vector<16xf32>
    %swap3A_900 = arith.constant 15 : i32
    %swap3A_901 = arith.index_cast %swap3A_900 : i32 to index
    %swap3A_902 = arith.constant 32 : index
    %swap3A_903 = tpu.vector_load %arg5[%swap3A_901, %swap3A_902] {strides = array<i32>} : memref<16x128xf32, #tpu.memory_space<vmem>>, vector<1x16xf32>,
    %swap3A_904 = vector.shape_cast %swap3A_903 : vector<1x16xf32> to vector<16xf32>
    %swap3A_905 = vector.shape_cast %select_n3A_899 : vector<16xf32> to vector<1x16xf32>
    tpu.vector_store %arg5[%swap3A_901, %swap3A_902], %swap3A_905 {strides = array<i32>} : memref<16x128xf32, #tpu.memory_space<vmem>>, vector<1x16xf32>,
    %get3A_906 = arith.constant 0 : i32
    %get3A_907 = arith.index_cast %get3A_906 : i32 to index
    %get3A_908 = arith.constant 48 : index
    %get3A_909 = tpu.vector_load %arg4[%get3A_907, %get3A_908] {strides = array<i32>} : memref<16x128xf32, #tpu.memory_space<vmem>>, vector<1x16xf32>,
    %get3A_910 = vector.shape_cast %get3A_909 : vector<1x16xf32> to vector<16xf32>
    %get3A_911 = arith.constant 1 : i32
    %get3A_912 = arith.index_cast %get3A_911 : i32 to index
    %get3A_913 = arith.constant 48 : index
    %get3A_914 = tpu.vector_load %arg4[%get3A_912, %get3A_913] {strides = array<i32>} : memref<16x128xf32, #tpu.memory_space<vmem>>, vector<1x16xf32>,
    %get3A_915 = vector.shape_cast %get3A_914 : vector<1x16xf32> to vector<16xf32>
    %get3A_916 = arith.constant 2 : i32
    %get3A_917 = arith.index_cast %get3A_916 : i32 to index
    %get3A_918 = arith.constant 48 : index
    %get3A_919 = tpu.vector_load %arg4[%get3A_917, %get3A_918] {strides = array<i32>} : memref<16x128xf32, #tpu.memory_space<vmem>>, vector<1x16xf32>,
    %get3A_920 = vector.shape_cast %get3A_919 : vector<1x16xf32> to vector<16xf32>
    %get3A_921 = arith.constant 3 : i32
    %get3A_922 = arith.index_cast %get3A_921 : i32 to index
    %get3A_923 = arith.constant 48 : index
    %get3A_924 = tpu.vector_load %arg4[%get3A_922, %get3A_923] {strides = array<i32>} : memref<16x128xf32, #tpu.memory_space<vmem>>, vector<1x16xf32>,
    %get3A_925 = vector.shape_cast %get3A_924 : vector<1x16xf32> to vector<16xf32>
    %get3A_926 = arith.constant 4 : i32
    %get3A_927 = arith.index_cast %get3A_926 : i32 to index
    %get3A_928 = arith.constant 48 : index
    %get3A_929 = tpu.vector_load %arg4[%get3A_927, %get3A_928] {strides = array<i32>} : memref<16x128xf32, #tpu.memory_space<vmem>>, vector<1x16xf32>,
    %get3A_930 = vector.shape_cast %get3A_929 : vector<1x16xf32> to vector<16xf32>
    %get3A_931 = arith.constant 5 : i32
    %get3A_932 = arith.index_cast %get3A_931 : i32 to index
    %get3A_933 = arith.constant 48 : index
    %get3A_934 = tpu.vector_load %arg4[%get3A_932, %get3A_933] {strides = array<i32>} : memref<16x128xf32, #tpu.memory_space<vmem>>, vector<1x16xf32>,
    %get3A_935 = vector.shape_cast %get3A_934 : vector<1x16xf32> to vector<16xf32>
    %get3A_936 = arith.constant 6 : i32
    %get3A_937 = arith.index_cast %get3A_936 : i32 to index
    %get3A_938 = arith.constant 48 : index
    %get3A_939 = tpu.vector_load %arg4[%get3A_937, %get3A_938] {strides = array<i32>} : memref<16x128xf32, #tpu.memory_space<vmem>>, vector<1x16xf32>,
    %get3A_940 = vector.shape_cast %get3A_939 : vector<1x16xf32> to vector<16xf32>
    %get3A_941 = arith.constant 7 : i32
    %get3A_942 = arith.index_cast %get3A_941 : i32 to index
    %get3A_943 = arith.constant 48 : index
    %get3A_944 = tpu.vector_load %arg4[%get3A_942, %get3A_943] {strides = array<i32>} : memref<16x128xf32, #tpu.memory_space<vmem>>, vector<1x16xf32>,
    %get3A_945 = vector.shape_cast %get3A_944 : vector<1x16xf32> to vector<16xf32>
    %get3A_946 = arith.constant 8 : i32
    %get3A_947 = arith.index_cast %get3A_946 : i32 to index
    %get3A_948 = arith.constant 48 : index
    %get3A_949 = tpu.vector_load %arg4[%get3A_947, %get3A_948] {strides = array<i32>} : memref<16x128xf32, #tpu.memory_space<vmem>>, vector<1x16xf32>,
    %get3A_950 = vector.shape_cast %get3A_949 : vector<1x16xf32> to vector<16xf32>
    %get3A_951 = arith.constant 9 : i32
    %get3A_952 = arith.index_cast %get3A_951 : i32 to index
    %get3A_953 = arith.constant 48 : index
    %get3A_954 = tpu.vector_load %arg4[%get3A_952, %get3A_953] {strides = array<i32>} : memref<16x128xf32, #tpu.memory_space<vmem>>, vector<1x16xf32>,
    %get3A_955 = vector.shape_cast %get3A_954 : vector<1x16xf32> to vector<16xf32>
    %get3A_956 = arith.constant 10 : i32
    %get3A_957 = arith.index_cast %get3A_956 : i32 to index
    %get3A_958 = arith.constant 48 : index
    %get3A_959 = tpu.vector_load %arg4[%get3A_957, %get3A_958] {strides = array<i32>} : memref<16x128xf32, #tpu.memory_space<vmem>>, vector<1x16xf32>,
    %get3A_960 = vector.shape_cast %get3A_959 : vector<1x16xf32> to vector<16xf32>
    %get3A_961 = arith.constant 11 : i32
    %get3A_962 = arith.index_cast %get3A_961 : i32 to index
    %get3A_963 = arith.constant 48 : index
    %get3A_964 = tpu.vector_load %arg4[%get3A_962, %get3A_963] {strides = array<i32>} : memref<16x128xf32, #tpu.memory_space<vmem>>, vector<1x16xf32>,
    %get3A_965 = vector.shape_cast %get3A_964 : vector<1x16xf32> to vector<16xf32>
    %get3A_966 = arith.constant 12 : i32
    %get3A_967 = arith.index_cast %get3A_966 : i32 to index
    %get3A_968 = arith.constant 48 : index
    %get3A_969 = tpu.vector_load %arg4[%get3A_967, %get3A_968] {strides = array<i32>} : memref<16x128xf32, #tpu.memory_space<vmem>>, vector<1x16xf32>,
    %get3A_970 = vector.shape_cast %get3A_969 : vector<1x16xf32> to vector<16xf32>
    %get3A_971 = arith.constant 13 : i32
    %get3A_972 = arith.index_cast %get3A_971 : i32 to index
    %get3A_973 = arith.constant 48 : index
    %get3A_974 = tpu.vector_load %arg4[%get3A_972, %get3A_973] {strides = array<i32>} : memref<16x128xf32, #tpu.memory_space<vmem>>, vector<1x16xf32>,
    %get3A_975 = vector.shape_cast %get3A_974 : vector<1x16xf32> to vector<16xf32>
    %get3A_976 = arith.constant 14 : i32
    %get3A_977 = arith.index_cast %get3A_976 : i32 to index
    %get3A_978 = arith.constant 48 : index
    %get3A_979 = tpu.vector_load %arg4[%get3A_977, %get3A_978] {strides = array<i32>} : memref<16x128xf32, #tpu.memory_space<vmem>>, vector<1x16xf32>,
    %get3A_980 = vector.shape_cast %get3A_979 : vector<1x16xf32> to vector<16xf32>
    %get3A_981 = arith.constant 15 : i32
    %get3A_982 = arith.index_cast %get3A_981 : i32 to index
    %get3A_983 = arith.constant 48 : index
    %get3A_984 = tpu.vector_load %arg4[%get3A_982, %get3A_983] {strides = array<i32>} : memref<16x128xf32, #tpu.memory_space<vmem>>, vector<1x16xf32>,
    %get3A_985 = vector.shape_cast %get3A_984 : vector<1x16xf32> to vector<16xf32>
    %max3A_986 = arith.maximumf %get3A_910, %get3A_915 : vector<16xf32>
    %max3A_987 = arith.maximumf %get3A_920, %get3A_925 : vector<16xf32>
    %max3A_988 = arith.maximumf %get3A_930, %get3A_935 : vector<16xf32>
    %max3A_989 = arith.maximumf %get3A_940, %get3A_945 : vector<16xf32>
    %max3A_990 = arith.maximumf %get3A_950, %get3A_955 : vector<16xf32>
    %max3A_991 = arith.maximumf %get3A_960, %get3A_965 : vector<16xf32>
    %max3A_992 = arith.maximumf %get3A_970, %get3A_975 : vector<16xf32>
    %max3A_993 = arith.maximumf %get3A_980, %get3A_985 : vector<16xf32>
    %max3A_994 = arith.maximumf %max3A_986, %max3A_987 : vector<16xf32>
    %max3A_995 = arith.maximumf %max3A_988, %max3A_989 : vector<16xf32>
    %max3A_996 = arith.maximumf %max3A_990, %max3A_991 : vector<16xf32>
    %max3A_997 = arith.maximumf %max3A_992, %max3A_993 : vector<16xf32>
    %max3A_998 = arith.maximumf %max3A_994, %max3A_995 : vector<16xf32>
    %max3A_999 = arith.maximumf %max3A_996, %max3A_997 : vector<16xf32>
    %max3A_1000 = arith.maximumf %max3A_998, %max3A_999 : vector<16xf32>
    %eq3A_1001 = arith.cmpf oeq, %get3A_910, %max3A_1000 : vector<16xf32>
    %select_n3A_1002 = arith.select %eq3A_1001, %broadcast_in_dim3A_3, %get3A_910 : vector<16xi1>, vector<16xf32>
    %eq3A_1003 = arith.cmpf oeq, %get3A_915, %max3A_1000 : vector<16xf32>
    %select_n3A_1004 = arith.select %eq3A_1003, %broadcast_in_dim3A_3, %get3A_915 : vector<16xi1>, vector<16xf32>
    %eq3A_1005 = arith.cmpf oeq, %get3A_920, %max3A_1000 : vector<16xf32>
    %select_n3A_1006 = arith.select %eq3A_1005, %broadcast_in_dim3A_3, %get3A_920 : vector<16xi1>, vector<16xf32>
    %eq3A_1007 = arith.cmpf oeq, %get3A_925, %max3A_1000 : vector<16xf32>
    %select_n3A_1008 = arith.select %eq3A_1007, %broadcast_in_dim3A_3, %get3A_925 : vector<16xi1>, vector<16xf32>
    %eq3A_1009 = arith.cmpf oeq, %get3A_930, %max3A_1000 : vector<16xf32>
    %select_n3A_1010 = arith.select %eq3A_1009, %broadcast_in_dim3A_3, %get3A_930 : vector<16xi1>, vector<16xf32>
    %eq3A_1011 = arith.cmpf oeq, %get3A_935, %max3A_1000 : vector<16xf32>
    %select_n3A_1012 = arith.select %eq3A_1011, %broadcast_in_dim3A_3, %get3A_935 : vector<16xi1>, vector<16xf32>
    %eq3A_1013 = arith.cmpf oeq, %get3A_940, %max3A_1000 : vector<16xf32>
    %select_n3A_1014 = arith.select %eq3A_1013, %broadcast_in_dim3A_3, %get3A_940 : vector<16xi1>, vector<16xf32>
    %eq3A_1015 = arith.cmpf oeq, %get3A_945, %max3A_1000 : vector<16xf32>
    %select_n3A_1016 = arith.select %eq3A_1015, %broadcast_in_dim3A_3, %get3A_945 : vector<16xi1>, vector<16xf32>
    %eq3A_1017 = arith.cmpf oeq, %get3A_950, %max3A_1000 : vector<16xf32>
    %select_n3A_1018 = arith.select %eq3A_1017, %broadcast_in_dim3A_3, %get3A_950 : vector<16xi1>, vector<16xf32>
    %eq3A_1019 = arith.cmpf oeq, %get3A_955, %max3A_1000 : vector<16xf32>
    %select_n3A_1020 = arith.select %eq3A_1019, %broadcast_in_dim3A_3, %get3A_955 : vector<16xi1>, vector<16xf32>
    %eq3A_1021 = arith.cmpf oeq, %get3A_960, %max3A_1000 : vector<16xf32>
    %select_n3A_1022 = arith.select %eq3A_1021, %broadcast_in_dim3A_3, %get3A_960 : vector<16xi1>, vector<16xf32>
    %eq3A_1023 = arith.cmpf oeq, %get3A_965, %max3A_1000 : vector<16xf32>
    %select_n3A_1024 = arith.select %eq3A_1023, %broadcast_in_dim3A_3, %get3A_965 : vector<16xi1>, vector<16xf32>
    %eq3A_1025 = arith.cmpf oeq, %get3A_970, %max3A_1000 : vector<16xf32>
    %select_n3A_1026 = arith.select %eq3A_1025, %broadcast_in_dim3A_3, %get3A_970 : vector<16xi1>, vector<16xf32>
    %eq3A_1027 = arith.cmpf oeq, %get3A_975, %max3A_1000 : vector<16xf32>
    %select_n3A_1028 = arith.select %eq3A_1027, %broadcast_in_dim3A_3, %get3A_975 : vector<16xi1>, vector<16xf32>
    %eq3A_1029 = arith.cmpf oeq, %get3A_980, %max3A_1000 : vector<16xf32>
    %select_n3A_1030 = arith.select %eq3A_1029, %broadcast_in_dim3A_3, %get3A_980 : vector<16xi1>, vector<16xf32>
    %eq3A_1031 = arith.cmpf oeq, %get3A_985, %max3A_1000 : vector<16xf32>
    %select_n3A_1032 = arith.select %eq3A_1031, %broadcast_in_dim3A_3, %get3A_985 : vector<16xi1>, vector<16xf32>
    %max3A_1033 = arith.maximumf %select_n3A_1002, %select_n3A_1004 : vector<16xf32>
    %max3A_1034 = arith.maximumf %select_n3A_1006, %select_n3A_1008 : vector<16xf32>
    %max3A_1035 = arith.maximumf %select_n3A_1010, %select_n3A_1012 : vector<16xf32>
    %max3A_1036 = arith.maximumf %select_n3A_1014, %select_n3A_1016 : vector<16xf32>
    %max3A_1037 = arith.maximumf %select_n3A_1018, %select_n3A_1020 : vector<16xf32>
    %max3A_1038 = arith.maximumf %select_n3A_1022, %select_n3A_1024 : vector<16xf32>
    %max3A_1039 = arith.maximumf %select_n3A_1026, %select_n3A_1028 : vector<16xf32>
    %max3A_1040 = arith.maximumf %select_n3A_1030, %select_n3A_1032 : vector<16xf32>
    %max3A_1041 = arith.maximumf %max3A_1033, %max3A_1034 : vector<16xf32>
    %max3A_1042 = arith.maximumf %max3A_1035, %max3A_1036 : vector<16xf32>
    %max3A_1043 = arith.maximumf %max3A_1037, %max3A_1038 : vector<16xf32>
    %max3A_1044 = arith.maximumf %max3A_1039, %max3A_1040 : vector<16xf32>
    %max3A_1045 = arith.maximumf %max3A_1041, %max3A_1042 : vector<16xf32>
    %max3A_1046 = arith.maximumf %max3A_1043, %max3A_1044 : vector<16xf32>
    %max3A_1047 = arith.maximumf %max3A_1045, %max3A_1046 : vector<16xf32>
    %eq3A_1048 = arith.cmpf oeq, %get3A_910, %max3A_1000 : vector<16xf32>
    %eq3A_1049 = arith.cmpf oeq, %get3A_910, %max3A_1047 : vector<16xf32>
    %or3A_1050 = arith.ori %eq3A_1048, %eq3A_1049 : vector<16xi1>
    %select_n3A_1051 = arith.select %or3A_1050, %get3A_910, %broadcast_in_dim3A_5 : vector<16xi1>, vector<16xf32>
    %swap3A_1052 = arith.constant 0 : i32
    %swap3A_1053 = arith.index_cast %swap3A_1052 : i32 to index
    %swap3A_1054 = arith.constant 48 : index
    %swap3A_1055 = tpu.vector_load %arg5[%swap3A_1053, %swap3A_1054] {strides = array<i32>} : memref<16x128xf32, #tpu.memory_space<vmem>>, vector<1x16xf32>,
    %swap3A_1056 = vector.shape_cast %swap3A_1055 : vector<1x16xf32> to vector<16xf32>
    %swap3A_1057 = vector.shape_cast %select_n3A_1051 : vector<16xf32> to vector<1x16xf32>
    tpu.vector_store %arg5[%swap3A_1053, %swap3A_1054], %swap3A_1057 {strides = array<i32>} : memref<16x128xf32, #tpu.memory_space<vmem>>, vector<1x16xf32>,
    %eq3A_1058 = arith.cmpf oeq, %get3A_915, %max3A_1000 : vector<16xf32>
    %eq3A_1059 = arith.cmpf oeq, %get3A_915, %max3A_1047 : vector<16xf32>
    %or3A_1060 = arith.ori %eq3A_1058, %eq3A_1059 : vector<16xi1>
    %select_n3A_1061 = arith.select %or3A_1060, %get3A_915, %broadcast_in_dim3A_5 : vector<16xi1>, vector<16xf32>
    %swap3A_1062 = arith.constant 1 : i32
    %swap3A_1063 = arith.index_cast %swap3A_1062 : i32 to index
    %swap3A_1064 = arith.constant 48 : index
    %swap3A_1065 = tpu.vector_load %arg5[%swap3A_1063, %swap3A_1064] {strides = array<i32>} : memref<16x128xf32, #tpu.memory_space<vmem>>, vector<1x16xf32>,
    %swap3A_1066 = vector.shape_cast %swap3A_1065 : vector<1x16xf32> to vector<16xf32>
    %swap3A_1067 = vector.shape_cast %select_n3A_1061 : vector<16xf32> to vector<1x16xf32>
    tpu.vector_store %arg5[%swap3A_1063, %swap3A_1064], %swap3A_1067 {strides = array<i32>} : memref<16x128xf32, #tpu.memory_space<vmem>>, vector<1x16xf32>,
    %eq3A_1068 = arith.cmpf oeq, %get3A_920, %max3A_1000 : vector<16xf32>
    %eq3A_1069 = arith.cmpf oeq, %get3A_920, %max3A_1047 : vector<16xf32>
    %or3A_1070 = arith.ori %eq3A_1068, %eq3A_1069 : vector<16xi1>
    %select_n3A_1071 = arith.select %or3A_1070, %get3A_920, %broadcast_in_dim3A_5 : vector<16xi1>, vector<16xf32>
    %swap3A_1072 = arith.constant 2 : i32
    %swap3A_1073 = arith.index_cast %swap3A_1072 : i32 to index
    %swap3A_1074 = arith.constant 48 : index
    %swap3A_1075 = tpu.vector_load %arg5[%swap3A_1073, %swap3A_1074] {strides = array<i32>} : memref<16x128xf32, #tpu.memory_space<vmem>>, vector<1x16xf32>,
    %swap3A_1076 = vector.shape_cast %swap3A_1075 : vector<1x16xf32> to vector<16xf32>
    %swap3A_1077 = vector.shape_cast %select_n3A_1071 : vector<16xf32> to vector<1x16xf32>
    tpu.vector_store %arg5[%swap3A_1073, %swap3A_1074], %swap3A_1077 {strides = array<i32>} : memref<16x128xf32, #tpu.memory_space<vmem>>, vector<1x16xf32>,
    %eq3A_1078 = arith.cmpf oeq, %get3A_925, %max3A_1000 : vector<16xf32>
    %eq3A_1079 = arith.cmpf oeq, %get3A_925, %max3A_1047 : vector<16xf32>
    %or3A_1080 = arith.ori %eq3A_1078, %eq3A_1079 : vector<16xi1>
    %select_n3A_1081 = arith.select %or3A_1080, %get3A_925, %broadcast_in_dim3A_5 : vector<16xi1>, vector<16xf32>
    %swap3A_1082 = arith.constant 3 : i32
    %swap3A_1083 = arith.index_cast %swap3A_1082 : i32 to index
    %swap3A_1084 = arith.constant 48 : index
    %swap3A_1085 = tpu.vector_load %arg5[%swap3A_1083, %swap3A_1084] {strides = array<i32>} : memref<16x128xf32, #tpu.memory_space<vmem>>, vector<1x16xf32>,
    %swap3A_1086 = vector.shape_cast %swap3A_1085 : vector<1x16xf32> to vector<16xf32>
    %swap3A_1087 = vector.shape_cast %select_n3A_1081 : vector<16xf32> to vector<1x16xf32>
    tpu.vector_store %arg5[%swap3A_1083, %swap3A_1084], %swap3A_1087 {strides = array<i32>} : memref<16x128xf32, #tpu.memory_space<vmem>>, vector<1x16xf32>,
    %eq3A_1088 = arith.cmpf oeq, %get3A_930, %max3A_1000 : vector<16xf32>
    %eq3A_1089 = arith.cmpf oeq, %get3A_930, %max3A_1047 : vector<16xf32>
    %or3A_1090 = arith.ori %eq3A_1088, %eq3A_1089 : vector<16xi1>
    %select_n3A_1091 = arith.select %or3A_1090, %get3A_930, %broadcast_in_dim3A_5 : vector<16xi1>, vector<16xf32>
    %swap3A_1092 = arith.constant 4 : i32
    %swap3A_1093 = arith.index_cast %swap3A_1092 : i32 to index
    %swap3A_1094 = arith.constant 48 : index
    %swap3A_1095 = tpu.vector_load %arg5[%swap3A_1093, %swap3A_1094] {strides = array<i32>} : memref<16x128xf32, #tpu.memory_space<vmem>>, vector<1x16xf32>,
    %swap3A_1096 = vector.shape_cast %swap3A_1095 : vector<1x16xf32> to vector<16xf32>
    %swap3A_1097 = vector.shape_cast %select_n3A_1091 : vector<16xf32> to vector<1x16xf32>
    tpu.vector_store %arg5[%swap3A_1093, %swap3A_1094], %swap3A_1097 {strides = array<i32>} : memref<16x128xf32, #tpu.memory_space<vmem>>, vector<1x16xf32>,
    %eq3A_1098 = arith.cmpf oeq, %get3A_935, %max3A_1000 : vector<16xf32>
    %eq3A_1099 = arith.cmpf oeq, %get3A_935, %max3A_1047 : vector<16xf32>
    %or3A_1100 = arith.ori %eq3A_1098, %eq3A_1099 : vector<16xi1>
    %select_n3A_1101 = arith.select %or3A_1100, %get3A_935, %broadcast_in_dim3A_5 : vector<16xi1>, vector<16xf32>
    %swap3A_1102 = arith.constant 5 : i32
    %swap3A_1103 = arith.index_cast %swap3A_1102 : i32 to index
    %swap3A_1104 = arith.constant 48 : index
    %swap3A_1105 = tpu.vector_load %arg5[%swap3A_1103, %swap3A_1104] {strides = array<i32>} : memref<16x128xf32, #tpu.memory_space<vmem>>, vector<1x16xf32>,
    %swap3A_1106 = vector.shape_cast %swap3A_1105 : vector<1x16xf32> to vector<16xf32>
    %swap3A_1107 = vector.shape_cast %select_n3A_1101 : vector<16xf32> to vector<1x16xf32>
    tpu.vector_store %arg5[%swap3A_1103, %swap3A_1104], %swap3A_1107 {strides = array<i32>} : memref<16x128xf32, #tpu.memory_space<vmem>>, vector<1x16xf32>,
    %eq3A_1108 = arith.cmpf oeq, %get3A_940, %max3A_1000 : vector<16xf32>
    %eq3A_1109 = arith.cmpf oeq, %get3A_940, %max3A_1047 : vector<16xf32>
    %or3A_1110 = arith.ori %eq3A_1108, %eq3A_1109 : vector<16xi1>
    %select_n3A_1111 = arith.select %or3A_1110, %get3A_940, %broadcast_in_dim3A_5 : vector<16xi1>, vector<16xf32>
    %swap3A_1112 = arith.constant 6 : i32
    %swap3A_1113 = arith.index_cast %swap3A_1112 : i32 to index
    %swap3A_1114 = arith.constant 48 : index
    %swap3A_1115 = tpu.vector_load %arg5[%swap3A_1113, %swap3A_1114] {strides = array<i32>} : memref<16x128xf32, #tpu.memory_space<vmem>>, vector<1x16xf32>,
    %swap3A_1116 = vector.shape_cast %swap3A_1115 : vector<1x16xf32> to vector<16xf32>
    %swap3A_1117 = vector.shape_cast %select_n3A_1111 : vector<16xf32> to vector<1x16xf32>
    tpu.vector_store %arg5[%swap3A_1113, %swap3A_1114], %swap3A_1117 {strides = array<i32>} : memref<16x128xf32, #tpu.memory_space<vmem>>, vector<1x16xf32>,
    %eq3A_1118 = arith.cmpf oeq, %get3A_945, %max3A_1000 : vector<16xf32>
    %eq3A_1119 = arith.cmpf oeq, %get3A_945, %max3A_1047 : vector<16xf32>
    %or3A_1120 = arith.ori %eq3A_1118, %eq3A_1119 : vector<16xi1>
    %select_n3A_1121 = arith.select %or3A_1120, %get3A_945, %broadcast_in_dim3A_5 : vector<16xi1>, vector<16xf32>
    %swap3A_1122 = arith.constant 7 : i32
    %swap3A_1123 = arith.index_cast %swap3A_1122 : i32 to index
    %swap3A_1124 = arith.constant 48 : index
    %swap3A_1125 = tpu.vector_load %arg5[%swap3A_1123, %swap3A_1124] {strides = array<i32>} : memref<16x128xf32, #tpu.memory_space<vmem>>, vector<1x16xf32>,
    %swap3A_1126 = vector.shape_cast %swap3A_1125 : vector<1x16xf32> to vector<16xf32>
    %swap3A_1127 = vector.shape_cast %select_n3A_1121 : vector<16xf32> to vector<1x16xf32>
    tpu.vector_store %arg5[%swap3A_1123, %swap3A_1124], %swap3A_1127 {strides = array<i32>} : memref<16x128xf32, #tpu.memory_space<vmem>>, vector<1x16xf32>,
    %eq3A_1128 = arith.cmpf oeq, %get3A_950, %max3A_1000 : vector<16xf32>
    %eq3A_1129 = arith.cmpf oeq, %get3A_950, %max3A_1047 : vector<16xf32>
    %or3A_1130 = arith.ori %eq3A_1128, %eq3A_1129 : vector<16xi1>
    %select_n3A_1131 = arith.select %or3A_1130, %get3A_950, %broadcast_in_dim3A_5 : vector<16xi1>, vector<16xf32>
    %swap3A_1132 = arith.constant 8 : i32
    %swap3A_1133 = arith.index_cast %swap3A_1132 : i32 to index
    %swap3A_1134 = arith.constant 48 : index
    %swap3A_1135 = tpu.vector_load %arg5[%swap3A_1133, %swap3A_1134] {strides = array<i32>} : memref<16x128xf32, #tpu.memory_space<vmem>>, vector<1x16xf32>,
    %swap3A_1136 = vector.shape_cast %swap3A_1135 : vector<1x16xf32> to vector<16xf32>
    %swap3A_1137 = vector.shape_cast %select_n3A_1131 : vector<16xf32> to vector<1x16xf32>
    tpu.vector_store %arg5[%swap3A_1133, %swap3A_1134], %swap3A_1137 {strides = array<i32>} : memref<16x128xf32, #tpu.memory_space<vmem>>, vector<1x16xf32>,
    %eq3A_1138 = arith.cmpf oeq, %get3A_955, %max3A_1000 : vector<16xf32>
    %eq3A_1139 = arith.cmpf oeq, %get3A_955, %max3A_1047 : vector<16xf32>
    %or3A_1140 = arith.ori %eq3A_1138, %eq3A_1139 : vector<16xi1>
    %select_n3A_1141 = arith.select %or3A_1140, %get3A_955, %broadcast_in_dim3A_5 : vector<16xi1>, vector<16xf32>
    %swap3A_1142 = arith.constant 9 : i32
    %swap3A_1143 = arith.index_cast %swap3A_1142 : i32 to index
    %swap3A_1144 = arith.constant 48 : index
    %swap3A_1145 = tpu.vector_load %arg5[%swap3A_1143, %swap3A_1144] {strides = array<i32>} : memref<16x128xf32, #tpu.memory_space<vmem>>, vector<1x16xf32>,
    %swap3A_1146 = vector.shape_cast %swap3A_1145 : vector<1x16xf32> to vector<16xf32>
    %swap3A_1147 = vector.shape_cast %select_n3A_1141 : vector<16xf32> to vector<1x16xf32>
    tpu.vector_store %arg5[%swap3A_1143, %swap3A_1144], %swap3A_1147 {strides = array<i32>} : memref<16x128xf32, #tpu.memory_space<vmem>>, vector<1x16xf32>,
    %eq3A_1148 = arith.cmpf oeq, %get3A_960, %max3A_1000 : vector<16xf32>
    %eq3A_1149 = arith.cmpf oeq, %get3A_960, %max3A_1047 : vector<16xf32>
    %or3A_1150 = arith.ori %eq3A_1148, %eq3A_1149 : vector<16xi1>
    %select_n3A_1151 = arith.select %or3A_1150, %get3A_960, %broadcast_in_dim3A_5 : vector<16xi1>, vector<16xf32>
    %swap3A_1152 = arith.constant 10 : i32
    %swap3A_1153 = arith.index_cast %swap3A_1152 : i32 to index
    %swap3A_1154 = arith.constant 48 : index
    %swap3A_1155 = tpu.vector_load %arg5[%swap3A_1153, %swap3A_1154] {strides = array<i32>} : memref<16x128xf32, #tpu.memory_space<vmem>>, vector<1x16xf32>,
    %swap3A_1156 = vector.shape_cast %swap3A_1155 : vector<1x16xf32> to vector<16xf32>
    %swap3A_1157 = vector.shape_cast %select_n3A_1151 : vector<16xf32> to vector<1x16xf32>
    tpu.vector_store %arg5[%swap3A_1153, %swap3A_1154], %swap3A_1157 {strides = array<i32>} : memref<16x128xf32, #tpu.memory_space<vmem>>, vector<1x16xf32>,
    %eq3A_1158 = arith.cmpf oeq, %get3A_965, %max3A_1000 : vector<16xf32>
    %eq3A_1159 = arith.cmpf oeq, %get3A_965, %max3A_1047 : vector<16xf32>
    %or3A_1160 = arith.ori %eq3A_1158, %eq3A_1159 : vector<16xi1>
    %select_n3A_1161 = arith.select %or3A_1160, %get3A_965, %broadcast_in_dim3A_5 : vector<16xi1>, vector<16xf32>
    %swap3A_1162 = arith.constant 11 : i32
    %swap3A_1163 = arith.index_cast %swap3A_1162 : i32 to index
    %swap3A_1164 = arith.constant 48 : index
    %swap3A_1165 = tpu.vector_load %arg5[%swap3A_1163, %swap3A_1164] {strides = array<i32>} : memref<16x128xf32, #tpu.memory_space<vmem>>, vector<1x16xf32>,
    %swap3A_1166 = vector.shape_cast %swap3A_1165 : vector<1x16xf32> to vector<16xf32>
    %swap3A_1167 = vector.shape_cast %select_n3A_1161 : vector<16xf32> to vector<1x16xf32>
    tpu.vector_store %arg5[%swap3A_1163, %swap3A_1164], %swap3A_1167 {strides = array<i32>} : memref<16x128xf32, #tpu.memory_space<vmem>>, vector<1x16xf32>,
    %eq3A_1168 = arith.cmpf oeq, %get3A_970, %max3A_1000 : vector<16xf32>
    %eq3A_1169 = arith.cmpf oeq, %get3A_970, %max3A_1047 : vector<16xf32>
    %or3A_1170 = arith.ori %eq3A_1168, %eq3A_1169 : vector<16xi1>
    %select_n3A_1171 = arith.select %or3A_1170, %get3A_970, %broadcast_in_dim3A_5 : vector<16xi1>, vector<16xf32>
    %swap3A_1172 = arith.constant 12 : i32
    %swap3A_1173 = arith.index_cast %swap3A_1172 : i32 to index
    %swap3A_1174 = arith.constant 48 : index
    %swap3A_1175 = tpu.vector_load %arg5[%swap3A_1173, %swap3A_1174] {strides = array<i32>} : memref<16x128xf32, #tpu.memory_space<vmem>>, vector<1x16xf32>,
    %swap3A_1176 = vector.shape_cast %swap3A_1175 : vector<1x16xf32> to vector<16xf32>
    %swap3A_1177 = vector.shape_cast %select_n3A_1171 : vector<16xf32> to vector<1x16xf32>
    tpu.vector_store %arg5[%swap3A_1173, %swap3A_1174], %swap3A_1177 {strides = array<i32>} : memref<16x128xf32, #tpu.memory_space<vmem>>, vector<1x16xf32>,
    %eq3A_1178 = arith.cmpf oeq, %get3A_975, %max3A_1000 : vector<16xf32>
    %eq3A_1179 = arith.cmpf oeq, %get3A_975, %max3A_1047 : vector<16xf32>
    %or3A_1180 = arith.ori %eq3A_1178, %eq3A_1179 : vector<16xi1>
    %select_n3A_1181 = arith.select %or3A_1180, %get3A_975, %broadcast_in_dim3A_5 : vector<16xi1>, vector<16xf32>
    %swap3A_1182 = arith.constant 13 : i32
    %swap3A_1183 = arith.index_cast %swap3A_1182 : i32 to index
    %swap3A_1184 = arith.constant 48 : index
    %swap3A_1185 = tpu.vector_load %arg5[%swap3A_1183, %swap3A_1184] {strides = array<i32>} : memref<16x128xf32, #tpu.memory_space<vmem>>, vector<1x16xf32>,
    %swap3A_1186 = vector.shape_cast %swap3A_1185 : vector<1x16xf32> to vector<16xf32>
    %swap3A_1187 = vector.shape_cast %select_n3A_1181 : vector<16xf32> to vector<1x16xf32>
    tpu.vector_store %arg5[%swap3A_1183, %swap3A_1184], %swap3A_1187 {strides = array<i32>} : memref<16x128xf32, #tpu.memory_space<vmem>>, vector<1x16xf32>,
    %eq3A_1188 = arith.cmpf oeq, %get3A_980, %max3A_1000 : vector<16xf32>
    %eq3A_1189 = arith.cmpf oeq, %get3A_980, %max3A_1047 : vector<16xf32>
    %or3A_1190 = arith.ori %eq3A_1188, %eq3A_1189 : vector<16xi1>
    %select_n3A_1191 = arith.select %or3A_1190, %get3A_980, %broadcast_in_dim3A_5 : vector<16xi1>, vector<16xf32>
    %swap3A_1192 = arith.constant 14 : i32
    %swap3A_1193 = arith.index_cast %swap3A_1192 : i32 to index
    %swap3A_1194 = arith.constant 48 : index
    %swap3A_1195 = tpu.vector_load %arg5[%swap3A_1193, %swap3A_1194] {strides = array<i32>} : memref<16x128xf32, #tpu.memory_space<vmem>>, vector<1x16xf32>,
    %swap3A_1196 = vector.shape_cast %swap3A_1195 : vector<1x16xf32> to vector<16xf32>
    %swap3A_1197 = vector.shape_cast %select_n3A_1191 : vector<16xf32> to vector<1x16xf32>
    tpu.vector_store %arg5[%swap3A_1193, %swap3A_1194], %swap3A_1197 {strides = array<i32>} : memref<16x128xf32, #tpu.memory_space<vmem>>, vector<1x16xf32>,
    %eq3A_1198 = arith.cmpf oeq, %get3A_985, %max3A_1000 : vector<16xf32>
    %eq3A_1199 = arith.cmpf oeq, %get3A_985, %max3A_1047 : vector<16xf32>
    %or3A_1200 = arith.ori %eq3A_1198, %eq3A_1199 : vector<16xi1>
    %select_n3A_1201 = arith.select %or3A_1200, %get3A_985, %broadcast_in_dim3A_5 : vector<16xi1>, vector<16xf32>
    %swap3A_1202 = arith.constant 15 : i32
    %swap3A_1203 = arith.index_cast %swap3A_1202 : i32 to index
    %swap3A_1204 = arith.constant 48 : index
    %swap3A_1205 = tpu.vector_load %arg5[%swap3A_1203, %swap3A_1204] {strides = array<i32>} : memref<16x128xf32, #tpu.memory_space<vmem>>, vector<1x16xf32>,
    %swap3A_1206 = vector.shape_cast %swap3A_1205 : vector<1x16xf32> to vector<16xf32>
    %swap3A_1207 = vector.shape_cast %select_n3A_1201 : vector<16xf32> to vector<1x16xf32>
    tpu.vector_store %arg5[%swap3A_1203, %swap3A_1204], %swap3A_1207 {strides = array<i32>} : memref<16x128xf32, #tpu.memory_space<vmem>>, vector<1x16xf32>,
    %get3A_1208 = arith.constant 0 : i32
    %get3A_1209 = arith.index_cast %get3A_1208 : i32 to index
    %get3A_1210 = arith.constant 64 : index
    %get3A_1211 = tpu.vector_load %arg4[%get3A_1209, %get3A_1210] {strides = array<i32>} : memref<16x128xf32, #tpu.memory_space<vmem>>, vector<1x16xf32>,
    %get3A_1212 = vector.shape_cast %get3A_1211 : vector<1x16xf32> to vector<16xf32>
    %get3A_1213 = arith.constant 1 : i32
    %get3A_1214 = arith.index_cast %get3A_1213 : i32 to index
    %get3A_1215 = arith.constant 64 : index
    %get3A_1216 = tpu.vector_load %arg4[%get3A_1214, %get3A_1215] {strides = array<i32>} : memref<16x128xf32, #tpu.memory_space<vmem>>, vector<1x16xf32>,
    %get3A_1217 = vector.shape_cast %get3A_1216 : vector<1x16xf32> to vector<16xf32>
    %get3A_1218 = arith.constant 2 : i32
    %get3A_1219 = arith.index_cast %get3A_1218 : i32 to index
    %get3A_1220 = arith.constant 64 : index
    %get3A_1221 = tpu.vector_load %arg4[%get3A_1219, %get3A_1220] {strides = array<i32>} : memref<16x128xf32, #tpu.memory_space<vmem>>, vector<1x16xf32>,
    %get3A_1222 = vector.shape_cast %get3A_1221 : vector<1x16xf32> to vector<16xf32>
    %get3A_1223 = arith.constant 3 : i32
    %get3A_1224 = arith.index_cast %get3A_1223 : i32 to index
    %get3A_1225 = arith.constant 64 : index
    %get3A_1226 = tpu.vector_load %arg4[%get3A_1224, %get3A_1225] {strides = array<i32>} : memref<16x128xf32, #tpu.memory_space<vmem>>, vector<1x16xf32>,
    %get3A_1227 = vector.shape_cast %get3A_1226 : vector<1x16xf32> to vector<16xf32>
    %get3A_1228 = arith.constant 4 : i32
    %get3A_1229 = arith.index_cast %get3A_1228 : i32 to index
    %get3A_1230 = arith.constant 64 : index
    %get3A_1231 = tpu.vector_load %arg4[%get3A_1229, %get3A_1230] {strides = array<i32>} : memref<16x128xf32, #tpu.memory_space<vmem>>, vector<1x16xf32>,
    %get3A_1232 = vector.shape_cast %get3A_1231 : vector<1x16xf32> to vector<16xf32>
    %get3A_1233 = arith.constant 5 : i32
    %get3A_1234 = arith.index_cast %get3A_1233 : i32 to index
    %get3A_1235 = arith.constant 64 : index
    %get3A_1236 = tpu.vector_load %arg4[%get3A_1234, %get3A_1235] {strides = array<i32>} : memref<16x128xf32, #tpu.memory_space<vmem>>, vector<1x16xf32>,
    %get3A_1237 = vector.shape_cast %get3A_1236 : vector<1x16xf32> to vector<16xf32>
    %get3A_1238 = arith.constant 6 : i32
    %get3A_1239 = arith.index_cast %get3A_1238 : i32 to index
    %get3A_1240 = arith.constant 64 : index
    %get3A_1241 = tpu.vector_load %arg4[%get3A_1239, %get3A_1240] {strides = array<i32>} : memref<16x128xf32, #tpu.memory_space<vmem>>, vector<1x16xf32>,
    %get3A_1242 = vector.shape_cast %get3A_1241 : vector<1x16xf32> to vector<16xf32>
    %get3A_1243 = arith.constant 7 : i32
    %get3A_1244 = arith.index_cast %get3A_1243 : i32 to index
    %get3A_1245 = arith.constant 64 : index
    %get3A_1246 = tpu.vector_load %arg4[%get3A_1244, %get3A_1245] {strides = array<i32>} : memref<16x128xf32, #tpu.memory_space<vmem>>, vector<1x16xf32>,
    %get3A_1247 = vector.shape_cast %get3A_1246 : vector<1x16xf32> to vector<16xf32>
    %get3A_1248 = arith.constant 8 : i32
    %get3A_1249 = arith.index_cast %get3A_1248 : i32 to index
    %get3A_1250 = arith.constant 64 : index
    %get3A_1251 = tpu.vector_load %arg4[%get3A_1249, %get3A_1250] {strides = array<i32>} : memref<16x128xf32, #tpu.memory_space<vmem>>, vector<1x16xf32>,
    %get3A_1252 = vector.shape_cast %get3A_1251 : vector<1x16xf32> to vector<16xf32>
    %get3A_1253 = arith.constant 9 : i32
    %get3A_1254 = arith.index_cast %get3A_1253 : i32 to index
    %get3A_1255 = arith.constant 64 : index
    %get3A_1256 = tpu.vector_load %arg4[%get3A_1254, %get3A_1255] {strides = array<i32>} : memref<16x128xf32, #tpu.memory_space<vmem>>, vector<1x16xf32>,
    %get3A_1257 = vector.shape_cast %get3A_1256 : vector<1x16xf32> to vector<16xf32>
    %get3A_1258 = arith.constant 10 : i32
    %get3A_1259 = arith.index_cast %get3A_1258 : i32 to index
    %get3A_1260 = arith.constant 64 : index
    %get3A_1261 = tpu.vector_load %arg4[%get3A_1259, %get3A_1260] {strides = array<i32>} : memref<16x128xf32, #tpu.memory_space<vmem>>, vector<1x16xf32>,
    %get3A_1262 = vector.shape_cast %get3A_1261 : vector<1x16xf32> to vector<16xf32>
    %get3A_1263 = arith.constant 11 : i32
    %get3A_1264 = arith.index_cast %get3A_1263 : i32 to index
    %get3A_1265 = arith.constant 64 : index
    %get3A_1266 = tpu.vector_load %arg4[%get3A_1264, %get3A_1265] {strides = array<i32>} : memref<16x128xf32, #tpu.memory_space<vmem>>, vector<1x16xf32>,
    %get3A_1267 = vector.shape_cast %get3A_1266 : vector<1x16xf32> to vector<16xf32>
    %get3A_1268 = arith.constant 12 : i32
    %get3A_1269 = arith.index_cast %get3A_1268 : i32 to index
    %get3A_1270 = arith.constant 64 : index
    %get3A_1271 = tpu.vector_load %arg4[%get3A_1269, %get3A_1270] {strides = array<i32>} : memref<16x128xf32, #tpu.memory_space<vmem>>, vector<1x16xf32>,
    %get3A_1272 = vector.shape_cast %get3A_1271 : vector<1x16xf32> to vector<16xf32>
    %get3A_1273 = arith.constant 13 : i32
    %get3A_1274 = arith.index_cast %get3A_1273 : i32 to index
    %get3A_1275 = arith.constant 64 : index
    %get3A_1276 = tpu.vector_load %arg4[%get3A_1274, %get3A_1275] {strides = array<i32>} : memref<16x128xf32, #tpu.memory_space<vmem>>, vector<1x16xf32>,
    %get3A_1277 = vector.shape_cast %get3A_1276 : vector<1x16xf32> to vector<16xf32>
    %get3A_1278 = arith.constant 14 : i32
    %get3A_1279 = arith.index_cast %get3A_1278 : i32 to index
    %get3A_1280 = arith.constant 64 : index
    %get3A_1281 = tpu.vector_load %arg4[%get3A_1279, %get3A_1280] {strides = array<i32>} : memref<16x128xf32, #tpu.memory_space<vmem>>, vector<1x16xf32>,
    %get3A_1282 = vector.shape_cast %get3A_1281 : vector<1x16xf32> to vector<16xf32>
    %get3A_1283 = arith.constant 15 : i32
    %get3A_1284 = arith.index_cast %get3A_1283 : i32 to index
    %get3A_1285 = arith.constant 64 : index
    %get3A_1286 = tpu.vector_load %arg4[%get3A_1284, %get3A_1285] {strides = array<i32>} : memref<16x128xf32, #tpu.memory_space<vmem>>, vector<1x16xf32>,
    %get3A_1287 = vector.shape_cast %get3A_1286 : vector<1x16xf32> to vector<16xf32>
    %max3A_1288 = arith.maximumf %get3A_1212, %get3A_1217 : vector<16xf32>
    %max3A_1289 = arith.maximumf %get3A_1222, %get3A_1227 : vector<16xf32>
    %max3A_1290 = arith.maximumf %get3A_1232, %get3A_1237 : vector<16xf32>
    %max3A_1291 = arith.maximumf %get3A_1242, %get3A_1247 : vector<16xf32>
    %max3A_1292 = arith.maximumf %get3A_1252, %get3A_1257 : vector<16xf32>
    %max3A_1293 = arith.maximumf %get3A_1262, %get3A_1267 : vector<16xf32>
    %max3A_1294 = arith.maximumf %get3A_1272, %get3A_1277 : vector<16xf32>
    %max3A_1295 = arith.maximumf %get3A_1282, %get3A_1287 : vector<16xf32>
    %max3A_1296 = arith.maximumf %max3A_1288, %max3A_1289 : vector<16xf32>
    %max3A_1297 = arith.maximumf %max3A_1290, %max3A_1291 : vector<16xf32>
    %max3A_1298 = arith.maximumf %max3A_1292, %max3A_1293 : vector<16xf32>
    %max3A_1299 = arith.maximumf %max3A_1294, %max3A_1295 : vector<16xf32>
    %max3A_1300 = arith.maximumf %max3A_1296, %max3A_1297 : vector<16xf32>
    %max3A_1301 = arith.maximumf %max3A_1298, %max3A_1299 : vector<16xf32>
    %max3A_1302 = arith.maximumf %max3A_1300, %max3A_1301 : vector<16xf32>
    %eq3A_1303 = arith.cmpf oeq, %get3A_1212, %max3A_1302 : vector<16xf32>
    %select_n3A_1304 = arith.select %eq3A_1303, %broadcast_in_dim3A_3, %get3A_1212 : vector<16xi1>, vector<16xf32>
    %eq3A_1305 = arith.cmpf oeq, %get3A_1217, %max3A_1302 : vector<16xf32>
    %select_n3A_1306 = arith.select %eq3A_1305, %broadcast_in_dim3A_3, %get3A_1217 : vector<16xi1>, vector<16xf32>
    %eq3A_1307 = arith.cmpf oeq, %get3A_1222, %max3A_1302 : vector<16xf32>
    %select_n3A_1308 = arith.select %eq3A_1307, %broadcast_in_dim3A_3, %get3A_1222 : vector<16xi1>, vector<16xf32>
    %eq3A_1309 = arith.cmpf oeq, %get3A_1227, %max3A_1302 : vector<16xf32>
    %select_n3A_1310 = arith.select %eq3A_1309, %broadcast_in_dim3A_3, %get3A_1227 : vector<16xi1>, vector<16xf32>
    %eq3A_1311 = arith.cmpf oeq, %get3A_1232, %max3A_1302 : vector<16xf32>
    %select_n3A_1312 = arith.select %eq3A_1311, %broadcast_in_dim3A_3, %get3A_1232 : vector<16xi1>, vector<16xf32>
    %eq3A_1313 = arith.cmpf oeq, %get3A_1237, %max3A_1302 : vector<16xf32>
    %select_n3A_1314 = arith.select %eq3A_1313, %broadcast_in_dim3A_3, %get3A_1237 : vector<16xi1>, vector<16xf32>
    %eq3A_1315 = arith.cmpf oeq, %get3A_1242, %max3A_1302 : vector<16xf32>
    %select_n3A_1316 = arith.select %eq3A_1315, %broadcast_in_dim3A_3, %get3A_1242 : vector<16xi1>, vector<16xf32>
    %eq3A_1317 = arith.cmpf oeq, %get3A_1247, %max3A_1302 : vector<16xf32>
    %select_n3A_1318 = arith.select %eq3A_1317, %broadcast_in_dim3A_3, %get3A_1247 : vector<16xi1>, vector<16xf32>
    %eq3A_1319 = arith.cmpf oeq, %get3A_1252, %max3A_1302 : vector<16xf32>
    %select_n3A_1320 = arith.select %eq3A_1319, %broadcast_in_dim3A_3, %get3A_1252 : vector<16xi1>, vector<16xf32>
    %eq3A_1321 = arith.cmpf oeq, %get3A_1257, %max3A_1302 : vector<16xf32>
    %select_n3A_1322 = arith.select %eq3A_1321, %broadcast_in_dim3A_3, %get3A_1257 : vector<16xi1>, vector<16xf32>
    %eq3A_1323 = arith.cmpf oeq, %get3A_1262, %max3A_1302 : vector<16xf32>
    %select_n3A_1324 = arith.select %eq3A_1323, %broadcast_in_dim3A_3, %get3A_1262 : vector<16xi1>, vector<16xf32>
    %eq3A_1325 = arith.cmpf oeq, %get3A_1267, %max3A_1302 : vector<16xf32>
    %select_n3A_1326 = arith.select %eq3A_1325, %broadcast_in_dim3A_3, %get3A_1267 : vector<16xi1>, vector<16xf32>
    %eq3A_1327 = arith.cmpf oeq, %get3A_1272, %max3A_1302 : vector<16xf32>
    %select_n3A_1328 = arith.select %eq3A_1327, %broadcast_in_dim3A_3, %get3A_1272 : vector<16xi1>, vector<16xf32>
    %eq3A_1329 = arith.cmpf oeq, %get3A_1277, %max3A_1302 : vector<16xf32>
    %select_n3A_1330 = arith.select %eq3A_1329, %broadcast_in_dim3A_3, %get3A_1277 : vector<16xi1>, vector<16xf32>
    %eq3A_1331 = arith.cmpf oeq, %get3A_1282, %max3A_1302 : vector<16xf32>
    %select_n3A_1332 = arith.select %eq3A_1331, %broadcast_in_dim3A_3, %get3A_1282 : vector<16xi1>, vector<16xf32>
    %eq3A_1333 = arith.cmpf oeq, %get3A_1287, %max3A_1302 : vector<16xf32>
    %select_n3A_1334 = arith.select %eq3A_1333, %broadcast_in_dim3A_3, %get3A_1287 : vector<16xi1>, vector<16xf32>
    %max3A_1335 = arith.maximumf %select_n3A_1304, %select_n3A_1306 : vector<16xf32>
    %max3A_1336 = arith.maximumf %select_n3A_1308, %select_n3A_1310 : vector<16xf32>
    %max3A_1337 = arith.maximumf %select_n3A_1312, %select_n3A_1314 : vector<16xf32>
    %max3A_1338 = arith.maximumf %select_n3A_1316, %select_n3A_1318 : vector<16xf32>
    %max3A_1339 = arith.maximumf %select_n3A_1320, %select_n3A_1322 : vector<16xf32>
    %max3A_1340 = arith.maximumf %select_n3A_1324, %select_n3A_1326 : vector<16xf32>
    %max3A_1341 = arith.maximumf %select_n3A_1328, %select_n3A_1330 : vector<16xf32>
    %max3A_1342 = arith.maximumf %select_n3A_1332, %select_n3A_1334 : vector<16xf32>
    %max3A_1343 = arith.maximumf %max3A_1335, %max3A_1336 : vector<16xf32>
    %max3A_1344 = arith.maximumf %max3A_1337, %max3A_1338 : vector<16xf32>
    %max3A_1345 = arith.maximumf %max3A_1339, %max3A_1340 : vector<16xf32>
    %max3A_1346 = arith.maximumf %max3A_1341, %max3A_1342 : vector<16xf32>
    %max3A_1347 = arith.maximumf %max3A_1343, %max3A_1344 : vector<16xf32>
    %max3A_1348 = arith.maximumf %max3A_1345, %max3A_1346 : vector<16xf32>
    %max3A_1349 = arith.maximumf %max3A_1347, %max3A_1348 : vector<16xf32>
    %eq3A_1350 = arith.cmpf oeq, %get3A_1212, %max3A_1302 : vector<16xf32>
    %eq3A_1351 = arith.cmpf oeq, %get3A_1212, %max3A_1349 : vector<16xf32>
    %or3A_1352 = arith.ori %eq3A_1350, %eq3A_1351 : vector<16xi1>
    %select_n3A_1353 = arith.select %or3A_1352, %get3A_1212, %broadcast_in_dim3A_5 : vector<16xi1>, vector<16xf32>
    %swap3A_1354 = arith.constant 0 : i32
    %swap3A_1355 = arith.index_cast %swap3A_1354 : i32 to index
    %swap3A_1356 = arith.constant 64 : index
    %swap3A_1357 = tpu.vector_load %arg5[%swap3A_1355, %swap3A_1356] {strides = array<i32>} : memref<16x128xf32, #tpu.memory_space<vmem>>, vector<1x16xf32>,
    %swap3A_1358 = vector.shape_cast %swap3A_1357 : vector<1x16xf32> to vector<16xf32>
    %swap3A_1359 = vector.shape_cast %select_n3A_1353 : vector<16xf32> to vector<1x16xf32>
    tpu.vector_store %arg5[%swap3A_1355, %swap3A_1356], %swap3A_1359 {strides = array<i32>} : memref<16x128xf32, #tpu.memory_space<vmem>>, vector<1x16xf32>,
    %eq3A_1360 = arith.cmpf oeq, %get3A_1217, %max3A_1302 : vector<16xf32>
    %eq3A_1361 = arith.cmpf oeq, %get3A_1217, %max3A_1349 : vector<16xf32>
    %or3A_1362 = arith.ori %eq3A_1360, %eq3A_1361 : vector<16xi1>
    %select_n3A_1363 = arith.select %or3A_1362, %get3A_1217, %broadcast_in_dim3A_5 : vector<16xi1>, vector<16xf32>
    %swap3A_1364 = arith.constant 1 : i32
    %swap3A_1365 = arith.index_cast %swap3A_1364 : i32 to index
    %swap3A_1366 = arith.constant 64 : index
    %swap3A_1367 = tpu.vector_load %arg5[%swap3A_1365, %swap3A_1366] {strides = array<i32>} : memref<16x128xf32, #tpu.memory_space<vmem>>, vector<1x16xf32>,
    %swap3A_1368 = vector.shape_cast %swap3A_1367 : vector<1x16xf32> to vector<16xf32>
    %swap3A_1369 = vector.shape_cast %select_n3A_1363 : vector<16xf32> to vector<1x16xf32>
    tpu.vector_store %arg5[%swap3A_1365, %swap3A_1366], %swap3A_1369 {strides = array<i32>} : memref<16x128xf32, #tpu.memory_space<vmem>>, vector<1x16xf32>,
    %eq3A_1370 = arith.cmpf oeq, %get3A_1222, %max3A_1302 : vector<16xf32>
    %eq3A_1371 = arith.cmpf oeq, %get3A_1222, %max3A_1349 : vector<16xf32>
    %or3A_1372 = arith.ori %eq3A_1370, %eq3A_1371 : vector<16xi1>
    %select_n3A_1373 = arith.select %or3A_1372, %get3A_1222, %broadcast_in_dim3A_5 : vector<16xi1>, vector<16xf32>
    %swap3A_1374 = arith.constant 2 : i32
    %swap3A_1375 = arith.index_cast %swap3A_1374 : i32 to index
    %swap3A_1376 = arith.constant 64 : index
    %swap3A_1377 = tpu.vector_load %arg5[%swap3A_1375, %swap3A_1376] {strides = array<i32>} : memref<16x128xf32, #tpu.memory_space<vmem>>, vector<1x16xf32>,
    %swap3A_1378 = vector.shape_cast %swap3A_1377 : vector<1x16xf32> to vector<16xf32>
    %swap3A_1379 = vector.shape_cast %select_n3A_1373 : vector<16xf32> to vector<1x16xf32>
    tpu.vector_store %arg5[%swap3A_1375, %swap3A_1376], %swap3A_1379 {strides = array<i32>} : memref<16x128xf32, #tpu.memory_space<vmem>>, vector<1x16xf32>,
    %eq3A_1380 = arith.cmpf oeq, %get3A_1227, %max3A_1302 : vector<16xf32>
    %eq3A_1381 = arith.cmpf oeq, %get3A_1227, %max3A_1349 : vector<16xf32>
    %or3A_1382 = arith.ori %eq3A_1380, %eq3A_1381 : vector<16xi1>
    %select_n3A_1383 = arith.select %or3A_1382, %get3A_1227, %broadcast_in_dim3A_5 : vector<16xi1>, vector<16xf32>
    %swap3A_1384 = arith.constant 3 : i32
    %swap3A_1385 = arith.index_cast %swap3A_1384 : i32 to index
    %swap3A_1386 = arith.constant 64 : index
    %swap3A_1387 = tpu.vector_load %arg5[%swap3A_1385, %swap3A_1386] {strides = array<i32>} : memref<16x128xf32, #tpu.memory_space<vmem>>, vector<1x16xf32>,
    %swap3A_1388 = vector.shape_cast %swap3A_1387 : vector<1x16xf32> to vector<16xf32>
    %swap3A_1389 = vector.shape_cast %select_n3A_1383 : vector<16xf32> to vector<1x16xf32>
    tpu.vector_store %arg5[%swap3A_1385, %swap3A_1386], %swap3A_1389 {strides = array<i32>} : memref<16x128xf32, #tpu.memory_space<vmem>>, vector<1x16xf32>,
    %eq3A_1390 = arith.cmpf oeq, %get3A_1232, %max3A_1302 : vector<16xf32>
    %eq3A_1391 = arith.cmpf oeq, %get3A_1232, %max3A_1349 : vector<16xf32>
    %or3A_1392 = arith.ori %eq3A_1390, %eq3A_1391 : vector<16xi1>
    %select_n3A_1393 = arith.select %or3A_1392, %get3A_1232, %broadcast_in_dim3A_5 : vector<16xi1>, vector<16xf32>
    %swap3A_1394 = arith.constant 4 : i32
    %swap3A_1395 = arith.index_cast %swap3A_1394 : i32 to index
    %swap3A_1396 = arith.constant 64 : index
    %swap3A_1397 = tpu.vector_load %arg5[%swap3A_1395, %swap3A_1396] {strides = array<i32>} : memref<16x128xf32, #tpu.memory_space<vmem>>, vector<1x16xf32>,
    %swap3A_1398 = vector.shape_cast %swap3A_1397 : vector<1x16xf32> to vector<16xf32>
    %swap3A_1399 = vector.shape_cast %select_n3A_1393 : vector<16xf32> to vector<1x16xf32>
    tpu.vector_store %arg5[%swap3A_1395, %swap3A_1396], %swap3A_1399 {strides = array<i32>} : memref<16x128xf32, #tpu.memory_space<vmem>>, vector<1x16xf32>,
    %eq3A_1400 = arith.cmpf oeq, %get3A_1237, %max3A_1302 : vector<16xf32>
    %eq3A_1401 = arith.cmpf oeq, %get3A_1237, %max3A_1349 : vector<16xf32>
    %or3A_1402 = arith.ori %eq3A_1400, %eq3A_1401 : vector<16xi1>
    %select_n3A_1403 = arith.select %or3A_1402, %get3A_1237, %broadcast_in_dim3A_5 : vector<16xi1>, vector<16xf32>
    %swap3A_1404 = arith.constant 5 : i32
    %swap3A_1405 = arith.index_cast %swap3A_1404 : i32 to index
    %swap3A_1406 = arith.constant 64 : index
    %swap3A_1407 = tpu.vector_load %arg5[%swap3A_1405, %swap3A_1406] {strides = array<i32>} : memref<16x128xf32, #tpu.memory_space<vmem>>, vector<1x16xf32>,
    %swap3A_1408 = vector.shape_cast %swap3A_1407 : vector<1x16xf32> to vector<16xf32>
    %swap3A_1409 = vector.shape_cast %select_n3A_1403 : vector<16xf32> to vector<1x16xf32>
    tpu.vector_store %arg5[%swap3A_1405, %swap3A_1406], %swap3A_1409 {strides = array<i32>} : memref<16x128xf32, #tpu.memory_space<vmem>>, vector<1x16xf32>,
    %eq3A_1410 = arith.cmpf oeq, %get3A_1242, %max3A_1302 : vector<16xf32>
    %eq3A_1411 = arith.cmpf oeq, %get3A_1242, %max3A_1349 : vector<16xf32>
    %or3A_1412 = arith.ori %eq3A_1410, %eq3A_1411 : vector<16xi1>
    %select_n3A_1413 = arith.select %or3A_1412, %get3A_1242, %broadcast_in_dim3A_5 : vector<16xi1>, vector<16xf32>
    %swap3A_1414 = arith.constant 6 : i32
    %swap3A_1415 = arith.index_cast %swap3A_1414 : i32 to index
    %swap3A_1416 = arith.constant 64 : index
    %swap3A_1417 = tpu.vector_load %arg5[%swap3A_1415, %swap3A_1416] {strides = array<i32>} : memref<16x128xf32, #tpu.memory_space<vmem>>, vector<1x16xf32>,
    %swap3A_1418 = vector.shape_cast %swap3A_1417 : vector<1x16xf32> to vector<16xf32>
    %swap3A_1419 = vector.shape_cast %select_n3A_1413 : vector<16xf32> to vector<1x16xf32>
    tpu.vector_store %arg5[%swap3A_1415, %swap3A_1416], %swap3A_1419 {strides = array<i32>} : memref<16x128xf32, #tpu.memory_space<vmem>>, vector<1x16xf32>,
    %eq3A_1420 = arith.cmpf oeq, %get3A_1247, %max3A_1302 : vector<16xf32>
    %eq3A_1421 = arith.cmpf oeq, %get3A_1247, %max3A_1349 : vector<16xf32>
    %or3A_1422 = arith.ori %eq3A_1420, %eq3A_1421 : vector<16xi1>
    %select_n3A_1423 = arith.select %or3A_1422, %get3A_1247, %broadcast_in_dim3A_5 : vector<16xi1>, vector<16xf32>
    %swap3A_1424 = arith.constant 7 : i32
    %swap3A_1425 = arith.index_cast %swap3A_1424 : i32 to index
    %swap3A_1426 = arith.constant 64 : index
    %swap3A_1427 = tpu.vector_load %arg5[%swap3A_1425, %swap3A_1426] {strides = array<i32>} : memref<16x128xf32, #tpu.memory_space<vmem>>, vector<1x16xf32>,
    %swap3A_1428 = vector.shape_cast %swap3A_1427 : vector<1x16xf32> to vector<16xf32>
    %swap3A_1429 = vector.shape_cast %select_n3A_1423 : vector<16xf32> to vector<1x16xf32>
    tpu.vector_store %arg5[%swap3A_1425, %swap3A_1426], %swap3A_1429 {strides = array<i32>} : memref<16x128xf32, #tpu.memory_space<vmem>>, vector<1x16xf32>,
    %eq3A_1430 = arith.cmpf oeq, %get3A_1252, %max3A_1302 : vector<16xf32>
    %eq3A_1431 = arith.cmpf oeq, %get3A_1252, %max3A_1349 : vector<16xf32>
    %or3A_1432 = arith.ori %eq3A_1430, %eq3A_1431 : vector<16xi1>
    %select_n3A_1433 = arith.select %or3A_1432, %get3A_1252, %broadcast_in_dim3A_5 : vector<16xi1>, vector<16xf32>
    %swap3A_1434 = arith.constant 8 : i32
    %swap3A_1435 = arith.index_cast %swap3A_1434 : i32 to index
    %swap3A_1436 = arith.constant 64 : index
    %swap3A_1437 = tpu.vector_load %arg5[%swap3A_1435, %swap3A_1436] {strides = array<i32>} : memref<16x128xf32, #tpu.memory_space<vmem>>, vector<1x16xf32>,
    %swap3A_1438 = vector.shape_cast %swap3A_1437 : vector<1x16xf32> to vector<16xf32>
    %swap3A_1439 = vector.shape_cast %select_n3A_1433 : vector<16xf32> to vector<1x16xf32>
    tpu.vector_store %arg5[%swap3A_1435, %swap3A_1436], %swap3A_1439 {strides = array<i32>} : memref<16x128xf32, #tpu.memory_space<vmem>>, vector<1x16xf32>,
    %eq3A_1440 = arith.cmpf oeq, %get3A_1257, %max3A_1302 : vector<16xf32>
    %eq3A_1441 = arith.cmpf oeq, %get3A_1257, %max3A_1349 : vector<16xf32>
    %or3A_1442 = arith.ori %eq3A_1440, %eq3A_1441 : vector<16xi1>
    %select_n3A_1443 = arith.select %or3A_1442, %get3A_1257, %broadcast_in_dim3A_5 : vector<16xi1>, vector<16xf32>
    %swap3A_1444 = arith.constant 9 : i32
    %swap3A_1445 = arith.index_cast %swap3A_1444 : i32 to index
    %swap3A_1446 = arith.constant 64 : index
    %swap3A_1447 = tpu.vector_load %arg5[%swap3A_1445, %swap3A_1446] {strides = array<i32>} : memref<16x128xf32, #tpu.memory_space<vmem>>, vector<1x16xf32>,
    %swap3A_1448 = vector.shape_cast %swap3A_1447 : vector<1x16xf32> to vector<16xf32>
    %swap3A_1449 = vector.shape_cast %select_n3A_1443 : vector<16xf32> to vector<1x16xf32>
    tpu.vector_store %arg5[%swap3A_1445, %swap3A_1446], %swap3A_1449 {strides = array<i32>} : memref<16x128xf32, #tpu.memory_space<vmem>>, vector<1x16xf32>,
    %eq3A_1450 = arith.cmpf oeq, %get3A_1262, %max3A_1302 : vector<16xf32>
    %eq3A_1451 = arith.cmpf oeq, %get3A_1262, %max3A_1349 : vector<16xf32>
    %or3A_1452 = arith.ori %eq3A_1450, %eq3A_1451 : vector<16xi1>
    %select_n3A_1453 = arith.select %or3A_1452, %get3A_1262, %broadcast_in_dim3A_5 : vector<16xi1>, vector<16xf32>
    %swap3A_1454 = arith.constant 10 : i32
    %swap3A_1455 = arith.index_cast %swap3A_1454 : i32 to index
    %swap3A_1456 = arith.constant 64 : index
    %swap3A_1457 = tpu.vector_load %arg5[%swap3A_1455, %swap3A_1456] {strides = array<i32>} : memref<16x128xf32, #tpu.memory_space<vmem>>, vector<1x16xf32>,
    %swap3A_1458 = vector.shape_cast %swap3A_1457 : vector<1x16xf32> to vector<16xf32>
    %swap3A_1459 = vector.shape_cast %select_n3A_1453 : vector<16xf32> to vector<1x16xf32>
    tpu.vector_store %arg5[%swap3A_1455, %swap3A_1456], %swap3A_1459 {strides = array<i32>} : memref<16x128xf32, #tpu.memory_space<vmem>>, vector<1x16xf32>,
    %eq3A_1460 = arith.cmpf oeq, %get3A_1267, %max3A_1302 : vector<16xf32>
    %eq3A_1461 = arith.cmpf oeq, %get3A_1267, %max3A_1349 : vector<16xf32>
    %or3A_1462 = arith.ori %eq3A_1460, %eq3A_1461 : vector<16xi1>
    %select_n3A_1463 = arith.select %or3A_1462, %get3A_1267, %broadcast_in_dim3A_5 : vector<16xi1>, vector<16xf32>
    %swap3A_1464 = arith.constant 11 : i32
    %swap3A_1465 = arith.index_cast %swap3A_1464 : i32 to index
    %swap3A_1466 = arith.constant 64 : index
    %swap3A_1467 = tpu.vector_load %arg5[%swap3A_1465, %swap3A_1466] {strides = array<i32>} : memref<16x128xf32, #tpu.memory_space<vmem>>, vector<1x16xf32>,
    %swap3A_1468 = vector.shape_cast %swap3A_1467 : vector<1x16xf32> to vector<16xf32>
    %swap3A_1469 = vector.shape_cast %select_n3A_1463 : vector<16xf32> to vector<1x16xf32>
    tpu.vector_store %arg5[%swap3A_1465, %swap3A_1466], %swap3A_1469 {strides = array<i32>} : memref<16x128xf32, #tpu.memory_space<vmem>>, vector<1x16xf32>,
    %eq3A_1470 = arith.cmpf oeq, %get3A_1272, %max3A_1302 : vector<16xf32>
    %eq3A_1471 = arith.cmpf oeq, %get3A_1272, %max3A_1349 : vector<16xf32>
    %or3A_1472 = arith.ori %eq3A_1470, %eq3A_1471 : vector<16xi1>
    %select_n3A_1473 = arith.select %or3A_1472, %get3A_1272, %broadcast_in_dim3A_5 : vector<16xi1>, vector<16xf32>
    %swap3A_1474 = arith.constant 12 : i32
    %swap3A_1475 = arith.index_cast %swap3A_1474 : i32 to index
    %swap3A_1476 = arith.constant 64 : index
    %swap3A_1477 = tpu.vector_load %arg5[%swap3A_1475, %swap3A_1476] {strides = array<i32>} : memref<16x128xf32, #tpu.memory_space<vmem>>, vector<1x16xf32>,
    %swap3A_1478 = vector.shape_cast %swap3A_1477 : vector<1x16xf32> to vector<16xf32>
    %swap3A_1479 = vector.shape_cast %select_n3A_1473 : vector<16xf32> to vector<1x16xf32>
    tpu.vector_store %arg5[%swap3A_1475, %swap3A_1476], %swap3A_1479 {strides = array<i32>} : memref<16x128xf32, #tpu.memory_space<vmem>>, vector<1x16xf32>,
    %eq3A_1480 = arith.cmpf oeq, %get3A_1277, %max3A_1302 : vector<16xf32>
    %eq3A_1481 = arith.cmpf oeq, %get3A_1277, %max3A_1349 : vector<16xf32>
    %or3A_1482 = arith.ori %eq3A_1480, %eq3A_1481 : vector<16xi1>
    %select_n3A_1483 = arith.select %or3A_1482, %get3A_1277, %broadcast_in_dim3A_5 : vector<16xi1>, vector<16xf32>
    %swap3A_1484 = arith.constant 13 : i32
    %swap3A_1485 = arith.index_cast %swap3A_1484 : i32 to index
    %swap3A_1486 = arith.constant 64 : index
    %swap3A_1487 = tpu.vector_load %arg5[%swap3A_1485, %swap3A_1486] {strides = array<i32>} : memref<16x128xf32, #tpu.memory_space<vmem>>, vector<1x16xf32>,
    %swap3A_1488 = vector.shape_cast %swap3A_1487 : vector<1x16xf32> to vector<16xf32>
    %swap3A_1489 = vector.shape_cast %select_n3A_1483 : vector<16xf32> to vector<1x16xf32>
    tpu.vector_store %arg5[%swap3A_1485, %swap3A_1486], %swap3A_1489 {strides = array<i32>} : memref<16x128xf32, #tpu.memory_space<vmem>>, vector<1x16xf32>,
    %eq3A_1490 = arith.cmpf oeq, %get3A_1282, %max3A_1302 : vector<16xf32>
    %eq3A_1491 = arith.cmpf oeq, %get3A_1282, %max3A_1349 : vector<16xf32>
    %or3A_1492 = arith.ori %eq3A_1490, %eq3A_1491 : vector<16xi1>
    %select_n3A_1493 = arith.select %or3A_1492, %get3A_1282, %broadcast_in_dim3A_5 : vector<16xi1>, vector<16xf32>
    %swap3A_1494 = arith.constant 14 : i32
    %swap3A_1495 = arith.index_cast %swap3A_1494 : i32 to index
    %swap3A_1496 = arith.constant 64 : index
    %swap3A_1497 = tpu.vector_load %arg5[%swap3A_1495, %swap3A_1496] {strides = array<i32>} : memref<16x128xf32, #tpu.memory_space<vmem>>, vector<1x16xf32>,
    %swap3A_1498 = vector.shape_cast %swap3A_1497 : vector<1x16xf32> to vector<16xf32>
    %swap3A_1499 = vector.shape_cast %select_n3A_1493 : vector<16xf32> to vector<1x16xf32>
    tpu.vector_store %arg5[%swap3A_1495, %swap3A_1496], %swap3A_1499 {strides = array<i32>} : memref<16x128xf32, #tpu.memory_space<vmem>>, vector<1x16xf32>,
    %eq3A_1500 = arith.cmpf oeq, %get3A_1287, %max3A_1302 : vector<16xf32>
    %eq3A_1501 = arith.cmpf oeq, %get3A_1287, %max3A_1349 : vector<16xf32>
    %or3A_1502 = arith.ori %eq3A_1500, %eq3A_1501 : vector<16xi1>
    %select_n3A_1503 = arith.select %or3A_1502, %get3A_1287, %broadcast_in_dim3A_5 : vector<16xi1>, vector<16xf32>
    %swap3A_1504 = arith.constant 15 : i32
    %swap3A_1505 = arith.index_cast %swap3A_1504 : i32 to index
    %swap3A_1506 = arith.constant 64 : index
    %swap3A_1507 = tpu.vector_load %arg5[%swap3A_1505, %swap3A_1506] {strides = array<i32>} : memref<16x128xf32, #tpu.memory_space<vmem>>, vector<1x16xf32>,
    %swap3A_1508 = vector.shape_cast %swap3A_1507 : vector<1x16xf32> to vector<16xf32>
    %swap3A_1509 = vector.shape_cast %select_n3A_1503 : vector<16xf32> to vector<1x16xf32>
    tpu.vector_store %arg5[%swap3A_1505, %swap3A_1506], %swap3A_1509 {strides = array<i32>} : memref<16x128xf32, #tpu.memory_space<vmem>>, vector<1x16xf32>,
    %get3A_1510 = arith.constant 0 : i32
    %get3A_1511 = arith.index_cast %get3A_1510 : i32 to index
    %get3A_1512 = arith.constant 80 : index
    %get3A_1513 = tpu.vector_load %arg4[%get3A_1511, %get3A_1512] {strides = array<i32>} : memref<16x128xf32, #tpu.memory_space<vmem>>, vector<1x16xf32>,
    %get3A_1514 = vector.shape_cast %get3A_1513 : vector<1x16xf32> to vector<16xf32>
    %get3A_1515 = arith.constant 1 : i32
    %get3A_1516 = arith.index_cast %get3A_1515 : i32 to index
    %get3A_1517 = arith.constant 80 : index
    %get3A_1518 = tpu.vector_load %arg4[%get3A_1516, %get3A_1517] {strides = array<i32>} : memref<16x128xf32, #tpu.memory_space<vmem>>, vector<1x16xf32>,
    %get3A_1519 = vector.shape_cast %get3A_1518 : vector<1x16xf32> to vector<16xf32>
    %get3A_1520 = arith.constant 2 : i32
    %get3A_1521 = arith.index_cast %get3A_1520 : i32 to index
    %get3A_1522 = arith.constant 80 : index
    %get3A_1523 = tpu.vector_load %arg4[%get3A_1521, %get3A_1522] {strides = array<i32>} : memref<16x128xf32, #tpu.memory_space<vmem>>, vector<1x16xf32>,
    %get3A_1524 = vector.shape_cast %get3A_1523 : vector<1x16xf32> to vector<16xf32>
    %get3A_1525 = arith.constant 3 : i32
    %get3A_1526 = arith.index_cast %get3A_1525 : i32 to index
    %get3A_1527 = arith.constant 80 : index
    %get3A_1528 = tpu.vector_load %arg4[%get3A_1526, %get3A_1527] {strides = array<i32>} : memref<16x128xf32, #tpu.memory_space<vmem>>, vector<1x16xf32>,
    %get3A_1529 = vector.shape_cast %get3A_1528 : vector<1x16xf32> to vector<16xf32>
    %get3A_1530 = arith.constant 4 : i32
    %get3A_1531 = arith.index_cast %get3A_1530 : i32 to index
    %get3A_1532 = arith.constant 80 : index
    %get3A_1533 = tpu.vector_load %arg4[%get3A_1531, %get3A_1532] {strides = array<i32>} : memref<16x128xf32, #tpu.memory_space<vmem>>, vector<1x16xf32>,
    %get3A_1534 = vector.shape_cast %get3A_1533 : vector<1x16xf32> to vector<16xf32>
    %get3A_1535 = arith.constant 5 : i32
    %get3A_1536 = arith.index_cast %get3A_1535 : i32 to index
    %get3A_1537 = arith.constant 80 : index
    %get3A_1538 = tpu.vector_load %arg4[%get3A_1536, %get3A_1537] {strides = array<i32>} : memref<16x128xf32, #tpu.memory_space<vmem>>, vector<1x16xf32>,
    %get3A_1539 = vector.shape_cast %get3A_1538 : vector<1x16xf32> to vector<16xf32>
    %get3A_1540 = arith.constant 6 : i32
    %get3A_1541 = arith.index_cast %get3A_1540 : i32 to index
    %get3A_1542 = arith.constant 80 : index
    %get3A_1543 = tpu.vector_load %arg4[%get3A_1541, %get3A_1542] {strides = array<i32>} : memref<16x128xf32, #tpu.memory_space<vmem>>, vector<1x16xf32>,
    %get3A_1544 = vector.shape_cast %get3A_1543 : vector<1x16xf32> to vector<16xf32>
    %get3A_1545 = arith.constant 7 : i32
    %get3A_1546 = arith.index_cast %get3A_1545 : i32 to index
    %get3A_1547 = arith.constant 80 : index
    %get3A_1548 = tpu.vector_load %arg4[%get3A_1546, %get3A_1547] {strides = array<i32>} : memref<16x128xf32, #tpu.memory_space<vmem>>, vector<1x16xf32>,
    %get3A_1549 = vector.shape_cast %get3A_1548 : vector<1x16xf32> to vector<16xf32>
    %get3A_1550 = arith.constant 8 : i32
    %get3A_1551 = arith.index_cast %get3A_1550 : i32 to index
    %get3A_1552 = arith.constant 80 : index
    %get3A_1553 = tpu.vector_load %arg4[%get3A_1551, %get3A_1552] {strides = array<i32>} : memref<16x128xf32, #tpu.memory_space<vmem>>, vector<1x16xf32>,
    %get3A_1554 = vector.shape_cast %get3A_1553 : vector<1x16xf32> to vector<16xf32>
    %get3A_1555 = arith.constant 9 : i32
    %get3A_1556 = arith.index_cast %get3A_1555 : i32 to index
    %get3A_1557 = arith.constant 80 : index
    %get3A_1558 = tpu.vector_load %arg4[%get3A_1556, %get3A_1557] {strides = array<i32>} : memref<16x128xf32, #tpu.memory_space<vmem>>, vector<1x16xf32>,
    %get3A_1559 = vector.shape_cast %get3A_1558 : vector<1x16xf32> to vector<16xf32>
    %get3A_1560 = arith.constant 10 : i32
    %get3A_1561 = arith.index_cast %get3A_1560 : i32 to index
    %get3A_1562 = arith.constant 80 : index
    %get3A_1563 = tpu.vector_load %arg4[%get3A_1561, %get3A_1562] {strides = array<i32>} : memref<16x128xf32, #tpu.memory_space<vmem>>, vector<1x16xf32>,
    %get3A_1564 = vector.shape_cast %get3A_1563 : vector<1x16xf32> to vector<16xf32>
    %get3A_1565 = arith.constant 11 : i32
    %get3A_1566 = arith.index_cast %get3A_1565 : i32 to index
    %get3A_1567 = arith.constant 80 : index
    %get3A_1568 = tpu.vector_load %arg4[%get3A_1566, %get3A_1567] {strides = array<i32>} : memref<16x128xf32, #tpu.memory_space<vmem>>, vector<1x16xf32>,
    %get3A_1569 = vector.shape_cast %get3A_1568 : vector<1x16xf32> to vector<16xf32>
    %get3A_1570 = arith.constant 12 : i32
    %get3A_1571 = arith.index_cast %get3A_1570 : i32 to index
    %get3A_1572 = arith.constant 80 : index
    %get3A_1573 = tpu.vector_load %arg4[%get3A_1571, %get3A_1572] {strides = array<i32>} : memref<16x128xf32, #tpu.memory_space<vmem>>, vector<1x16xf32>,
    %get3A_1574 = vector.shape_cast %get3A_1573 : vector<1x16xf32> to vector<16xf32>
    %get3A_1575 = arith.constant 13 : i32
    %get3A_1576 = arith.index_cast %get3A_1575 : i32 to index
    %get3A_1577 = arith.constant 80 : index
    %get3A_1578 = tpu.vector_load %arg4[%get3A_1576, %get3A_1577] {strides = array<i32>} : memref<16x128xf32, #tpu.memory_space<vmem>>, vector<1x16xf32>,
    %get3A_1579 = vector.shape_cast %get3A_1578 : vector<1x16xf32> to vector<16xf32>
    %get3A_1580 = arith.constant 14 : i32
    %get3A_1581 = arith.index_cast %get3A_1580 : i32 to index
    %get3A_1582 = arith.constant 80 : index
    %get3A_1583 = tpu.vector_load %arg4[%get3A_1581, %get3A_1582] {strides = array<i32>} : memref<16x128xf32, #tpu.memory_space<vmem>>, vector<1x16xf32>,
    %get3A_1584 = vector.shape_cast %get3A_1583 : vector<1x16xf32> to vector<16xf32>
    %get3A_1585 = arith.constant 15 : i32
    %get3A_1586 = arith.index_cast %get3A_1585 : i32 to index
    %get3A_1587 = arith.constant 80 : index
    %get3A_1588 = tpu.vector_load %arg4[%get3A_1586, %get3A_1587] {strides = array<i32>} : memref<16x128xf32, #tpu.memory_space<vmem>>, vector<1x16xf32>,
    %get3A_1589 = vector.shape_cast %get3A_1588 : vector<1x16xf32> to vector<16xf32>
    %max3A_1590 = arith.maximumf %get3A_1514, %get3A_1519 : vector<16xf32>
    %max3A_1591 = arith.maximumf %get3A_1524, %get3A_1529 : vector<16xf32>
    %max3A_1592 = arith.maximumf %get3A_1534, %get3A_1539 : vector<16xf32>
    %max3A_1593 = arith.maximumf %get3A_1544, %get3A_1549 : vector<16xf32>
    %max3A_1594 = arith.maximumf %get3A_1554, %get3A_1559 : vector<16xf32>
    %max3A_1595 = arith.maximumf %get3A_1564, %get3A_1569 : vector<16xf32>
    %max3A_1596 = arith.maximumf %get3A_1574, %get3A_1579 : vector<16xf32>
    %max3A_1597 = arith.maximumf %get3A_1584, %get3A_1589 : vector<16xf32>
    %max3A_1598 = arith.maximumf %max3A_1590, %max3A_1591 : vector<16xf32>
    %max3A_1599 = arith.maximumf %max3A_1592, %max3A_1593 : vector<16xf32>
    %max3A_1600 = arith.maximumf %max3A_1594, %max3A_1595 : vector<16xf32>
    %max3A_1601 = arith.maximumf %max3A_1596, %max3A_1597 : vector<16xf32>
    %max3A_1602 = arith.maximumf %max3A_1598, %max3A_1599 : vector<16xf32>
    %max3A_1603 = arith.maximumf %max3A_1600, %max3A_1601 : vector<16xf32>
    %max3A_1604 = arith.maximumf %max3A_1602, %max3A_1603 : vector<16xf32>
    %eq3A_1605 = arith.cmpf oeq, %get3A_1514, %max3A_1604 : vector<16xf32>
    %select_n3A_1606 = arith.select %eq3A_1605, %broadcast_in_dim3A_3, %get3A_1514 : vector<16xi1>, vector<16xf32>
    %eq3A_1607 = arith.cmpf oeq, %get3A_1519, %max3A_1604 : vector<16xf32>
    %select_n3A_1608 = arith.select %eq3A_1607, %broadcast_in_dim3A_3, %get3A_1519 : vector<16xi1>, vector<16xf32>
    %eq3A_1609 = arith.cmpf oeq, %get3A_1524, %max3A_1604 : vector<16xf32>
    %select_n3A_1610 = arith.select %eq3A_1609, %broadcast_in_dim3A_3, %get3A_1524 : vector<16xi1>, vector<16xf32>
    %eq3A_1611 = arith.cmpf oeq, %get3A_1529, %max3A_1604 : vector<16xf32>
    %select_n3A_1612 = arith.select %eq3A_1611, %broadcast_in_dim3A_3, %get3A_1529 : vector<16xi1>, vector<16xf32>
    %eq3A_1613 = arith.cmpf oeq, %get3A_1534, %max3A_1604 : vector<16xf32>
    %select_n3A_1614 = arith.select %eq3A_1613, %broadcast_in_dim3A_3, %get3A_1534 : vector<16xi1>, vector<16xf32>
    %eq3A_1615 = arith.cmpf oeq, %get3A_1539, %max3A_1604 : vector<16xf32>
    %select_n3A_1616 = arith.select %eq3A_1615, %broadcast_in_dim3A_3, %get3A_1539 : vector<16xi1>, vector<16xf32>
    %eq3A_1617 = arith.cmpf oeq, %get3A_1544, %max3A_1604 : vector<16xf32>
    %select_n3A_1618 = arith.select %eq3A_1617, %broadcast_in_dim3A_3, %get3A_1544 : vector<16xi1>, vector<16xf32>
    %eq3A_1619 = arith.cmpf oeq, %get3A_1549, %max3A_1604 : vector<16xf32>
    %select_n3A_1620 = arith.select %eq3A_1619, %broadcast_in_dim3A_3, %get3A_1549 : vector<16xi1>, vector<16xf32>
    %eq3A_1621 = arith.cmpf oeq, %get3A_1554, %max3A_1604 : vector<16xf32>
    %select_n3A_1622 = arith.select %eq3A_1621, %broadcast_in_dim3A_3, %get3A_1554 : vector<16xi1>, vector<16xf32>
    %eq3A_1623 = arith.cmpf oeq, %get3A_1559, %max3A_1604 : vector<16xf32>
    %select_n3A_1624 = arith.select %eq3A_1623, %broadcast_in_dim3A_3, %get3A_1559 : vector<16xi1>, vector<16xf32>
    %eq3A_1625 = arith.cmpf oeq, %get3A_1564, %max3A_1604 : vector<16xf32>
    %select_n3A_1626 = arith.select %eq3A_1625, %broadcast_in_dim3A_3, %get3A_1564 : vector<16xi1>, vector<16xf32>
    %eq3A_1627 = arith.cmpf oeq, %get3A_1569, %max3A_1604 : vector<16xf32>
    %select_n3A_1628 = arith.select %eq3A_1627, %broadcast_in_dim3A_3, %get3A_1569 : vector<16xi1>, vector<16xf32>
    %eq3A_1629 = arith.cmpf oeq, %get3A_1574, %max3A_1604 : vector<16xf32>
    %select_n3A_1630 = arith.select %eq3A_1629, %broadcast_in_dim3A_3, %get3A_1574 : vector<16xi1>, vector<16xf32>
    %eq3A_1631 = arith.cmpf oeq, %get3A_1579, %max3A_1604 : vector<16xf32>
    %select_n3A_1632 = arith.select %eq3A_1631, %broadcast_in_dim3A_3, %get3A_1579 : vector<16xi1>, vector<16xf32>
    %eq3A_1633 = arith.cmpf oeq, %get3A_1584, %max3A_1604 : vector<16xf32>
    %select_n3A_1634 = arith.select %eq3A_1633, %broadcast_in_dim3A_3, %get3A_1584 : vector<16xi1>, vector<16xf32>
    %eq3A_1635 = arith.cmpf oeq, %get3A_1589, %max3A_1604 : vector<16xf32>
    %select_n3A_1636 = arith.select %eq3A_1635, %broadcast_in_dim3A_3, %get3A_1589 : vector<16xi1>, vector<16xf32>
    %max3A_1637 = arith.maximumf %select_n3A_1606, %select_n3A_1608 : vector<16xf32>
    %max3A_1638 = arith.maximumf %select_n3A_1610, %select_n3A_1612 : vector<16xf32>
    %max3A_1639 = arith.maximumf %select_n3A_1614, %select_n3A_1616 : vector<16xf32>
    %max3A_1640 = arith.maximumf %select_n3A_1618, %select_n3A_1620 : vector<16xf32>
    %max3A_1641 = arith.maximumf %select_n3A_1622, %select_n3A_1624 : vector<16xf32>
    %max3A_1642 = arith.maximumf %select_n3A_1626, %select_n3A_1628 : vector<16xf32>
    %max3A_1643 = arith.maximumf %select_n3A_1630, %select_n3A_1632 : vector<16xf32>
    %max3A_1644 = arith.maximumf %select_n3A_1634, %select_n3A_1636 : vector<16xf32>
    %max3A_1645 = arith.maximumf %max3A_1637, %max3A_1638 : vector<16xf32>
    %max3A_1646 = arith.maximumf %max3A_1639, %max3A_1640 : vector<16xf32>
    %max3A_1647 = arith.maximumf %max3A_1641, %max3A_1642 : vector<16xf32>
    %max3A_1648 = arith.maximumf %max3A_1643, %max3A_1644 : vector<16xf32>
    %max3A_1649 = arith.maximumf %max3A_1645, %max3A_1646 : vector<16xf32>
    %max3A_1650 = arith.maximumf %max3A_1647, %max3A_1648 : vector<16xf32>
    %max3A_1651 = arith.maximumf %max3A_1649, %max3A_1650 : vector<16xf32>
    %eq3A_1652 = arith.cmpf oeq, %get3A_1514, %max3A_1604 : vector<16xf32>
    %eq3A_1653 = arith.cmpf oeq, %get3A_1514, %max3A_1651 : vector<16xf32>
    %or3A_1654 = arith.ori %eq3A_1652, %eq3A_1653 : vector<16xi1>
    %select_n3A_1655 = arith.select %or3A_1654, %get3A_1514, %broadcast_in_dim3A_5 : vector<16xi1>, vector<16xf32>
    %swap3A_1656 = arith.constant 0 : i32
    %swap3A_1657 = arith.index_cast %swap3A_1656 : i32 to index
    %swap3A_1658 = arith.constant 80 : index
    %swap3A_1659 = tpu.vector_load %arg5[%swap3A_1657, %swap3A_1658] {strides = array<i32>} : memref<16x128xf32, #tpu.memory_space<vmem>>, vector<1x16xf32>,
    %swap3A_1660 = vector.shape_cast %swap3A_1659 : vector<1x16xf32> to vector<16xf32>
    %swap3A_1661 = vector.shape_cast %select_n3A_1655 : vector<16xf32> to vector<1x16xf32>
    tpu.vector_store %arg5[%swap3A_1657, %swap3A_1658], %swap3A_1661 {strides = array<i32>} : memref<16x128xf32, #tpu.memory_space<vmem>>, vector<1x16xf32>,
    %eq3A_1662 = arith.cmpf oeq, %get3A_1519, %max3A_1604 : vector<16xf32>
    %eq3A_1663 = arith.cmpf oeq, %get3A_1519, %max3A_1651 : vector<16xf32>
    %or3A_1664 = arith.ori %eq3A_1662, %eq3A_1663 : vector<16xi1>
    %select_n3A_1665 = arith.select %or3A_1664, %get3A_1519, %broadcast_in_dim3A_5 : vector<16xi1>, vector<16xf32>
    %swap3A_1666 = arith.constant 1 : i32
    %swap3A_1667 = arith.index_cast %swap3A_1666 : i32 to index
    %swap3A_1668 = arith.constant 80 : index
    %swap3A_1669 = tpu.vector_load %arg5[%swap3A_1667, %swap3A_1668] {strides = array<i32>} : memref<16x128xf32, #tpu.memory_space<vmem>>, vector<1x16xf32>,
    %swap3A_1670 = vector.shape_cast %swap3A_1669 : vector<1x16xf32> to vector<16xf32>
    %swap3A_1671 = vector.shape_cast %select_n3A_1665 : vector<16xf32> to vector<1x16xf32>
    tpu.vector_store %arg5[%swap3A_1667, %swap3A_1668], %swap3A_1671 {strides = array<i32>} : memref<16x128xf32, #tpu.memory_space<vmem>>, vector<1x16xf32>,
    %eq3A_1672 = arith.cmpf oeq, %get3A_1524, %max3A_1604 : vector<16xf32>
    %eq3A_1673 = arith.cmpf oeq, %get3A_1524, %max3A_1651 : vector<16xf32>
    %or3A_1674 = arith.ori %eq3A_1672, %eq3A_1673 : vector<16xi1>
    %select_n3A_1675 = arith.select %or3A_1674, %get3A_1524, %broadcast_in_dim3A_5 : vector<16xi1>, vector<16xf32>
    %swap3A_1676 = arith.constant 2 : i32
    %swap3A_1677 = arith.index_cast %swap3A_1676 : i32 to index
    %swap3A_1678 = arith.constant 80 : index
    %swap3A_1679 = tpu.vector_load %arg5[%swap3A_1677, %swap3A_1678] {strides = array<i32>} : memref<16x128xf32, #tpu.memory_space<vmem>>, vector<1x16xf32>,
    %swap3A_1680 = vector.shape_cast %swap3A_1679 : vector<1x16xf32> to vector<16xf32>
    %swap3A_1681 = vector.shape_cast %select_n3A_1675 : vector<16xf32> to vector<1x16xf32>
    tpu.vector_store %arg5[%swap3A_1677, %swap3A_1678], %swap3A_1681 {strides = array<i32>} : memref<16x128xf32, #tpu.memory_space<vmem>>, vector<1x16xf32>,
    %eq3A_1682 = arith.cmpf oeq, %get3A_1529, %max3A_1604 : vector<16xf32>
    %eq3A_1683 = arith.cmpf oeq, %get3A_1529, %max3A_1651 : vector<16xf32>
    %or3A_1684 = arith.ori %eq3A_1682, %eq3A_1683 : vector<16xi1>
    %select_n3A_1685 = arith.select %or3A_1684, %get3A_1529, %broadcast_in_dim3A_5 : vector<16xi1>, vector<16xf32>
    %swap3A_1686 = arith.constant 3 : i32
    %swap3A_1687 = arith.index_cast %swap3A_1686 : i32 to index
    %swap3A_1688 = arith.constant 80 : index
    %swap3A_1689 = tpu.vector_load %arg5[%swap3A_1687, %swap3A_1688] {strides = array<i32>} : memref<16x128xf32, #tpu.memory_space<vmem>>, vector<1x16xf32>,
    %swap3A_1690 = vector.shape_cast %swap3A_1689 : vector<1x16xf32> to vector<16xf32>
    %swap3A_1691 = vector.shape_cast %select_n3A_1685 : vector<16xf32> to vector<1x16xf32>
    tpu.vector_store %arg5[%swap3A_1687, %swap3A_1688], %swap3A_1691 {strides = array<i32>} : memref<16x128xf32, #tpu.memory_space<vmem>>, vector<1x16xf32>,
    %eq3A_1692 = arith.cmpf oeq, %get3A_1534, %max3A_1604 : vector<16xf32>
    %eq3A_1693 = arith.cmpf oeq, %get3A_1534, %max3A_1651 : vector<16xf32>
    %or3A_1694 = arith.ori %eq3A_1692, %eq3A_1693 : vector<16xi1>
    %select_n3A_1695 = arith.select %or3A_1694, %get3A_1534, %broadcast_in_dim3A_5 : vector<16xi1>, vector<16xf32>
    %swap3A_1696 = arith.constant 4 : i32
    %swap3A_1697 = arith.index_cast %swap3A_1696 : i32 to index
    %swap3A_1698 = arith.constant 80 : index
    %swap3A_1699 = tpu.vector_load %arg5[%swap3A_1697, %swap3A_1698] {strides = array<i32>} : memref<16x128xf32, #tpu.memory_space<vmem>>, vector<1x16xf32>,
    %swap3A_1700 = vector.shape_cast %swap3A_1699 : vector<1x16xf32> to vector<16xf32>
    %swap3A_1701 = vector.shape_cast %select_n3A_1695 : vector<16xf32> to vector<1x16xf32>
    tpu.vector_store %arg5[%swap3A_1697, %swap3A_1698], %swap3A_1701 {strides = array<i32>} : memref<16x128xf32, #tpu.memory_space<vmem>>, vector<1x16xf32>,
    %eq3A_1702 = arith.cmpf oeq, %get3A_1539, %max3A_1604 : vector<16xf32>
    %eq3A_1703 = arith.cmpf oeq, %get3A_1539, %max3A_1651 : vector<16xf32>
    %or3A_1704 = arith.ori %eq3A_1702, %eq3A_1703 : vector<16xi1>
    %select_n3A_1705 = arith.select %or3A_1704, %get3A_1539, %broadcast_in_dim3A_5 : vector<16xi1>, vector<16xf32>
    %swap3A_1706 = arith.constant 5 : i32
    %swap3A_1707 = arith.index_cast %swap3A_1706 : i32 to index
    %swap3A_1708 = arith.constant 80 : index
    %swap3A_1709 = tpu.vector_load %arg5[%swap3A_1707, %swap3A_1708] {strides = array<i32>} : memref<16x128xf32, #tpu.memory_space<vmem>>, vector<1x16xf32>,
    %swap3A_1710 = vector.shape_cast %swap3A_1709 : vector<1x16xf32> to vector<16xf32>
    %swap3A_1711 = vector.shape_cast %select_n3A_1705 : vector<16xf32> to vector<1x16xf32>
    tpu.vector_store %arg5[%swap3A_1707, %swap3A_1708], %swap3A_1711 {strides = array<i32>} : memref<16x128xf32, #tpu.memory_space<vmem>>, vector<1x16xf32>,
    %eq3A_1712 = arith.cmpf oeq, %get3A_1544, %max3A_1604 : vector<16xf32>
    %eq3A_1713 = arith.cmpf oeq, %get3A_1544, %max3A_1651 : vector<16xf32>
    %or3A_1714 = arith.ori %eq3A_1712, %eq3A_1713 : vector<16xi1>
    %select_n3A_1715 = arith.select %or3A_1714, %get3A_1544, %broadcast_in_dim3A_5 : vector<16xi1>, vector<16xf32>
    %swap3A_1716 = arith.constant 6 : i32
    %swap3A_1717 = arith.index_cast %swap3A_1716 : i32 to index
    %swap3A_1718 = arith.constant 80 : index
    %swap3A_1719 = tpu.vector_load %arg5[%swap3A_1717, %swap3A_1718] {strides = array<i32>} : memref<16x128xf32, #tpu.memory_space<vmem>>, vector<1x16xf32>,
    %swap3A_1720 = vector.shape_cast %swap3A_1719 : vector<1x16xf32> to vector<16xf32>
    %swap3A_1721 = vector.shape_cast %select_n3A_1715 : vector<16xf32> to vector<1x16xf32>
    tpu.vector_store %arg5[%swap3A_1717, %swap3A_1718], %swap3A_1721 {strides = array<i32>} : memref<16x128xf32, #tpu.memory_space<vmem>>, vector<1x16xf32>,
    %eq3A_1722 = arith.cmpf oeq, %get3A_1549, %max3A_1604 : vector<16xf32>
    %eq3A_1723 = arith.cmpf oeq, %get3A_1549, %max3A_1651 : vector<16xf32>
    %or3A_1724 = arith.ori %eq3A_1722, %eq3A_1723 : vector<16xi1>
    %select_n3A_1725 = arith.select %or3A_1724, %get3A_1549, %broadcast_in_dim3A_5 : vector<16xi1>, vector<16xf32>
    %swap3A_1726 = arith.constant 7 : i32
    %swap3A_1727 = arith.index_cast %swap3A_1726 : i32 to index
    %swap3A_1728 = arith.constant 80 : index
    %swap3A_1729 = tpu.vector_load %arg5[%swap3A_1727, %swap3A_1728] {strides = array<i32>} : memref<16x128xf32, #tpu.memory_space<vmem>>, vector<1x16xf32>,
    %swap3A_1730 = vector.shape_cast %swap3A_1729 : vector<1x16xf32> to vector<16xf32>
    %swap3A_1731 = vector.shape_cast %select_n3A_1725 : vector<16xf32> to vector<1x16xf32>
    tpu.vector_store %arg5[%swap3A_1727, %swap3A_1728], %swap3A_1731 {strides = array<i32>} : memref<16x128xf32, #tpu.memory_space<vmem>>, vector<1x16xf32>,
    %eq3A_1732 = arith.cmpf oeq, %get3A_1554, %max3A_1604 : vector<16xf32>
    %eq3A_1733 = arith.cmpf oeq, %get3A_1554, %max3A_1651 : vector<16xf32>
    %or3A_1734 = arith.ori %eq3A_1732, %eq3A_1733 : vector<16xi1>
    %select_n3A_1735 = arith.select %or3A_1734, %get3A_1554, %broadcast_in_dim3A_5 : vector<16xi1>, vector<16xf32>
    %swap3A_1736 = arith.constant 8 : i32
    %swap3A_1737 = arith.index_cast %swap3A_1736 : i32 to index
    %swap3A_1738 = arith.constant 80 : index
    %swap3A_1739 = tpu.vector_load %arg5[%swap3A_1737, %swap3A_1738] {strides = array<i32>} : memref<16x128xf32, #tpu.memory_space<vmem>>, vector<1x16xf32>,
    %swap3A_1740 = vector.shape_cast %swap3A_1739 : vector<1x16xf32> to vector<16xf32>
    %swap3A_1741 = vector.shape_cast %select_n3A_1735 : vector<16xf32> to vector<1x16xf32>
    tpu.vector_store %arg5[%swap3A_1737, %swap3A_1738], %swap3A_1741 {strides = array<i32>} : memref<16x128xf32, #tpu.memory_space<vmem>>, vector<1x16xf32>,
    %eq3A_1742 = arith.cmpf oeq, %get3A_1559, %max3A_1604 : vector<16xf32>
    %eq3A_1743 = arith.cmpf oeq, %get3A_1559, %max3A_1651 : vector<16xf32>
    %or3A_1744 = arith.ori %eq3A_1742, %eq3A_1743 : vector<16xi1>
    %select_n3A_1745 = arith.select %or3A_1744, %get3A_1559, %broadcast_in_dim3A_5 : vector<16xi1>, vector<16xf32>
    %swap3A_1746 = arith.constant 9 : i32
    %swap3A_1747 = arith.index_cast %swap3A_1746 : i32 to index
    %swap3A_1748 = arith.constant 80 : index
    %swap3A_1749 = tpu.vector_load %arg5[%swap3A_1747, %swap3A_1748] {strides = array<i32>} : memref<16x128xf32, #tpu.memory_space<vmem>>, vector<1x16xf32>,
    %swap3A_1750 = vector.shape_cast %swap3A_1749 : vector<1x16xf32> to vector<16xf32>
    %swap3A_1751 = vector.shape_cast %select_n3A_1745 : vector<16xf32> to vector<1x16xf32>
    tpu.vector_store %arg5[%swap3A_1747, %swap3A_1748], %swap3A_1751 {strides = array<i32>} : memref<16x128xf32, #tpu.memory_space<vmem>>, vector<1x16xf32>,
    %eq3A_1752 = arith.cmpf oeq, %get3A_1564, %max3A_1604 : vector<16xf32>
    %eq3A_1753 = arith.cmpf oeq, %get3A_1564, %max3A_1651 : vector<16xf32>
    %or3A_1754 = arith.ori %eq3A_1752, %eq3A_1753 : vector<16xi1>
    %select_n3A_1755 = arith.select %or3A_1754, %get3A_1564, %broadcast_in_dim3A_5 : vector<16xi1>, vector<16xf32>
    %swap3A_1756 = arith.constant 10 : i32
    %swap3A_1757 = arith.index_cast %swap3A_1756 : i32 to index
    %swap3A_1758 = arith.constant 80 : index
    %swap3A_1759 = tpu.vector_load %arg5[%swap3A_1757, %swap3A_1758] {strides = array<i32>} : memref<16x128xf32, #tpu.memory_space<vmem>>, vector<1x16xf32>,
    %swap3A_1760 = vector.shape_cast %swap3A_1759 : vector<1x16xf32> to vector<16xf32>
    %swap3A_1761 = vector.shape_cast %select_n3A_1755 : vector<16xf32> to vector<1x16xf32>
    tpu.vector_store %arg5[%swap3A_1757, %swap3A_1758], %swap3A_1761 {strides = array<i32>} : memref<16x128xf32, #tpu.memory_space<vmem>>, vector<1x16xf32>,
    %eq3A_1762 = arith.cmpf oeq, %get3A_1569, %max3A_1604 : vector<16xf32>
    %eq3A_1763 = arith.cmpf oeq, %get3A_1569, %max3A_1651 : vector<16xf32>
    %or3A_1764 = arith.ori %eq3A_1762, %eq3A_1763 : vector<16xi1>
    %select_n3A_1765 = arith.select %or3A_1764, %get3A_1569, %broadcast_in_dim3A_5 : vector<16xi1>, vector<16xf32>
    %swap3A_1766 = arith.constant 11 : i32
    %swap3A_1767 = arith.index_cast %swap3A_1766 : i32 to index
    %swap3A_1768 = arith.constant 80 : index
    %swap3A_1769 = tpu.vector_load %arg5[%swap3A_1767, %swap3A_1768] {strides = array<i32>} : memref<16x128xf32, #tpu.memory_space<vmem>>, vector<1x16xf32>,
    %swap3A_1770 = vector.shape_cast %swap3A_1769 : vector<1x16xf32> to vector<16xf32>
    %swap3A_1771 = vector.shape_cast %select_n3A_1765 : vector<16xf32> to vector<1x16xf32>
    tpu.vector_store %arg5[%swap3A_1767, %swap3A_1768], %swap3A_1771 {strides = array<i32>} : memref<16x128xf32, #tpu.memory_space<vmem>>, vector<1x16xf32>,
    %eq3A_1772 = arith.cmpf oeq, %get3A_1574, %max3A_1604 : vector<16xf32>
    %eq3A_1773 = arith.cmpf oeq, %get3A_1574, %max3A_1651 : vector<16xf32>
    %or3A_1774 = arith.ori %eq3A_1772, %eq3A_1773 : vector<16xi1>
    %select_n3A_1775 = arith.select %or3A_1774, %get3A_1574, %broadcast_in_dim3A_5 : vector<16xi1>, vector<16xf32>
    %swap3A_1776 = arith.constant 12 : i32
    %swap3A_1777 = arith.index_cast %swap3A_1776 : i32 to index
    %swap3A_1778 = arith.constant 80 : index
    %swap3A_1779 = tpu.vector_load %arg5[%swap3A_1777, %swap3A_1778] {strides = array<i32>} : memref<16x128xf32, #tpu.memory_space<vmem>>, vector<1x16xf32>,
    %swap3A_1780 = vector.shape_cast %swap3A_1779 : vector<1x16xf32> to vector<16xf32>
    %swap3A_1781 = vector.shape_cast %select_n3A_1775 : vector<16xf32> to vector<1x16xf32>
    tpu.vector_store %arg5[%swap3A_1777, %swap3A_1778], %swap3A_1781 {strides = array<i32>} : memref<16x128xf32, #tpu.memory_space<vmem>>, vector<1x16xf32>,
    %eq3A_1782 = arith.cmpf oeq, %get3A_1579, %max3A_1604 : vector<16xf32>
    %eq3A_1783 = arith.cmpf oeq, %get3A_1579, %max3A_1651 : vector<16xf32>
    %or3A_1784 = arith.ori %eq3A_1782, %eq3A_1783 : vector<16xi1>
    %select_n3A_1785 = arith.select %or3A_1784, %get3A_1579, %broadcast_in_dim3A_5 : vector<16xi1>, vector<16xf32>
    %swap3A_1786 = arith.constant 13 : i32
    %swap3A_1787 = arith.index_cast %swap3A_1786 : i32 to index
    %swap3A_1788 = arith.constant 80 : index
    %swap3A_1789 = tpu.vector_load %arg5[%swap3A_1787, %swap3A_1788] {strides = array<i32>} : memref<16x128xf32, #tpu.memory_space<vmem>>, vector<1x16xf32>,
    %swap3A_1790 = vector.shape_cast %swap3A_1789 : vector<1x16xf32> to vector<16xf32>
    %swap3A_1791 = vector.shape_cast %select_n3A_1785 : vector<16xf32> to vector<1x16xf32>
    tpu.vector_store %arg5[%swap3A_1787, %swap3A_1788], %swap3A_1791 {strides = array<i32>} : memref<16x128xf32, #tpu.memory_space<vmem>>, vector<1x16xf32>,
    %eq3A_1792 = arith.cmpf oeq, %get3A_1584, %max3A_1604 : vector<16xf32>
    %eq3A_1793 = arith.cmpf oeq, %get3A_1584, %max3A_1651 : vector<16xf32>
    %or3A_1794 = arith.ori %eq3A_1792, %eq3A_1793 : vector<16xi1>
    %select_n3A_1795 = arith.select %or3A_1794, %get3A_1584, %broadcast_in_dim3A_5 : vector<16xi1>, vector<16xf32>
    %swap3A_1796 = arith.constant 14 : i32
    %swap3A_1797 = arith.index_cast %swap3A_1796 : i32 to index
    %swap3A_1798 = arith.constant 80 : index
    %swap3A_1799 = tpu.vector_load %arg5[%swap3A_1797, %swap3A_1798] {strides = array<i32>} : memref<16x128xf32, #tpu.memory_space<vmem>>, vector<1x16xf32>,
    %swap3A_1800 = vector.shape_cast %swap3A_1799 : vector<1x16xf32> to vector<16xf32>
    %swap3A_1801 = vector.shape_cast %select_n3A_1795 : vector<16xf32> to vector<1x16xf32>
    tpu.vector_store %arg5[%swap3A_1797, %swap3A_1798], %swap3A_1801 {strides = array<i32>} : memref<16x128xf32, #tpu.memory_space<vmem>>, vector<1x16xf32>,
    %eq3A_1802 = arith.cmpf oeq, %get3A_1589, %max3A_1604 : vector<16xf32>
    %eq3A_1803 = arith.cmpf oeq, %get3A_1589, %max3A_1651 : vector<16xf32>
    %or3A_1804 = arith.ori %eq3A_1802, %eq3A_1803 : vector<16xi1>
    %select_n3A_1805 = arith.select %or3A_1804, %get3A_1589, %broadcast_in_dim3A_5 : vector<16xi1>, vector<16xf32>
    %swap3A_1806 = arith.constant 15 : i32
    %swap3A_1807 = arith.index_cast %swap3A_1806 : i32 to index
    %swap3A_1808 = arith.constant 80 : index
    %swap3A_1809 = tpu.vector_load %arg5[%swap3A_1807, %swap3A_1808] {strides = array<i32>} : memref<16x128xf32, #tpu.memory_space<vmem>>, vector<1x16xf32>,
    %swap3A_1810 = vector.shape_cast %swap3A_1809 : vector<1x16xf32> to vector<16xf32>
    %swap3A_1811 = vector.shape_cast %select_n3A_1805 : vector<16xf32> to vector<1x16xf32>
    tpu.vector_store %arg5[%swap3A_1807, %swap3A_1808], %swap3A_1811 {strides = array<i32>} : memref<16x128xf32, #tpu.memory_space<vmem>>, vector<1x16xf32>,
    %get3A_1812 = arith.constant 0 : i32
    %get3A_1813 = arith.index_cast %get3A_1812 : i32 to index
    %get3A_1814 = arith.constant 96 : index
    %get3A_1815 = tpu.vector_load %arg4[%get3A_1813, %get3A_1814] {strides = array<i32>} : memref<16x128xf32, #tpu.memory_space<vmem>>, vector<1x16xf32>,
    %get3A_1816 = vector.shape_cast %get3A_1815 : vector<1x16xf32> to vector<16xf32>
    %get3A_1817 = arith.constant 1 : i32
    %get3A_1818 = arith.index_cast %get3A_1817 : i32 to index
    %get3A_1819 = arith.constant 96 : index
    %get3A_1820 = tpu.vector_load %arg4[%get3A_1818, %get3A_1819] {strides = array<i32>} : memref<16x128xf32, #tpu.memory_space<vmem>>, vector<1x16xf32>,
    %get3A_1821 = vector.shape_cast %get3A_1820 : vector<1x16xf32> to vector<16xf32>
    %get3A_1822 = arith.constant 2 : i32
    %get3A_1823 = arith.index_cast %get3A_1822 : i32 to index
    %get3A_1824 = arith.constant 96 : index
    %get3A_1825 = tpu.vector_load %arg4[%get3A_1823, %get3A_1824] {strides = array<i32>} : memref<16x128xf32, #tpu.memory_space<vmem>>, vector<1x16xf32>,
    %get3A_1826 = vector.shape_cast %get3A_1825 : vector<1x16xf32> to vector<16xf32>
    %get3A_1827 = arith.constant 3 : i32
    %get3A_1828 = arith.index_cast %get3A_1827 : i32 to index
    %get3A_1829 = arith.constant 96 : index
    %get3A_1830 = tpu.vector_load %arg4[%get3A_1828, %get3A_1829] {strides = array<i32>} : memref<16x128xf32, #tpu.memory_space<vmem>>, vector<1x16xf32>,
    %get3A_1831 = vector.shape_cast %get3A_1830 : vector<1x16xf32> to vector<16xf32>
    %get3A_1832 = arith.constant 4 : i32
    %get3A_1833 = arith.index_cast %get3A_1832 : i32 to index
    %get3A_1834 = arith.constant 96 : index
    %get3A_1835 = tpu.vector_load %arg4[%get3A_1833, %get3A_1834] {strides = array<i32>} : memref<16x128xf32, #tpu.memory_space<vmem>>, vector<1x16xf32>,
    %get3A_1836 = vector.shape_cast %get3A_1835 : vector<1x16xf32> to vector<16xf32>
    %get3A_1837 = arith.constant 5 : i32
    %get3A_1838 = arith.index_cast %get3A_1837 : i32 to index
    %get3A_1839 = arith.constant 96 : index
    %get3A_1840 = tpu.vector_load %arg4[%get3A_1838, %get3A_1839] {strides = array<i32>} : memref<16x128xf32, #tpu.memory_space<vmem>>, vector<1x16xf32>,
    %get3A_1841 = vector.shape_cast %get3A_1840 : vector<1x16xf32> to vector<16xf32>
    %get3A_1842 = arith.constant 6 : i32
    %get3A_1843 = arith.index_cast %get3A_1842 : i32 to index
    %get3A_1844 = arith.constant 96 : index
    %get3A_1845 = tpu.vector_load %arg4[%get3A_1843, %get3A_1844] {strides = array<i32>} : memref<16x128xf32, #tpu.memory_space<vmem>>, vector<1x16xf32>,
    %get3A_1846 = vector.shape_cast %get3A_1845 : vector<1x16xf32> to vector<16xf32>
    %get3A_1847 = arith.constant 7 : i32
    %get3A_1848 = arith.index_cast %get3A_1847 : i32 to index
    %get3A_1849 = arith.constant 96 : index
    %get3A_1850 = tpu.vector_load %arg4[%get3A_1848, %get3A_1849] {strides = array<i32>} : memref<16x128xf32, #tpu.memory_space<vmem>>, vector<1x16xf32>,
    %get3A_1851 = vector.shape_cast %get3A_1850 : vector<1x16xf32> to vector<16xf32>
    %get3A_1852 = arith.constant 8 : i32
    %get3A_1853 = arith.index_cast %get3A_1852 : i32 to index
    %get3A_1854 = arith.constant 96 : index
    %get3A_1855 = tpu.vector_load %arg4[%get3A_1853, %get3A_1854] {strides = array<i32>} : memref<16x128xf32, #tpu.memory_space<vmem>>, vector<1x16xf32>,
    %get3A_1856 = vector.shape_cast %get3A_1855 : vector<1x16xf32> to vector<16xf32>
    %get3A_1857 = arith.constant 9 : i32
    %get3A_1858 = arith.index_cast %get3A_1857 : i32 to index
    %get3A_1859 = arith.constant 96 : index
    %get3A_1860 = tpu.vector_load %arg4[%get3A_1858, %get3A_1859] {strides = array<i32>} : memref<16x128xf32, #tpu.memory_space<vmem>>, vector<1x16xf32>,
    %get3A_1861 = vector.shape_cast %get3A_1860 : vector<1x16xf32> to vector<16xf32>
    %get3A_1862 = arith.constant 10 : i32
    %get3A_1863 = arith.index_cast %get3A_1862 : i32 to index
    %get3A_1864 = arith.constant 96 : index
    %get3A_1865 = tpu.vector_load %arg4[%get3A_1863, %get3A_1864] {strides = array<i32>} : memref<16x128xf32, #tpu.memory_space<vmem>>, vector<1x16xf32>,
    %get3A_1866 = vector.shape_cast %get3A_1865 : vector<1x16xf32> to vector<16xf32>
    %get3A_1867 = arith.constant 11 : i32
    %get3A_1868 = arith.index_cast %get3A_1867 : i32 to index
    %get3A_1869 = arith.constant 96 : index
    %get3A_1870 = tpu.vector_load %arg4[%get3A_1868, %get3A_1869] {strides = array<i32>} : memref<16x128xf32, #tpu.memory_space<vmem>>, vector<1x16xf32>,
    %get3A_1871 = vector.shape_cast %get3A_1870 : vector<1x16xf32> to vector<16xf32>
    %get3A_1872 = arith.constant 12 : i32
    %get3A_1873 = arith.index_cast %get3A_1872 : i32 to index
    %get3A_1874 = arith.constant 96 : index
    %get3A_1875 = tpu.vector_load %arg4[%get3A_1873, %get3A_1874] {strides = array<i32>} : memref<16x128xf32, #tpu.memory_space<vmem>>, vector<1x16xf32>,
    %get3A_1876 = vector.shape_cast %get3A_1875 : vector<1x16xf32> to vector<16xf32>
    %get3A_1877 = arith.constant 13 : i32
    %get3A_1878 = arith.index_cast %get3A_1877 : i32 to index
    %get3A_1879 = arith.constant 96 : index
    %get3A_1880 = tpu.vector_load %arg4[%get3A_1878, %get3A_1879] {strides = array<i32>} : memref<16x128xf32, #tpu.memory_space<vmem>>, vector<1x16xf32>,
    %get3A_1881 = vector.shape_cast %get3A_1880 : vector<1x16xf32> to vector<16xf32>
    %get3A_1882 = arith.constant 14 : i32
    %get3A_1883 = arith.index_cast %get3A_1882 : i32 to index
    %get3A_1884 = arith.constant 96 : index
    %get3A_1885 = tpu.vector_load %arg4[%get3A_1883, %get3A_1884] {strides = array<i32>} : memref<16x128xf32, #tpu.memory_space<vmem>>, vector<1x16xf32>,
    %get3A_1886 = vector.shape_cast %get3A_1885 : vector<1x16xf32> to vector<16xf32>
    %get3A_1887 = arith.constant 15 : i32
    %get3A_1888 = arith.index_cast %get3A_1887 : i32 to index
    %get3A_1889 = arith.constant 96 : index
    %get3A_1890 = tpu.vector_load %arg4[%get3A_1888, %get3A_1889] {strides = array<i32>} : memref<16x128xf32, #tpu.memory_space<vmem>>, vector<1x16xf32>,
    %get3A_1891 = vector.shape_cast %get3A_1890 : vector<1x16xf32> to vector<16xf32>
    %max3A_1892 = arith.maximumf %get3A_1816, %get3A_1821 : vector<16xf32>
    %max3A_1893 = arith.maximumf %get3A_1826, %get3A_1831 : vector<16xf32>
    %max3A_1894 = arith.maximumf %get3A_1836, %get3A_1841 : vector<16xf32>
    %max3A_1895 = arith.maximumf %get3A_1846, %get3A_1851 : vector<16xf32>
    %max3A_1896 = arith.maximumf %get3A_1856, %get3A_1861 : vector<16xf32>
    %max3A_1897 = arith.maximumf %get3A_1866, %get3A_1871 : vector<16xf32>
    %max3A_1898 = arith.maximumf %get3A_1876, %get3A_1881 : vector<16xf32>
    %max3A_1899 = arith.maximumf %get3A_1886, %get3A_1891 : vector<16xf32>
    %max3A_1900 = arith.maximumf %max3A_1892, %max3A_1893 : vector<16xf32>
    %max3A_1901 = arith.maximumf %max3A_1894, %max3A_1895 : vector<16xf32>
    %max3A_1902 = arith.maximumf %max3A_1896, %max3A_1897 : vector<16xf32>
    %max3A_1903 = arith.maximumf %max3A_1898, %max3A_1899 : vector<16xf32>
    %max3A_1904 = arith.maximumf %max3A_1900, %max3A_1901 : vector<16xf32>
    %max3A_1905 = arith.maximumf %max3A_1902, %max3A_1903 : vector<16xf32>
    %max3A_1906 = arith.maximumf %max3A_1904, %max3A_1905 : vector<16xf32>
    %eq3A_1907 = arith.cmpf oeq, %get3A_1816, %max3A_1906 : vector<16xf32>
    %select_n3A_1908 = arith.select %eq3A_1907, %broadcast_in_dim3A_3, %get3A_1816 : vector<16xi1>, vector<16xf32>
    %eq3A_1909 = arith.cmpf oeq, %get3A_1821, %max3A_1906 : vector<16xf32>
    %select_n3A_1910 = arith.select %eq3A_1909, %broadcast_in_dim3A_3, %get3A_1821 : vector<16xi1>, vector<16xf32>
    %eq3A_1911 = arith.cmpf oeq, %get3A_1826, %max3A_1906 : vector<16xf32>
    %select_n3A_1912 = arith.select %eq3A_1911, %broadcast_in_dim3A_3, %get3A_1826 : vector<16xi1>, vector<16xf32>
    %eq3A_1913 = arith.cmpf oeq, %get3A_1831, %max3A_1906 : vector<16xf32>
    %select_n3A_1914 = arith.select %eq3A_1913, %broadcast_in_dim3A_3, %get3A_1831 : vector<16xi1>, vector<16xf32>
    %eq3A_1915 = arith.cmpf oeq, %get3A_1836, %max3A_1906 : vector<16xf32>
    %select_n3A_1916 = arith.select %eq3A_1915, %broadcast_in_dim3A_3, %get3A_1836 : vector<16xi1>, vector<16xf32>
    %eq3A_1917 = arith.cmpf oeq, %get3A_1841, %max3A_1906 : vector<16xf32>
    %select_n3A_1918 = arith.select %eq3A_1917, %broadcast_in_dim3A_3, %get3A_1841 : vector<16xi1>, vector<16xf32>
    %eq3A_1919 = arith.cmpf oeq, %get3A_1846, %max3A_1906 : vector<16xf32>
    %select_n3A_1920 = arith.select %eq3A_1919, %broadcast_in_dim3A_3, %get3A_1846 : vector<16xi1>, vector<16xf32>
    %eq3A_1921 = arith.cmpf oeq, %get3A_1851, %max3A_1906 : vector<16xf32>
    %select_n3A_1922 = arith.select %eq3A_1921, %broadcast_in_dim3A_3, %get3A_1851 : vector<16xi1>, vector<16xf32>
    %eq3A_1923 = arith.cmpf oeq, %get3A_1856, %max3A_1906 : vector<16xf32>
    %select_n3A_1924 = arith.select %eq3A_1923, %broadcast_in_dim3A_3, %get3A_1856 : vector<16xi1>, vector<16xf32>
    %eq3A_1925 = arith.cmpf oeq, %get3A_1861, %max3A_1906 : vector<16xf32>
    %select_n3A_1926 = arith.select %eq3A_1925, %broadcast_in_dim3A_3, %get3A_1861 : vector<16xi1>, vector<16xf32>
    %eq3A_1927 = arith.cmpf oeq, %get3A_1866, %max3A_1906 : vector<16xf32>
    %select_n3A_1928 = arith.select %eq3A_1927, %broadcast_in_dim3A_3, %get3A_1866 : vector<16xi1>, vector<16xf32>
    %eq3A_1929 = arith.cmpf oeq, %get3A_1871, %max3A_1906 : vector<16xf32>
    %select_n3A_1930 = arith.select %eq3A_1929, %broadcast_in_dim3A_3, %get3A_1871 : vector<16xi1>, vector<16xf32>
    %eq3A_1931 = arith.cmpf oeq, %get3A_1876, %max3A_1906 : vector<16xf32>
    %select_n3A_1932 = arith.select %eq3A_1931, %broadcast_in_dim3A_3, %get3A_1876 : vector<16xi1>, vector<16xf32>
    %eq3A_1933 = arith.cmpf oeq, %get3A_1881, %max3A_1906 : vector<16xf32>
    %select_n3A_1934 = arith.select %eq3A_1933, %broadcast_in_dim3A_3, %get3A_1881 : vector<16xi1>, vector<16xf32>
    %eq3A_1935 = arith.cmpf oeq, %get3A_1886, %max3A_1906 : vector<16xf32>
    %select_n3A_1936 = arith.select %eq3A_1935, %broadcast_in_dim3A_3, %get3A_1886 : vector<16xi1>, vector<16xf32>
    %eq3A_1937 = arith.cmpf oeq, %get3A_1891, %max3A_1906 : vector<16xf32>
    %select_n3A_1938 = arith.select %eq3A_1937, %broadcast_in_dim3A_3, %get3A_1891 : vector<16xi1>, vector<16xf32>
    %max3A_1939 = arith.maximumf %select_n3A_1908, %select_n3A_1910 : vector<16xf32>
    %max3A_1940 = arith.maximumf %select_n3A_1912, %select_n3A_1914 : vector<16xf32>
    %max3A_1941 = arith.maximumf %select_n3A_1916, %select_n3A_1918 : vector<16xf32>
    %max3A_1942 = arith.maximumf %select_n3A_1920, %select_n3A_1922 : vector<16xf32>
    %max3A_1943 = arith.maximumf %select_n3A_1924, %select_n3A_1926 : vector<16xf32>
    %max3A_1944 = arith.maximumf %select_n3A_1928, %select_n3A_1930 : vector<16xf32>
    %max3A_1945 = arith.maximumf %select_n3A_1932, %select_n3A_1934 : vector<16xf32>
    %max3A_1946 = arith.maximumf %select_n3A_1936, %select_n3A_1938 : vector<16xf32>
    %max3A_1947 = arith.maximumf %max3A_1939, %max3A_1940 : vector<16xf32>
    %max3A_1948 = arith.maximumf %max3A_1941, %max3A_1942 : vector<16xf32>
    %max3A_1949 = arith.maximumf %max3A_1943, %max3A_1944 : vector<16xf32>
    %max3A_1950 = arith.maximumf %max3A_1945, %max3A_1946 : vector<16xf32>
    %max3A_1951 = arith.maximumf %max3A_1947, %max3A_1948 : vector<16xf32>
    %max3A_1952 = arith.maximumf %max3A_1949, %max3A_1950 : vector<16xf32>
    %max3A_1953 = arith.maximumf %max3A_1951, %max3A_1952 : vector<16xf32>
    %eq3A_1954 = arith.cmpf oeq, %get3A_1816, %max3A_1906 : vector<16xf32>
    %eq3A_1955 = arith.cmpf oeq, %get3A_1816, %max3A_1953 : vector<16xf32>
    %or3A_1956 = arith.ori %eq3A_1954, %eq3A_1955 : vector<16xi1>
    %select_n3A_1957 = arith.select %or3A_1956, %get3A_1816, %broadcast_in_dim3A_5 : vector<16xi1>, vector<16xf32>
    %swap3A_1958 = arith.constant 0 : i32
    %swap3A_1959 = arith.index_cast %swap3A_1958 : i32 to index
    %swap3A_1960 = arith.constant 96 : index
    %swap3A_1961 = tpu.vector_load %arg5[%swap3A_1959, %swap3A_1960] {strides = array<i32>} : memref<16x128xf32, #tpu.memory_space<vmem>>, vector<1x16xf32>,
    %swap3A_1962 = vector.shape_cast %swap3A_1961 : vector<1x16xf32> to vector<16xf32>
    %swap3A_1963 = vector.shape_cast %select_n3A_1957 : vector<16xf32> to vector<1x16xf32>
    tpu.vector_store %arg5[%swap3A_1959, %swap3A_1960], %swap3A_1963 {strides = array<i32>} : memref<16x128xf32, #tpu.memory_space<vmem>>, vector<1x16xf32>,
    %eq3A_1964 = arith.cmpf oeq, %get3A_1821, %max3A_1906 : vector<16xf32>
    %eq3A_1965 = arith.cmpf oeq, %get3A_1821, %max3A_1953 : vector<16xf32>
    %or3A_1966 = arith.ori %eq3A_1964, %eq3A_1965 : vector<16xi1>
    %select_n3A_1967 = arith.select %or3A_1966, %get3A_1821, %broadcast_in_dim3A_5 : vector<16xi1>, vector<16xf32>
    %swap3A_1968 = arith.constant 1 : i32
    %swap3A_1969 = arith.index_cast %swap3A_1968 : i32 to index
    %swap3A_1970 = arith.constant 96 : index
    %swap3A_1971 = tpu.vector_load %arg5[%swap3A_1969, %swap3A_1970] {strides = array<i32>} : memref<16x128xf32, #tpu.memory_space<vmem>>, vector<1x16xf32>,
    %swap3A_1972 = vector.shape_cast %swap3A_1971 : vector<1x16xf32> to vector<16xf32>
    %swap3A_1973 = vector.shape_cast %select_n3A_1967 : vector<16xf32> to vector<1x16xf32>
    tpu.vector_store %arg5[%swap3A_1969, %swap3A_1970], %swap3A_1973 {strides = array<i32>} : memref<16x128xf32, #tpu.memory_space<vmem>>, vector<1x16xf32>,
    %eq3A_1974 = arith.cmpf oeq, %get3A_1826, %max3A_1906 : vector<16xf32>
    %eq3A_1975 = arith.cmpf oeq, %get3A_1826, %max3A_1953 : vector<16xf32>
    %or3A_1976 = arith.ori %eq3A_1974, %eq3A_1975 : vector<16xi1>
    %select_n3A_1977 = arith.select %or3A_1976, %get3A_1826, %broadcast_in_dim3A_5 : vector<16xi1>, vector<16xf32>
    %swap3A_1978 = arith.constant 2 : i32
    %swap3A_1979 = arith.index_cast %swap3A_1978 : i32 to index
    %swap3A_1980 = arith.constant 96 : index
    %swap3A_1981 = tpu.vector_load %arg5[%swap3A_1979, %swap3A_1980] {strides = array<i32>} : memref<16x128xf32, #tpu.memory_space<vmem>>, vector<1x16xf32>,
    %swap3A_1982 = vector.shape_cast %swap3A_1981 : vector<1x16xf32> to vector<16xf32>
    %swap3A_1983 = vector.shape_cast %select_n3A_1977 : vector<16xf32> to vector<1x16xf32>
    tpu.vector_store %arg5[%swap3A_1979, %swap3A_1980], %swap3A_1983 {strides = array<i32>} : memref<16x128xf32, #tpu.memory_space<vmem>>, vector<1x16xf32>,
    %eq3A_1984 = arith.cmpf oeq, %get3A_1831, %max3A_1906 : vector<16xf32>
    %eq3A_1985 = arith.cmpf oeq, %get3A_1831, %max3A_1953 : vector<16xf32>
    %or3A_1986 = arith.ori %eq3A_1984, %eq3A_1985 : vector<16xi1>
    %select_n3A_1987 = arith.select %or3A_1986, %get3A_1831, %broadcast_in_dim3A_5 : vector<16xi1>, vector<16xf32>
    %swap3A_1988 = arith.constant 3 : i32
    %swap3A_1989 = arith.index_cast %swap3A_1988 : i32 to index
    %swap3A_1990 = arith.constant 96 : index
    %swap3A_1991 = tpu.vector_load %arg5[%swap3A_1989, %swap3A_1990] {strides = array<i32>} : memref<16x128xf32, #tpu.memory_space<vmem>>, vector<1x16xf32>,
    %swap3A_1992 = vector.shape_cast %swap3A_1991 : vector<1x16xf32> to vector<16xf32>
    %swap3A_1993 = vector.shape_cast %select_n3A_1987 : vector<16xf32> to vector<1x16xf32>
    tpu.vector_store %arg5[%swap3A_1989, %swap3A_1990], %swap3A_1993 {strides = array<i32>} : memref<16x128xf32, #tpu.memory_space<vmem>>, vector<1x16xf32>,
    %eq3A_1994 = arith.cmpf oeq, %get3A_1836, %max3A_1906 : vector<16xf32>
    %eq3A_1995 = arith.cmpf oeq, %get3A_1836, %max3A_1953 : vector<16xf32>
    %or3A_1996 = arith.ori %eq3A_1994, %eq3A_1995 : vector<16xi1>
    %select_n3A_1997 = arith.select %or3A_1996, %get3A_1836, %broadcast_in_dim3A_5 : vector<16xi1>, vector<16xf32>
    %swap3A_1998 = arith.constant 4 : i32
    %swap3A_1999 = arith.index_cast %swap3A_1998 : i32 to index
    %swap3A_2000 = arith.constant 96 : index
    %swap3A_2001 = tpu.vector_load %arg5[%swap3A_1999, %swap3A_2000] {strides = array<i32>} : memref<16x128xf32, #tpu.memory_space<vmem>>, vector<1x16xf32>,
    %swap3A_2002 = vector.shape_cast %swap3A_2001 : vector<1x16xf32> to vector<16xf32>
    %swap3A_2003 = vector.shape_cast %select_n3A_1997 : vector<16xf32> to vector<1x16xf32>
    tpu.vector_store %arg5[%swap3A_1999, %swap3A_2000], %swap3A_2003 {strides = array<i32>} : memref<16x128xf32, #tpu.memory_space<vmem>>, vector<1x16xf32>,
    %eq3A_2004 = arith.cmpf oeq, %get3A_1841, %max3A_1906 : vector<16xf32>
    %eq3A_2005 = arith.cmpf oeq, %get3A_1841, %max3A_1953 : vector<16xf32>
    %or3A_2006 = arith.ori %eq3A_2004, %eq3A_2005 : vector<16xi1>
    %select_n3A_2007 = arith.select %or3A_2006, %get3A_1841, %broadcast_in_dim3A_5 : vector<16xi1>, vector<16xf32>
    %swap3A_2008 = arith.constant 5 : i32
    %swap3A_2009 = arith.index_cast %swap3A_2008 : i32 to index
    %swap3A_2010 = arith.constant 96 : index
    %swap3A_2011 = tpu.vector_load %arg5[%swap3A_2009, %swap3A_2010] {strides = array<i32>} : memref<16x128xf32, #tpu.memory_space<vmem>>, vector<1x16xf32>,
    %swap3A_2012 = vector.shape_cast %swap3A_2011 : vector<1x16xf32> to vector<16xf32>
    %swap3A_2013 = vector.shape_cast %select_n3A_2007 : vector<16xf32> to vector<1x16xf32>
    tpu.vector_store %arg5[%swap3A_2009, %swap3A_2010], %swap3A_2013 {strides = array<i32>} : memref<16x128xf32, #tpu.memory_space<vmem>>, vector<1x16xf32>,
    %eq3A_2014 = arith.cmpf oeq, %get3A_1846, %max3A_1906 : vector<16xf32>
    %eq3A_2015 = arith.cmpf oeq, %get3A_1846, %max3A_1953 : vector<16xf32>
    %or3A_2016 = arith.ori %eq3A_2014, %eq3A_2015 : vector<16xi1>
    %select_n3A_2017 = arith.select %or3A_2016, %get3A_1846, %broadcast_in_dim3A_5 : vector<16xi1>, vector<16xf32>
    %swap3A_2018 = arith.constant 6 : i32
    %swap3A_2019 = arith.index_cast %swap3A_2018 : i32 to index
    %swap3A_2020 = arith.constant 96 : index
    %swap3A_2021 = tpu.vector_load %arg5[%swap3A_2019, %swap3A_2020] {strides = array<i32>} : memref<16x128xf32, #tpu.memory_space<vmem>>, vector<1x16xf32>,
    %swap3A_2022 = vector.shape_cast %swap3A_2021 : vector<1x16xf32> to vector<16xf32>
    %swap3A_2023 = vector.shape_cast %select_n3A_2017 : vector<16xf32> to vector<1x16xf32>
    tpu.vector_store %arg5[%swap3A_2019, %swap3A_2020], %swap3A_2023 {strides = array<i32>} : memref<16x128xf32, #tpu.memory_space<vmem>>, vector<1x16xf32>,
    %eq3A_2024 = arith.cmpf oeq, %get3A_1851, %max3A_1906 : vector<16xf32>
    %eq3A_2025 = arith.cmpf oeq, %get3A_1851, %max3A_1953 : vector<16xf32>
    %or3A_2026 = arith.ori %eq3A_2024, %eq3A_2025 : vector<16xi1>
    %select_n3A_2027 = arith.select %or3A_2026, %get3A_1851, %broadcast_in_dim3A_5 : vector<16xi1>, vector<16xf32>
    %swap3A_2028 = arith.constant 7 : i32
    %swap3A_2029 = arith.index_cast %swap3A_2028 : i32 to index
    %swap3A_2030 = arith.constant 96 : index
    %swap3A_2031 = tpu.vector_load %arg5[%swap3A_2029, %swap3A_2030] {strides = array<i32>} : memref<16x128xf32, #tpu.memory_space<vmem>>, vector<1x16xf32>,
    %swap3A_2032 = vector.shape_cast %swap3A_2031 : vector<1x16xf32> to vector<16xf32>
    %swap3A_2033 = vector.shape_cast %select_n3A_2027 : vector<16xf32> to vector<1x16xf32>
    tpu.vector_store %arg5[%swap3A_2029, %swap3A_2030], %swap3A_2033 {strides = array<i32>} : memref<16x128xf32, #tpu.memory_space<vmem>>, vector<1x16xf32>,
    %eq3A_2034 = arith.cmpf oeq, %get3A_1856, %max3A_1906 : vector<16xf32>
    %eq3A_2035 = arith.cmpf oeq, %get3A_1856, %max3A_1953 : vector<16xf32>
    %or3A_2036 = arith.ori %eq3A_2034, %eq3A_2035 : vector<16xi1>
    %select_n3A_2037 = arith.select %or3A_2036, %get3A_1856, %broadcast_in_dim3A_5 : vector<16xi1>, vector<16xf32>
    %swap3A_2038 = arith.constant 8 : i32
    %swap3A_2039 = arith.index_cast %swap3A_2038 : i32 to index
    %swap3A_2040 = arith.constant 96 : index
    %swap3A_2041 = tpu.vector_load %arg5[%swap3A_2039, %swap3A_2040] {strides = array<i32>} : memref<16x128xf32, #tpu.memory_space<vmem>>, vector<1x16xf32>,
    %swap3A_2042 = vector.shape_cast %swap3A_2041 : vector<1x16xf32> to vector<16xf32>
    %swap3A_2043 = vector.shape_cast %select_n3A_2037 : vector<16xf32> to vector<1x16xf32>
    tpu.vector_store %arg5[%swap3A_2039, %swap3A_2040], %swap3A_2043 {strides = array<i32>} : memref<16x128xf32, #tpu.memory_space<vmem>>, vector<1x16xf32>,
    %eq3A_2044 = arith.cmpf oeq, %get3A_1861, %max3A_1906 : vector<16xf32>
    %eq3A_2045 = arith.cmpf oeq, %get3A_1861, %max3A_1953 : vector<16xf32>
    %or3A_2046 = arith.ori %eq3A_2044, %eq3A_2045 : vector<16xi1>
    %select_n3A_2047 = arith.select %or3A_2046, %get3A_1861, %broadcast_in_dim3A_5 : vector<16xi1>, vector<16xf32>
    %swap3A_2048 = arith.constant 9 : i32
    %swap3A_2049 = arith.index_cast %swap3A_2048 : i32 to index
    %swap3A_2050 = arith.constant 96 : index
    %swap3A_2051 = tpu.vector_load %arg5[%swap3A_2049, %swap3A_2050] {strides = array<i32>} : memref<16x128xf32, #tpu.memory_space<vmem>>, vector<1x16xf32>,
    %swap3A_2052 = vector.shape_cast %swap3A_2051 : vector<1x16xf32> to vector<16xf32>
    %swap3A_2053 = vector.shape_cast %select_n3A_2047 : vector<16xf32> to vector<1x16xf32>
    tpu.vector_store %arg5[%swap3A_2049, %swap3A_2050], %swap3A_2053 {strides = array<i32>} : memref<16x128xf32, #tpu.memory_space<vmem>>, vector<1x16xf32>,
    %eq3A_2054 = arith.cmpf oeq, %get3A_1866, %max3A_1906 : vector<16xf32>
    %eq3A_2055 = arith.cmpf oeq, %get3A_1866, %max3A_1953 : vector<16xf32>
    %or3A_2056 = arith.ori %eq3A_2054, %eq3A_2055 : vector<16xi1>
    %select_n3A_2057 = arith.select %or3A_2056, %get3A_1866, %broadcast_in_dim3A_5 : vector<16xi1>, vector<16xf32>
    %swap3A_2058 = arith.constant 10 : i32
    %swap3A_2059 = arith.index_cast %swap3A_2058 : i32 to index
    %swap3A_2060 = arith.constant 96 : index
    %swap3A_2061 = tpu.vector_load %arg5[%swap3A_2059, %swap3A_2060] {strides = array<i32>} : memref<16x128xf32, #tpu.memory_space<vmem>>, vector<1x16xf32>,
    %swap3A_2062 = vector.shape_cast %swap3A_2061 : vector<1x16xf32> to vector<16xf32>
    %swap3A_2063 = vector.shape_cast %select_n3A_2057 : vector<16xf32> to vector<1x16xf32>
    tpu.vector_store %arg5[%swap3A_2059, %swap3A_2060], %swap3A_2063 {strides = array<i32>} : memref<16x128xf32, #tpu.memory_space<vmem>>, vector<1x16xf32>,
    %eq3A_2064 = arith.cmpf oeq, %get3A_1871, %max3A_1906 : vector<16xf32>
    %eq3A_2065 = arith.cmpf oeq, %get3A_1871, %max3A_1953 : vector<16xf32>
    %or3A_2066 = arith.ori %eq3A_2064, %eq3A_2065 : vector<16xi1>
    %select_n3A_2067 = arith.select %or3A_2066, %get3A_1871, %broadcast_in_dim3A_5 : vector<16xi1>, vector<16xf32>
    %swap3A_2068 = arith.constant 11 : i32
    %swap3A_2069 = arith.index_cast %swap3A_2068 : i32 to index
    %swap3A_2070 = arith.constant 96 : index
    %swap3A_2071 = tpu.vector_load %arg5[%swap3A_2069, %swap3A_2070] {strides = array<i32>} : memref<16x128xf32, #tpu.memory_space<vmem>>, vector<1x16xf32>,
    %swap3A_2072 = vector.shape_cast %swap3A_2071 : vector<1x16xf32> to vector<16xf32>
    %swap3A_2073 = vector.shape_cast %select_n3A_2067 : vector<16xf32> to vector<1x16xf32>
    tpu.vector_store %arg5[%swap3A_2069, %swap3A_2070], %swap3A_2073 {strides = array<i32>} : memref<16x128xf32, #tpu.memory_space<vmem>>, vector<1x16xf32>,
    %eq3A_2074 = arith.cmpf oeq, %get3A_1876, %max3A_1906 : vector<16xf32>
    %eq3A_2075 = arith.cmpf oeq, %get3A_1876, %max3A_1953 : vector<16xf32>
    %or3A_2076 = arith.ori %eq3A_2074, %eq3A_2075 : vector<16xi1>
    %select_n3A_2077 = arith.select %or3A_2076, %get3A_1876, %broadcast_in_dim3A_5 : vector<16xi1>, vector<16xf32>
    %swap3A_2078 = arith.constant 12 : i32
    %swap3A_2079 = arith.index_cast %swap3A_2078 : i32 to index
    %swap3A_2080 = arith.constant 96 : index
    %swap3A_2081 = tpu.vector_load %arg5[%swap3A_2079, %swap3A_2080] {strides = array<i32>} : memref<16x128xf32, #tpu.memory_space<vmem>>, vector<1x16xf32>,
    %swap3A_2082 = vector.shape_cast %swap3A_2081 : vector<1x16xf32> to vector<16xf32>
    %swap3A_2083 = vector.shape_cast %select_n3A_2077 : vector<16xf32> to vector<1x16xf32>
    tpu.vector_store %arg5[%swap3A_2079, %swap3A_2080], %swap3A_2083 {strides = array<i32>} : memref<16x128xf32, #tpu.memory_space<vmem>>, vector<1x16xf32>,
    %eq3A_2084 = arith.cmpf oeq, %get3A_1881, %max3A_1906 : vector<16xf32>
    %eq3A_2085 = arith.cmpf oeq, %get3A_1881, %max3A_1953 : vector<16xf32>
    %or3A_2086 = arith.ori %eq3A_2084, %eq3A_2085 : vector<16xi1>
    %select_n3A_2087 = arith.select %or3A_2086, %get3A_1881, %broadcast_in_dim3A_5 : vector<16xi1>, vector<16xf32>
    %swap3A_2088 = arith.constant 13 : i32
    %swap3A_2089 = arith.index_cast %swap3A_2088 : i32 to index
    %swap3A_2090 = arith.constant 96 : index
    %swap3A_2091 = tpu.vector_load %arg5[%swap3A_2089, %swap3A_2090] {strides = array<i32>} : memref<16x128xf32, #tpu.memory_space<vmem>>, vector<1x16xf32>,
    %swap3A_2092 = vector.shape_cast %swap3A_2091 : vector<1x16xf32> to vector<16xf32>
    %swap3A_2093 = vector.shape_cast %select_n3A_2087 : vector<16xf32> to vector<1x16xf32>
    tpu.vector_store %arg5[%swap3A_2089, %swap3A_2090], %swap3A_2093 {strides = array<i32>} : memref<16x128xf32, #tpu.memory_space<vmem>>, vector<1x16xf32>,
    %eq3A_2094 = arith.cmpf oeq, %get3A_1886, %max3A_1906 : vector<16xf32>
    %eq3A_2095 = arith.cmpf oeq, %get3A_1886, %max3A_1953 : vector<16xf32>
    %or3A_2096 = arith.ori %eq3A_2094, %eq3A_2095 : vector<16xi1>
    %select_n3A_2097 = arith.select %or3A_2096, %get3A_1886, %broadcast_in_dim3A_5 : vector<16xi1>, vector<16xf32>
    %swap3A_2098 = arith.constant 14 : i32
    %swap3A_2099 = arith.index_cast %swap3A_2098 : i32 to index
    %swap3A_2100 = arith.constant 96 : index
    %swap3A_2101 = tpu.vector_load %arg5[%swap3A_2099, %swap3A_2100] {strides = array<i32>} : memref<16x128xf32, #tpu.memory_space<vmem>>, vector<1x16xf32>,
    %swap3A_2102 = vector.shape_cast %swap3A_2101 : vector<1x16xf32> to vector<16xf32>
    %swap3A_2103 = vector.shape_cast %select_n3A_2097 : vector<16xf32> to vector<1x16xf32>
    tpu.vector_store %arg5[%swap3A_2099, %swap3A_2100], %swap3A_2103 {strides = array<i32>} : memref<16x128xf32, #tpu.memory_space<vmem>>, vector<1x16xf32>,
    %eq3A_2104 = arith.cmpf oeq, %get3A_1891, %max3A_1906 : vector<16xf32>
    %eq3A_2105 = arith.cmpf oeq, %get3A_1891, %max3A_1953 : vector<16xf32>
    %or3A_2106 = arith.ori %eq3A_2104, %eq3A_2105 : vector<16xi1>
    %select_n3A_2107 = arith.select %or3A_2106, %get3A_1891, %broadcast_in_dim3A_5 : vector<16xi1>, vector<16xf32>
    %swap3A_2108 = arith.constant 15 : i32
    %swap3A_2109 = arith.index_cast %swap3A_2108 : i32 to index
    %swap3A_2110 = arith.constant 96 : index
    %swap3A_2111 = tpu.vector_load %arg5[%swap3A_2109, %swap3A_2110] {strides = array<i32>} : memref<16x128xf32, #tpu.memory_space<vmem>>, vector<1x16xf32>,
    %swap3A_2112 = vector.shape_cast %swap3A_2111 : vector<1x16xf32> to vector<16xf32>
    %swap3A_2113 = vector.shape_cast %select_n3A_2107 : vector<16xf32> to vector<1x16xf32>
    tpu.vector_store %arg5[%swap3A_2109, %swap3A_2110], %swap3A_2113 {strides = array<i32>} : memref<16x128xf32, #tpu.memory_space<vmem>>, vector<1x16xf32>,
    %get3A_2114 = arith.constant 0 : i32
    %get3A_2115 = arith.index_cast %get3A_2114 : i32 to index
    %get3A_2116 = arith.constant 112 : index
    %get3A_2117 = tpu.vector_load %arg4[%get3A_2115, %get3A_2116] {strides = array<i32>} : memref<16x128xf32, #tpu.memory_space<vmem>>, vector<1x16xf32>,
    %get3A_2118 = vector.shape_cast %get3A_2117 : vector<1x16xf32> to vector<16xf32>
    %get3A_2119 = arith.constant 1 : i32
    %get3A_2120 = arith.index_cast %get3A_2119 : i32 to index
    %get3A_2121 = arith.constant 112 : index
    %get3A_2122 = tpu.vector_load %arg4[%get3A_2120, %get3A_2121] {strides = array<i32>} : memref<16x128xf32, #tpu.memory_space<vmem>>, vector<1x16xf32>,
    %get3A_2123 = vector.shape_cast %get3A_2122 : vector<1x16xf32> to vector<16xf32>
    %get3A_2124 = arith.constant 2 : i32
    %get3A_2125 = arith.index_cast %get3A_2124 : i32 to index
    %get3A_2126 = arith.constant 112 : index
    %get3A_2127 = tpu.vector_load %arg4[%get3A_2125, %get3A_2126] {strides = array<i32>} : memref<16x128xf32, #tpu.memory_space<vmem>>, vector<1x16xf32>,
    %get3A_2128 = vector.shape_cast %get3A_2127 : vector<1x16xf32> to vector<16xf32>
    %get3A_2129 = arith.constant 3 : i32
    %get3A_2130 = arith.index_cast %get3A_2129 : i32 to index
    %get3A_2131 = arith.constant 112 : index
    %get3A_2132 = tpu.vector_load %arg4[%get3A_2130, %get3A_2131] {strides = array<i32>} : memref<16x128xf32, #tpu.memory_space<vmem>>, vector<1x16xf32>,
    %get3A_2133 = vector.shape_cast %get3A_2132 : vector<1x16xf32> to vector<16xf32>
    %get3A_2134 = arith.constant 4 : i32
    %get3A_2135 = arith.index_cast %get3A_2134 : i32 to index
    %get3A_2136 = arith.constant 112 : index
    %get3A_2137 = tpu.vector_load %arg4[%get3A_2135, %get3A_2136] {strides = array<i32>} : memref<16x128xf32, #tpu.memory_space<vmem>>, vector<1x16xf32>,
    %get3A_2138 = vector.shape_cast %get3A_2137 : vector<1x16xf32> to vector<16xf32>
    %get3A_2139 = arith.constant 5 : i32
    %get3A_2140 = arith.index_cast %get3A_2139 : i32 to index
    %get3A_2141 = arith.constant 112 : index
    %get3A_2142 = tpu.vector_load %arg4[%get3A_2140, %get3A_2141] {strides = array<i32>} : memref<16x128xf32, #tpu.memory_space<vmem>>, vector<1x16xf32>,
    %get3A_2143 = vector.shape_cast %get3A_2142 : vector<1x16xf32> to vector<16xf32>
    %get3A_2144 = arith.constant 6 : i32
    %get3A_2145 = arith.index_cast %get3A_2144 : i32 to index
    %get3A_2146 = arith.constant 112 : index
    %get3A_2147 = tpu.vector_load %arg4[%get3A_2145, %get3A_2146] {strides = array<i32>} : memref<16x128xf32, #tpu.memory_space<vmem>>, vector<1x16xf32>,
    %get3A_2148 = vector.shape_cast %get3A_2147 : vector<1x16xf32> to vector<16xf32>
    %get3A_2149 = arith.constant 7 : i32
    %get3A_2150 = arith.index_cast %get3A_2149 : i32 to index
    %get3A_2151 = arith.constant 112 : index
    %get3A_2152 = tpu.vector_load %arg4[%get3A_2150, %get3A_2151] {strides = array<i32>} : memref<16x128xf32, #tpu.memory_space<vmem>>, vector<1x16xf32>,
    %get3A_2153 = vector.shape_cast %get3A_2152 : vector<1x16xf32> to vector<16xf32>
    %get3A_2154 = arith.constant 8 : i32
    %get3A_2155 = arith.index_cast %get3A_2154 : i32 to index
    %get3A_2156 = arith.constant 112 : index
    %get3A_2157 = tpu.vector_load %arg4[%get3A_2155, %get3A_2156] {strides = array<i32>} : memref<16x128xf32, #tpu.memory_space<vmem>>, vector<1x16xf32>,
    %get3A_2158 = vector.shape_cast %get3A_2157 : vector<1x16xf32> to vector<16xf32>
    %get3A_2159 = arith.constant 9 : i32
    %get3A_2160 = arith.index_cast %get3A_2159 : i32 to index
    %get3A_2161 = arith.constant 112 : index
    %get3A_2162 = tpu.vector_load %arg4[%get3A_2160, %get3A_2161] {strides = array<i32>} : memref<16x128xf32, #tpu.memory_space<vmem>>, vector<1x16xf32>,
    %get3A_2163 = vector.shape_cast %get3A_2162 : vector<1x16xf32> to vector<16xf32>
    %get3A_2164 = arith.constant 10 : i32
    %get3A_2165 = arith.index_cast %get3A_2164 : i32 to index
    %get3A_2166 = arith.constant 112 : index
    %get3A_2167 = tpu.vector_load %arg4[%get3A_2165, %get3A_2166] {strides = array<i32>} : memref<16x128xf32, #tpu.memory_space<vmem>>, vector<1x16xf32>,
    %get3A_2168 = vector.shape_cast %get3A_2167 : vector<1x16xf32> to vector<16xf32>
    %get3A_2169 = arith.constant 11 : i32
    %get3A_2170 = arith.index_cast %get3A_2169 : i32 to index
    %get3A_2171 = arith.constant 112 : index
    %get3A_2172 = tpu.vector_load %arg4[%get3A_2170, %get3A_2171] {strides = array<i32>} : memref<16x128xf32, #tpu.memory_space<vmem>>, vector<1x16xf32>,
    %get3A_2173 = vector.shape_cast %get3A_2172 : vector<1x16xf32> to vector<16xf32>
    %get3A_2174 = arith.constant 12 : i32
    %get3A_2175 = arith.index_cast %get3A_2174 : i32 to index
    %get3A_2176 = arith.constant 112 : index
    %get3A_2177 = tpu.vector_load %arg4[%get3A_2175, %get3A_2176] {strides = array<i32>} : memref<16x128xf32, #tpu.memory_space<vmem>>, vector<1x16xf32>,
    %get3A_2178 = vector.shape_cast %get3A_2177 : vector<1x16xf32> to vector<16xf32>
    %get3A_2179 = arith.constant 13 : i32
    %get3A_2180 = arith.index_cast %get3A_2179 : i32 to index
    %get3A_2181 = arith.constant 112 : index
    %get3A_2182 = tpu.vector_load %arg4[%get3A_2180, %get3A_2181] {strides = array<i32>} : memref<16x128xf32, #tpu.memory_space<vmem>>, vector<1x16xf32>,
    %get3A_2183 = vector.shape_cast %get3A_2182 : vector<1x16xf32> to vector<16xf32>
    %get3A_2184 = arith.constant 14 : i32
    %get3A_2185 = arith.index_cast %get3A_2184 : i32 to index
    %get3A_2186 = arith.constant 112 : index
    %get3A_2187 = tpu.vector_load %arg4[%get3A_2185, %get3A_2186] {strides = array<i32>} : memref<16x128xf32, #tpu.memory_space<vmem>>, vector<1x16xf32>,
    %get3A_2188 = vector.shape_cast %get3A_2187 : vector<1x16xf32> to vector<16xf32>
    %get3A_2189 = arith.constant 15 : i32
    %get3A_2190 = arith.index_cast %get3A_2189 : i32 to index
    %get3A_2191 = arith.constant 112 : index
    %get3A_2192 = tpu.vector_load %arg4[%get3A_2190, %get3A_2191] {strides = array<i32>} : memref<16x128xf32, #tpu.memory_space<vmem>>, vector<1x16xf32>,
    %get3A_2193 = vector.shape_cast %get3A_2192 : vector<1x16xf32> to vector<16xf32>
    %max3A_2194 = arith.maximumf %get3A_2118, %get3A_2123 : vector<16xf32>
    %max3A_2195 = arith.maximumf %get3A_2128, %get3A_2133 : vector<16xf32>
    %max3A_2196 = arith.maximumf %get3A_2138, %get3A_2143 : vector<16xf32>
    %max3A_2197 = arith.maximumf %get3A_2148, %get3A_2153 : vector<16xf32>
    %max3A_2198 = arith.maximumf %get3A_2158, %get3A_2163 : vector<16xf32>
    %max3A_2199 = arith.maximumf %get3A_2168, %get3A_2173 : vector<16xf32>
    %max3A_2200 = arith.maximumf %get3A_2178, %get3A_2183 : vector<16xf32>
    %max3A_2201 = arith.maximumf %get3A_2188, %get3A_2193 : vector<16xf32>
    %max3A_2202 = arith.maximumf %max3A_2194, %max3A_2195 : vector<16xf32>
    %max3A_2203 = arith.maximumf %max3A_2196, %max3A_2197 : vector<16xf32>
    %max3A_2204 = arith.maximumf %max3A_2198, %max3A_2199 : vector<16xf32>
    %max3A_2205 = arith.maximumf %max3A_2200, %max3A_2201 : vector<16xf32>
    %max3A_2206 = arith.maximumf %max3A_2202, %max3A_2203 : vector<16xf32>
    %max3A_2207 = arith.maximumf %max3A_2204, %max3A_2205 : vector<16xf32>
    %max3A_2208 = arith.maximumf %max3A_2206, %max3A_2207 : vector<16xf32>
    %eq3A_2209 = arith.cmpf oeq, %get3A_2118, %max3A_2208 : vector<16xf32>
    %select_n3A_2210 = arith.select %eq3A_2209, %broadcast_in_dim3A_3, %get3A_2118 : vector<16xi1>, vector<16xf32>
    %eq3A_2211 = arith.cmpf oeq, %get3A_2123, %max3A_2208 : vector<16xf32>
    %select_n3A_2212 = arith.select %eq3A_2211, %broadcast_in_dim3A_3, %get3A_2123 : vector<16xi1>, vector<16xf32>
    %eq3A_2213 = arith.cmpf oeq, %get3A_2128, %max3A_2208 : vector<16xf32>
    %select_n3A_2214 = arith.select %eq3A_2213, %broadcast_in_dim3A_3, %get3A_2128 : vector<16xi1>, vector<16xf32>
    %eq3A_2215 = arith.cmpf oeq, %get3A_2133, %max3A_2208 : vector<16xf32>
    %select_n3A_2216 = arith.select %eq3A_2215, %broadcast_in_dim3A_3, %get3A_2133 : vector<16xi1>, vector<16xf32>
    %eq3A_2217 = arith.cmpf oeq, %get3A_2138, %max3A_2208 : vector<16xf32>
    %select_n3A_2218 = arith.select %eq3A_2217, %broadcast_in_dim3A_3, %get3A_2138 : vector<16xi1>, vector<16xf32>
    %eq3A_2219 = arith.cmpf oeq, %get3A_2143, %max3A_2208 : vector<16xf32>
    %select_n3A_2220 = arith.select %eq3A_2219, %broadcast_in_dim3A_3, %get3A_2143 : vector<16xi1>, vector<16xf32>
    %eq3A_2221 = arith.cmpf oeq, %get3A_2148, %max3A_2208 : vector<16xf32>
    %select_n3A_2222 = arith.select %eq3A_2221, %broadcast_in_dim3A_3, %get3A_2148 : vector<16xi1>, vector<16xf32>
    %eq3A_2223 = arith.cmpf oeq, %get3A_2153, %max3A_2208 : vector<16xf32>
    %select_n3A_2224 = arith.select %eq3A_2223, %broadcast_in_dim3A_3, %get3A_2153 : vector<16xi1>, vector<16xf32>
    %eq3A_2225 = arith.cmpf oeq, %get3A_2158, %max3A_2208 : vector<16xf32>
    %select_n3A_2226 = arith.select %eq3A_2225, %broadcast_in_dim3A_3, %get3A_2158 : vector<16xi1>, vector<16xf32>
    %eq3A_2227 = arith.cmpf oeq, %get3A_2163, %max3A_2208 : vector<16xf32>
    %select_n3A_2228 = arith.select %eq3A_2227, %broadcast_in_dim3A_3, %get3A_2163 : vector<16xi1>, vector<16xf32>
    %eq3A_2229 = arith.cmpf oeq, %get3A_2168, %max3A_2208 : vector<16xf32>
    %select_n3A_2230 = arith.select %eq3A_2229, %broadcast_in_dim3A_3, %get3A_2168 : vector<16xi1>, vector<16xf32>
    %eq3A_2231 = arith.cmpf oeq, %get3A_2173, %max3A_2208 : vector<16xf32>
    %select_n3A_2232 = arith.select %eq3A_2231, %broadcast_in_dim3A_3, %get3A_2173 : vector<16xi1>, vector<16xf32>
    %eq3A_2233 = arith.cmpf oeq, %get3A_2178, %max3A_2208 : vector<16xf32>
    %select_n3A_2234 = arith.select %eq3A_2233, %broadcast_in_dim3A_3, %get3A_2178 : vector<16xi1>, vector<16xf32>
    %eq3A_2235 = arith.cmpf oeq, %get3A_2183, %max3A_2208 : vector<16xf32>
    %select_n3A_2236 = arith.select %eq3A_2235, %broadcast_in_dim3A_3, %get3A_2183 : vector<16xi1>, vector<16xf32>
    %eq3A_2237 = arith.cmpf oeq, %get3A_2188, %max3A_2208 : vector<16xf32>
    %select_n3A_2238 = arith.select %eq3A_2237, %broadcast_in_dim3A_3, %get3A_2188 : vector<16xi1>, vector<16xf32>
    %eq3A_2239 = arith.cmpf oeq, %get3A_2193, %max3A_2208 : vector<16xf32>
    %select_n3A_2240 = arith.select %eq3A_2239, %broadcast_in_dim3A_3, %get3A_2193 : vector<16xi1>, vector<16xf32>
    %max3A_2241 = arith.maximumf %select_n3A_2210, %select_n3A_2212 : vector<16xf32>
    %max3A_2242 = arith.maximumf %select_n3A_2214, %select_n3A_2216 : vector<16xf32>
    %max3A_2243 = arith.maximumf %select_n3A_2218, %select_n3A_2220 : vector<16xf32>
    %max3A_2244 = arith.maximumf %select_n3A_2222, %select_n3A_2224 : vector<16xf32>
    %max3A_2245 = arith.maximumf %select_n3A_2226, %select_n3A_2228 : vector<16xf32>
    %max3A_2246 = arith.maximumf %select_n3A_2230, %select_n3A_2232 : vector<16xf32>
    %max3A_2247 = arith.maximumf %select_n3A_2234, %select_n3A_2236 : vector<16xf32>
    %max3A_2248 = arith.maximumf %select_n3A_2238, %select_n3A_2240 : vector<16xf32>
    %max3A_2249 = arith.maximumf %max3A_2241, %max3A_2242 : vector<16xf32>
    %max3A_2250 = arith.maximumf %max3A_2243, %max3A_2244 : vector<16xf32>
    %max3A_2251 = arith.maximumf %max3A_2245, %max3A_2246 : vector<16xf32>
    %max3A_2252 = arith.maximumf %max3A_2247, %max3A_2248 : vector<16xf32>
    %max3A_2253 = arith.maximumf %max3A_2249, %max3A_2250 : vector<16xf32>
    %max3A_2254 = arith.maximumf %max3A_2251, %max3A_2252 : vector<16xf32>
    %max3A_2255 = arith.maximumf %max3A_2253, %max3A_2254 : vector<16xf32>
    %eq3A_2256 = arith.cmpf oeq, %get3A_2118, %max3A_2208 : vector<16xf32>
    %eq3A_2257 = arith.cmpf oeq, %get3A_2118, %max3A_2255 : vector<16xf32>
    %or3A_2258 = arith.ori %eq3A_2256, %eq3A_2257 : vector<16xi1>
    %select_n3A_2259 = arith.select %or3A_2258, %get3A_2118, %broadcast_in_dim3A_5 : vector<16xi1>, vector<16xf32>
    %swap3A_2260 = arith.constant 0 : i32
    %swap3A_2261 = arith.index_cast %swap3A_2260 : i32 to index
    %swap3A_2262 = arith.constant 112 : index
    %swap3A_2263 = tpu.vector_load %arg5[%swap3A_2261, %swap3A_2262] {strides = array<i32>} : memref<16x128xf32, #tpu.memory_space<vmem>>, vector<1x16xf32>,
    %swap3A_2264 = vector.shape_cast %swap3A_2263 : vector<1x16xf32> to vector<16xf32>
    %swap3A_2265 = vector.shape_cast %select_n3A_2259 : vector<16xf32> to vector<1x16xf32>
    tpu.vector_store %arg5[%swap3A_2261, %swap3A_2262], %swap3A_2265 {strides = array<i32>} : memref<16x128xf32, #tpu.memory_space<vmem>>, vector<1x16xf32>,
    %eq3A_2266 = arith.cmpf oeq, %get3A_2123, %max3A_2208 : vector<16xf32>
    %eq3A_2267 = arith.cmpf oeq, %get3A_2123, %max3A_2255 : vector<16xf32>
    %or3A_2268 = arith.ori %eq3A_2266, %eq3A_2267 : vector<16xi1>
    %select_n3A_2269 = arith.select %or3A_2268, %get3A_2123, %broadcast_in_dim3A_5 : vector<16xi1>, vector<16xf32>
    %swap3A_2270 = arith.constant 1 : i32
    %swap3A_2271 = arith.index_cast %swap3A_2270 : i32 to index
    %swap3A_2272 = arith.constant 112 : index
    %swap3A_2273 = tpu.vector_load %arg5[%swap3A_2271, %swap3A_2272] {strides = array<i32>} : memref<16x128xf32, #tpu.memory_space<vmem>>, vector<1x16xf32>,
    %swap3A_2274 = vector.shape_cast %swap3A_2273 : vector<1x16xf32> to vector<16xf32>
    %swap3A_2275 = vector.shape_cast %select_n3A_2269 : vector<16xf32> to vector<1x16xf32>
    tpu.vector_store %arg5[%swap3A_2271, %swap3A_2272], %swap3A_2275 {strides = array<i32>} : memref<16x128xf32, #tpu.memory_space<vmem>>, vector<1x16xf32>,
    %eq3A_2276 = arith.cmpf oeq, %get3A_2128, %max3A_2208 : vector<16xf32>
    %eq3A_2277 = arith.cmpf oeq, %get3A_2128, %max3A_2255 : vector<16xf32>
    %or3A_2278 = arith.ori %eq3A_2276, %eq3A_2277 : vector<16xi1>
    %select_n3A_2279 = arith.select %or3A_2278, %get3A_2128, %broadcast_in_dim3A_5 : vector<16xi1>, vector<16xf32>
    %swap3A_2280 = arith.constant 2 : i32
    %swap3A_2281 = arith.index_cast %swap3A_2280 : i32 to index
    %swap3A_2282 = arith.constant 112 : index
    %swap3A_2283 = tpu.vector_load %arg5[%swap3A_2281, %swap3A_2282] {strides = array<i32>} : memref<16x128xf32, #tpu.memory_space<vmem>>, vector<1x16xf32>,
    %swap3A_2284 = vector.shape_cast %swap3A_2283 : vector<1x16xf32> to vector<16xf32>
    %swap3A_2285 = vector.shape_cast %select_n3A_2279 : vector<16xf32> to vector<1x16xf32>
    tpu.vector_store %arg5[%swap3A_2281, %swap3A_2282], %swap3A_2285 {strides = array<i32>} : memref<16x128xf32, #tpu.memory_space<vmem>>, vector<1x16xf32>,
    %eq3A_2286 = arith.cmpf oeq, %get3A_2133, %max3A_2208 : vector<16xf32>
    %eq3A_2287 = arith.cmpf oeq, %get3A_2133, %max3A_2255 : vector<16xf32>
    %or3A_2288 = arith.ori %eq3A_2286, %eq3A_2287 : vector<16xi1>
    %select_n3A_2289 = arith.select %or3A_2288, %get3A_2133, %broadcast_in_dim3A_5 : vector<16xi1>, vector<16xf32>
    %swap3A_2290 = arith.constant 3 : i32
    %swap3A_2291 = arith.index_cast %swap3A_2290 : i32 to index
    %swap3A_2292 = arith.constant 112 : index
    %swap3A_2293 = tpu.vector_load %arg5[%swap3A_2291, %swap3A_2292] {strides = array<i32>} : memref<16x128xf32, #tpu.memory_space<vmem>>, vector<1x16xf32>,
    %swap3A_2294 = vector.shape_cast %swap3A_2293 : vector<1x16xf32> to vector<16xf32>
    %swap3A_2295 = vector.shape_cast %select_n3A_2289 : vector<16xf32> to vector<1x16xf32>
    tpu.vector_store %arg5[%swap3A_2291, %swap3A_2292], %swap3A_2295 {strides = array<i32>} : memref<16x128xf32, #tpu.memory_space<vmem>>, vector<1x16xf32>,
    %eq3A_2296 = arith.cmpf oeq, %get3A_2138, %max3A_2208 : vector<16xf32>
    %eq3A_2297 = arith.cmpf oeq, %get3A_2138, %max3A_2255 : vector<16xf32>
    %or3A_2298 = arith.ori %eq3A_2296, %eq3A_2297 : vector<16xi1>
    %select_n3A_2299 = arith.select %or3A_2298, %get3A_2138, %broadcast_in_dim3A_5 : vector<16xi1>, vector<16xf32>
    %swap3A_2300 = arith.constant 4 : i32
    %swap3A_2301 = arith.index_cast %swap3A_2300 : i32 to index
    %swap3A_2302 = arith.constant 112 : index
    %swap3A_2303 = tpu.vector_load %arg5[%swap3A_2301, %swap3A_2302] {strides = array<i32>} : memref<16x128xf32, #tpu.memory_space<vmem>>, vector<1x16xf32>,
    %swap3A_2304 = vector.shape_cast %swap3A_2303 : vector<1x16xf32> to vector<16xf32>
    %swap3A_2305 = vector.shape_cast %select_n3A_2299 : vector<16xf32> to vector<1x16xf32>
    tpu.vector_store %arg5[%swap3A_2301, %swap3A_2302], %swap3A_2305 {strides = array<i32>} : memref<16x128xf32, #tpu.memory_space<vmem>>, vector<1x16xf32>,
    %eq3A_2306 = arith.cmpf oeq, %get3A_2143, %max3A_2208 : vector<16xf32>
    %eq3A_2307 = arith.cmpf oeq, %get3A_2143, %max3A_2255 : vector<16xf32>
    %or3A_2308 = arith.ori %eq3A_2306, %eq3A_2307 : vector<16xi1>
    %select_n3A_2309 = arith.select %or3A_2308, %get3A_2143, %broadcast_in_dim3A_5 : vector<16xi1>, vector<16xf32>
    %swap3A_2310 = arith.constant 5 : i32
    %swap3A_2311 = arith.index_cast %swap3A_2310 : i32 to index
    %swap3A_2312 = arith.constant 112 : index
    %swap3A_2313 = tpu.vector_load %arg5[%swap3A_2311, %swap3A_2312] {strides = array<i32>} : memref<16x128xf32, #tpu.memory_space<vmem>>, vector<1x16xf32>,
    %swap3A_2314 = vector.shape_cast %swap3A_2313 : vector<1x16xf32> to vector<16xf32>
    %swap3A_2315 = vector.shape_cast %select_n3A_2309 : vector<16xf32> to vector<1x16xf32>
    tpu.vector_store %arg5[%swap3A_2311, %swap3A_2312], %swap3A_2315 {strides = array<i32>} : memref<16x128xf32, #tpu.memory_space<vmem>>, vector<1x16xf32>,
    %eq3A_2316 = arith.cmpf oeq, %get3A_2148, %max3A_2208 : vector<16xf32>
    %eq3A_2317 = arith.cmpf oeq, %get3A_2148, %max3A_2255 : vector<16xf32>
    %or3A_2318 = arith.ori %eq3A_2316, %eq3A_2317 : vector<16xi1>
    %select_n3A_2319 = arith.select %or3A_2318, %get3A_2148, %broadcast_in_dim3A_5 : vector<16xi1>, vector<16xf32>
    %swap3A_2320 = arith.constant 6 : i32
    %swap3A_2321 = arith.index_cast %swap3A_2320 : i32 to index
    %swap3A_2322 = arith.constant 112 : index
    %swap3A_2323 = tpu.vector_load %arg5[%swap3A_2321, %swap3A_2322] {strides = array<i32>} : memref<16x128xf32, #tpu.memory_space<vmem>>, vector<1x16xf32>,
    %swap3A_2324 = vector.shape_cast %swap3A_2323 : vector<1x16xf32> to vector<16xf32>
    %swap3A_2325 = vector.shape_cast %select_n3A_2319 : vector<16xf32> to vector<1x16xf32>
    tpu.vector_store %arg5[%swap3A_2321, %swap3A_2322], %swap3A_2325 {strides = array<i32>} : memref<16x128xf32, #tpu.memory_space<vmem>>, vector<1x16xf32>,
    %eq3A_2326 = arith.cmpf oeq, %get3A_2153, %max3A_2208 : vector<16xf32>
    %eq3A_2327 = arith.cmpf oeq, %get3A_2153, %max3A_2255 : vector<16xf32>
    %or3A_2328 = arith.ori %eq3A_2326, %eq3A_2327 : vector<16xi1>
    %select_n3A_2329 = arith.select %or3A_2328, %get3A_2153, %broadcast_in_dim3A_5 : vector<16xi1>, vector<16xf32>
    %swap3A_2330 = arith.constant 7 : i32
    %swap3A_2331 = arith.index_cast %swap3A_2330 : i32 to index
    %swap3A_2332 = arith.constant 112 : index
    %swap3A_2333 = tpu.vector_load %arg5[%swap3A_2331, %swap3A_2332] {strides = array<i32>} : memref<16x128xf32, #tpu.memory_space<vmem>>, vector<1x16xf32>,
    %swap3A_2334 = vector.shape_cast %swap3A_2333 : vector<1x16xf32> to vector<16xf32>
    %swap3A_2335 = vector.shape_cast %select_n3A_2329 : vector<16xf32> to vector<1x16xf32>
    tpu.vector_store %arg5[%swap3A_2331, %swap3A_2332], %swap3A_2335 {strides = array<i32>} : memref<16x128xf32, #tpu.memory_space<vmem>>, vector<1x16xf32>,
    %eq3A_2336 = arith.cmpf oeq, %get3A_2158, %max3A_2208 : vector<16xf32>
    %eq3A_2337 = arith.cmpf oeq, %get3A_2158, %max3A_2255 : vector<16xf32>
    %or3A_2338 = arith.ori %eq3A_2336, %eq3A_2337 : vector<16xi1>
    %select_n3A_2339 = arith.select %or3A_2338, %get3A_2158, %broadcast_in_dim3A_5 : vector<16xi1>, vector<16xf32>
    %swap3A_2340 = arith.constant 8 : i32
    %swap3A_2341 = arith.index_cast %swap3A_2340 : i32 to index
    %swap3A_2342 = arith.constant 112 : index
    %swap3A_2343 = tpu.vector_load %arg5[%swap3A_2341, %swap3A_2342] {strides = array<i32>} : memref<16x128xf32, #tpu.memory_space<vmem>>, vector<1x16xf32>,
    %swap3A_2344 = vector.shape_cast %swap3A_2343 : vector<1x16xf32> to vector<16xf32>
    %swap3A_2345 = vector.shape_cast %select_n3A_2339 : vector<16xf32> to vector<1x16xf32>
    tpu.vector_store %arg5[%swap3A_2341, %swap3A_2342], %swap3A_2345 {strides = array<i32>} : memref<16x128xf32, #tpu.memory_space<vmem>>, vector<1x16xf32>,
    %eq3A_2346 = arith.cmpf oeq, %get3A_2163, %max3A_2208 : vector<16xf32>
    %eq3A_2347 = arith.cmpf oeq, %get3A_2163, %max3A_2255 : vector<16xf32>
    %or3A_2348 = arith.ori %eq3A_2346, %eq3A_2347 : vector<16xi1>
    %select_n3A_2349 = arith.select %or3A_2348, %get3A_2163, %broadcast_in_dim3A_5 : vector<16xi1>, vector<16xf32>
    %swap3A_2350 = arith.constant 9 : i32
    %swap3A_2351 = arith.index_cast %swap3A_2350 : i32 to index
    %swap3A_2352 = arith.constant 112 : index
    %swap3A_2353 = tpu.vector_load %arg5[%swap3A_2351, %swap3A_2352] {strides = array<i32>} : memref<16x128xf32, #tpu.memory_space<vmem>>, vector<1x16xf32>,
    %swap3A_2354 = vector.shape_cast %swap3A_2353 : vector<1x16xf32> to vector<16xf32>
    %swap3A_2355 = vector.shape_cast %select_n3A_2349 : vector<16xf32> to vector<1x16xf32>
    tpu.vector_store %arg5[%swap3A_2351, %swap3A_2352], %swap3A_2355 {strides = array<i32>} : memref<16x128xf32, #tpu.memory_space<vmem>>, vector<1x16xf32>,
    %eq3A_2356 = arith.cmpf oeq, %get3A_2168, %max3A_2208 : vector<16xf32>
    %eq3A_2357 = arith.cmpf oeq, %get3A_2168, %max3A_2255 : vector<16xf32>
    %or3A_2358 = arith.ori %eq3A_2356, %eq3A_2357 : vector<16xi1>
    %select_n3A_2359 = arith.select %or3A_2358, %get3A_2168, %broadcast_in_dim3A_5 : vector<16xi1>, vector<16xf32>
    %swap3A_2360 = arith.constant 10 : i32
    %swap3A_2361 = arith.index_cast %swap3A_2360 : i32 to index
    %swap3A_2362 = arith.constant 112 : index
    %swap3A_2363 = tpu.vector_load %arg5[%swap3A_2361, %swap3A_2362] {strides = array<i32>} : memref<16x128xf32, #tpu.memory_space<vmem>>, vector<1x16xf32>,
    %swap3A_2364 = vector.shape_cast %swap3A_2363 : vector<1x16xf32> to vector<16xf32>
    %swap3A_2365 = vector.shape_cast %select_n3A_2359 : vector<16xf32> to vector<1x16xf32>
    tpu.vector_store %arg5[%swap3A_2361, %swap3A_2362], %swap3A_2365 {strides = array<i32>} : memref<16x128xf32, #tpu.memory_space<vmem>>, vector<1x16xf32>,
    %eq3A_2366 = arith.cmpf oeq, %get3A_2173, %max3A_2208 : vector<16xf32>
    %eq3A_2367 = arith.cmpf oeq, %get3A_2173, %max3A_2255 : vector<16xf32>
    %or3A_2368 = arith.ori %eq3A_2366, %eq3A_2367 : vector<16xi1>
    %select_n3A_2369 = arith.select %or3A_2368, %get3A_2173, %broadcast_in_dim3A_5 : vector<16xi1>, vector<16xf32>
    %swap3A_2370 = arith.constant 11 : i32
    %swap3A_2371 = arith.index_cast %swap3A_2370 : i32 to index
    %swap3A_2372 = arith.constant 112 : index
    %swap3A_2373 = tpu.vector_load %arg5[%swap3A_2371, %swap3A_2372] {strides = array<i32>} : memref<16x128xf32, #tpu.memory_space<vmem>>, vector<1x16xf32>,
    %swap3A_2374 = vector.shape_cast %swap3A_2373 : vector<1x16xf32> to vector<16xf32>
    %swap3A_2375 = vector.shape_cast %select_n3A_2369 : vector<16xf32> to vector<1x16xf32>
    tpu.vector_store %arg5[%swap3A_2371, %swap3A_2372], %swap3A_2375 {strides = array<i32>} : memref<16x128xf32, #tpu.memory_space<vmem>>, vector<1x16xf32>,
    %eq3A_2376 = arith.cmpf oeq, %get3A_2178, %max3A_2208 : vector<16xf32>
    %eq3A_2377 = arith.cmpf oeq, %get3A_2178, %max3A_2255 : vector<16xf32>
    %or3A_2378 = arith.ori %eq3A_2376, %eq3A_2377 : vector<16xi1>
    %select_n3A_2379 = arith.select %or3A_2378, %get3A_2178, %broadcast_in_dim3A_5 : vector<16xi1>, vector<16xf32>
    %swap3A_2380 = arith.constant 12 : i32
    %swap3A_2381 = arith.index_cast %swap3A_2380 : i32 to index
    %swap3A_2382 = arith.constant 112 : index
    %swap3A_2383 = tpu.vector_load %arg5[%swap3A_2381, %swap3A_2382] {strides = array<i32>} : memref<16x128xf32, #tpu.memory_space<vmem>>, vector<1x16xf32>,
    %swap3A_2384 = vector.shape_cast %swap3A_2383 : vector<1x16xf32> to vector<16xf32>
    %swap3A_2385 = vector.shape_cast %select_n3A_2379 : vector<16xf32> to vector<1x16xf32>
    tpu.vector_store %arg5[%swap3A_2381, %swap3A_2382], %swap3A_2385 {strides = array<i32>} : memref<16x128xf32, #tpu.memory_space<vmem>>, vector<1x16xf32>,
    %eq3A_2386 = arith.cmpf oeq, %get3A_2183, %max3A_2208 : vector<16xf32>
    %eq3A_2387 = arith.cmpf oeq, %get3A_2183, %max3A_2255 : vector<16xf32>
    %or3A_2388 = arith.ori %eq3A_2386, %eq3A_2387 : vector<16xi1>
    %select_n3A_2389 = arith.select %or3A_2388, %get3A_2183, %broadcast_in_dim3A_5 : vector<16xi1>, vector<16xf32>
    %swap3A_2390 = arith.constant 13 : i32
    %swap3A_2391 = arith.index_cast %swap3A_2390 : i32 to index
    %swap3A_2392 = arith.constant 112 : index
    %swap3A_2393 = tpu.vector_load %arg5[%swap3A_2391, %swap3A_2392] {strides = array<i32>} : memref<16x128xf32, #tpu.memory_space<vmem>>, vector<1x16xf32>,
    %swap3A_2394 = vector.shape_cast %swap3A_2393 : vector<1x16xf32> to vector<16xf32>
    %swap3A_2395 = vector.shape_cast %select_n3A_2389 : vector<16xf32> to vector<1x16xf32>
    tpu.vector_store %arg5[%swap3A_2391, %swap3A_2392], %swap3A_2395 {strides = array<i32>} : memref<16x128xf32, #tpu.memory_space<vmem>>, vector<1x16xf32>,
    %eq3A_2396 = arith.cmpf oeq, %get3A_2188, %max3A_2208 : vector<16xf32>
    %eq3A_2397 = arith.cmpf oeq, %get3A_2188, %max3A_2255 : vector<16xf32>
    %or3A_2398 = arith.ori %eq3A_2396, %eq3A_2397 : vector<16xi1>
    %select_n3A_2399 = arith.select %or3A_2398, %get3A_2188, %broadcast_in_dim3A_5 : vector<16xi1>, vector<16xf32>
    %swap3A_2400 = arith.constant 14 : i32
    %swap3A_2401 = arith.index_cast %swap3A_2400 : i32 to index
    %swap3A_2402 = arith.constant 112 : index
    %swap3A_2403 = tpu.vector_load %arg5[%swap3A_2401, %swap3A_2402] {strides = array<i32>} : memref<16x128xf32, #tpu.memory_space<vmem>>, vector<1x16xf32>,
    %swap3A_2404 = vector.shape_cast %swap3A_2403 : vector<1x16xf32> to vector<16xf32>
    %swap3A_2405 = vector.shape_cast %select_n3A_2399 : vector<16xf32> to vector<1x16xf32>
    tpu.vector_store %arg5[%swap3A_2401, %swap3A_2402], %swap3A_2405 {strides = array<i32>} : memref<16x128xf32, #tpu.memory_space<vmem>>, vector<1x16xf32>,
    %eq3A_2406 = arith.cmpf oeq, %get3A_2193, %max3A_2208 : vector<16xf32>
    %eq3A_2407 = arith.cmpf oeq, %get3A_2193, %max3A_2255 : vector<16xf32>
    %or3A_2408 = arith.ori %eq3A_2406, %eq3A_2407 : vector<16xi1>
    %select_n3A_2409 = arith.select %or3A_2408, %get3A_2193, %broadcast_in_dim3A_5 : vector<16xi1>, vector<16xf32>
    %swap3A_2410 = arith.constant 15 : i32
    %swap3A_2411 = arith.index_cast %swap3A_2410 : i32 to index
    %swap3A_2412 = arith.constant 112 : index
    %swap3A_2413 = tpu.vector_load %arg5[%swap3A_2411, %swap3A_2412] {strides = array<i32>} : memref<16x128xf32, #tpu.memory_space<vmem>>, vector<1x16xf32>,
    %swap3A_2414 = vector.shape_cast %swap3A_2413 : vector<1x16xf32> to vector<16xf32>
    %swap3A_2415 = vector.shape_cast %select_n3A_2409 : vector<16xf32> to vector<1x16xf32>
    tpu.vector_store %arg5[%swap3A_2411, %swap3A_2412], %swap3A_2415 {strides = array<i32>} : memref<16x128xf32, #tpu.memory_space<vmem>>, vector<1x16xf32>,
    "tpu.region"() ({
      %run_scoped3A = tpu.sem_alloc : memref<!tpu.dma_semaphore, #tpu.memory_space<semaphore_mem>>
      %dma_start3A = arith.constant 0 : i32
      %dma_start3A_2416 = tpu.memref_slice %arg3[%dma_start3A, %mul3A_2] : memref<16x4096xf32, #tpu.memory_space<hbm>> -> memref<16x128xf32, #tpu.memory_space<hbm>>
      %dma_start3A_2417 = arith.constant 0 : i32
      %dma_start3A_2418 = tpu.memref_slice %arg3[%dma_start3A_2417, %mul3A_2] : memref<16x4096xf32, #tpu.memory_space<hbm>> -> memref<16x128xf32, #tpu.memory_space<hbm>>
      tpu.enqueue_dma source(%arg5 : memref<16x128xf32, #tpu.memory_space<vmem>>) target(%dma_start3A_2418 : memref<16x128xf32, #tpu.memory_space<hbm>>) target_semaphore(%run_scoped3A : memref<!tpu.dma_semaphore, #tpu.memory_space<semaphore_mem>>)
      %dma_wait3A = arith.constant 0 : i32
      %dma_wait3A_2419 = tpu.memref_slice %arg3[%dma_wait3A, %mul3A_2] : memref<16x4096xf32, #tpu.memory_space<hbm>> -> memref<16x128xf32, #tpu.memory_space<hbm>>
      %dma_wait3A_2420 = arith.constant 0 : i32
      %dma_wait3A_2421 = tpu.memref_slice %arg3[%dma_wait3A_2420, %mul3A_2] : memref<16x4096xf32, #tpu.memory_space<hbm>> -> memref<16x128xf32, #tpu.memory_space<hbm>>
      tpu.wait_dma2 semaphore(%run_scoped3A : memref<!tpu.dma_semaphore, #tpu.memory_space<semaphore_mem>>) src(%arg5 : memref<16x128xf32, #tpu.memory_space<vmem>>) dst(%dma_wait3A_2421 : memref<16x128xf32, #tpu.memory_space<hbm>>)
      tpu.yield
    }) : () -> ()
    return
  }
}

module attributes {stable_mosaic.version = 14 : i64} {
  func.func @_moe_block(%arg0: i32, %arg1: memref<512x1024xf32, #tpu.memory_space<vmem>>, %arg2: memref<16x512xf32, #tpu.memory_space<vmem>>, %arg3: memref<16x2048xbf16, #tpu.memory_space<vmem>>, %arg4: memref<16x1024x128xbf16, #tpu.memory_space<vmem>>, %arg5: memref<2048x1024xbf16, #tpu.memory_space<vmem>>, %arg6: memref<512x1024xf32, #tpu.memory_space<vmem>>, %arg7: memref<1024x2048xbf16, #tpu.memory_space<vmem>>) attributes {dimension_semantics = [#tpu.dimension_semantics<arbitrary>], iteration_bounds = array<i64: 8>, scalar_prefetch = 0 : i64, scratch_operands = 1 : i64, tpu.core_type = #tpu.core_type<tc>, window_params = [{transform_indices = @transform_0, window_bounds = array<i64: 512, 1024>}, {transform_indices = @transform_1, window_bounds = array<i64: 16, 512>}, {pipeline_mode = #tpu.pipeline_mode<synchronous>, transform_indices = @transform_2, window_bounds = array<i64: 16, 2048>}, {pipeline_mode = #tpu.pipeline_mode<synchronous>, transform_indices = @transform_3, window_bounds = array<i64: 16, 1024, 128>}, {pipeline_mode = #tpu.pipeline_mode<synchronous>, transform_indices = @transform_4, window_bounds = array<i64: 2048, 1024>}, {transform_indices = @transform_5, window_bounds = array<i64: 512, 1024>}]} {
    %eq3A = arith.constant 0 : i32
    %eq3A_0 = arith.cmpi eq, %arg0, %eq3A : i32
    %convert_element_type3A = arith.extui %eq3A_0 : i1 to i32
    %cond3A = arith.constant 0 : i32
    %cond3A_1 = arith.cmpi ne, %convert_element_type3A, %cond3A : i32
    scf.if %cond3A_1 {
      %get3A_28 = arith.constant 0 : index
      %get3A_29 = arith.constant 0 : index
      %get3A_30 = arith.constant 0 : index
      %get3A_31 = vector.load %arg4[%get3A_28, %get3A_29, %get3A_30] : memref<16x1024x128xbf16, #tpu.memory_space<vmem>>, vector<1x1024x128xbf16>
      %get3A_32 = vector.shape_cast %get3A_31 : vector<1x1024x128xbf16> to vector<1024x128xbf16>
      %swap3A_33 = arith.constant 0 : index
      %swap3A_34 = arith.constant 0 : index
      %swap3A_35 = vector.load %arg7[%swap3A_33, %swap3A_34] : memref<1024x2048xbf16, #tpu.memory_space<vmem>>, vector<1024x128xbf16>
      tpu.vector_store %arg7[%swap3A_33, %swap3A_34], %get3A_32 {strides = array<i32>} : memref<1024x2048xbf16, #tpu.memory_space<vmem>>, vector<1024x128xbf16>,
      %get3A_36 = arith.constant 1 : index
      %get3A_37 = arith.constant 0 : index
      %get3A_38 = arith.constant 0 : index
      %get3A_39 = vector.load %arg4[%get3A_36, %get3A_37, %get3A_38] : memref<16x1024x128xbf16, #tpu.memory_space<vmem>>, vector<1x1024x128xbf16>
      %get3A_40 = vector.shape_cast %get3A_39 : vector<1x1024x128xbf16> to vector<1024x128xbf16>
      %swap3A_41 = arith.constant 0 : index
      %swap3A_42 = arith.constant 128 : index
      %swap3A_43 = vector.load %arg7[%swap3A_41, %swap3A_42] : memref<1024x2048xbf16, #tpu.memory_space<vmem>>, vector<1024x128xbf16>
      tpu.vector_store %arg7[%swap3A_41, %swap3A_42], %get3A_40 {strides = array<i32>} : memref<1024x2048xbf16, #tpu.memory_space<vmem>>, vector<1024x128xbf16>,
      %get3A_44 = arith.constant 2 : index
      %get3A_45 = arith.constant 0 : index
      %get3A_46 = arith.constant 0 : index
      %get3A_47 = vector.load %arg4[%get3A_44, %get3A_45, %get3A_46] : memref<16x1024x128xbf16, #tpu.memory_space<vmem>>, vector<1x1024x128xbf16>
      %get3A_48 = vector.shape_cast %get3A_47 : vector<1x1024x128xbf16> to vector<1024x128xbf16>
      %swap3A_49 = arith.constant 0 : index
      %swap3A_50 = arith.constant 256 : index
      %swap3A_51 = vector.load %arg7[%swap3A_49, %swap3A_50] : memref<1024x2048xbf16, #tpu.memory_space<vmem>>, vector<1024x128xbf16>
      tpu.vector_store %arg7[%swap3A_49, %swap3A_50], %get3A_48 {strides = array<i32>} : memref<1024x2048xbf16, #tpu.memory_space<vmem>>, vector<1024x128xbf16>,
      %get3A_52 = arith.constant 3 : index
      %get3A_53 = arith.constant 0 : index
      %get3A_54 = arith.constant 0 : index
      %get3A_55 = vector.load %arg4[%get3A_52, %get3A_53, %get3A_54] : memref<16x1024x128xbf16, #tpu.memory_space<vmem>>, vector<1x1024x128xbf16>
      %get3A_56 = vector.shape_cast %get3A_55 : vector<1x1024x128xbf16> to vector<1024x128xbf16>
      %swap3A_57 = arith.constant 0 : index
      %swap3A_58 = arith.constant 384 : index
      %swap3A_59 = vector.load %arg7[%swap3A_57, %swap3A_58] : memref<1024x2048xbf16, #tpu.memory_space<vmem>>, vector<1024x128xbf16>
      tpu.vector_store %arg7[%swap3A_57, %swap3A_58], %get3A_56 {strides = array<i32>} : memref<1024x2048xbf16, #tpu.memory_space<vmem>>, vector<1024x128xbf16>,
      %get3A_60 = arith.constant 4 : index
      %get3A_61 = arith.constant 0 : index
      %get3A_62 = arith.constant 0 : index
      %get3A_63 = vector.load %arg4[%get3A_60, %get3A_61, %get3A_62] : memref<16x1024x128xbf16, #tpu.memory_space<vmem>>, vector<1x1024x128xbf16>
      %get3A_64 = vector.shape_cast %get3A_63 : vector<1x1024x128xbf16> to vector<1024x128xbf16>
      %swap3A_65 = arith.constant 0 : index
      %swap3A_66 = arith.constant 512 : index
      %swap3A_67 = vector.load %arg7[%swap3A_65, %swap3A_66] : memref<1024x2048xbf16, #tpu.memory_space<vmem>>, vector<1024x128xbf16>
      tpu.vector_store %arg7[%swap3A_65, %swap3A_66], %get3A_64 {strides = array<i32>} : memref<1024x2048xbf16, #tpu.memory_space<vmem>>, vector<1024x128xbf16>,
      %get3A_68 = arith.constant 5 : index
      %get3A_69 = arith.constant 0 : index
      %get3A_70 = arith.constant 0 : index
      %get3A_71 = vector.load %arg4[%get3A_68, %get3A_69, %get3A_70] : memref<16x1024x128xbf16, #tpu.memory_space<vmem>>, vector<1x1024x128xbf16>
      %get3A_72 = vector.shape_cast %get3A_71 : vector<1x1024x128xbf16> to vector<1024x128xbf16>
      %swap3A_73 = arith.constant 0 : index
      %swap3A_74 = arith.constant 640 : index
      %swap3A_75 = vector.load %arg7[%swap3A_73, %swap3A_74] : memref<1024x2048xbf16, #tpu.memory_space<vmem>>, vector<1024x128xbf16>
      tpu.vector_store %arg7[%swap3A_73, %swap3A_74], %get3A_72 {strides = array<i32>} : memref<1024x2048xbf16, #tpu.memory_space<vmem>>, vector<1024x128xbf16>,
      %get3A_76 = arith.constant 6 : index
      %get3A_77 = arith.constant 0 : index
      %get3A_78 = arith.constant 0 : index
      %get3A_79 = vector.load %arg4[%get3A_76, %get3A_77, %get3A_78] : memref<16x1024x128xbf16, #tpu.memory_space<vmem>>, vector<1x1024x128xbf16>
      %get3A_80 = vector.shape_cast %get3A_79 : vector<1x1024x128xbf16> to vector<1024x128xbf16>
      %swap3A_81 = arith.constant 0 : index
      %swap3A_82 = arith.constant 768 : index
      %swap3A_83 = vector.load %arg7[%swap3A_81, %swap3A_82] : memref<1024x2048xbf16, #tpu.memory_space<vmem>>, vector<1024x128xbf16>
      tpu.vector_store %arg7[%swap3A_81, %swap3A_82], %get3A_80 {strides = array<i32>} : memref<1024x2048xbf16, #tpu.memory_space<vmem>>, vector<1024x128xbf16>,
      %get3A_84 = arith.constant 7 : index
      %get3A_85 = arith.constant 0 : index
      %get3A_86 = arith.constant 0 : index
      %get3A_87 = vector.load %arg4[%get3A_84, %get3A_85, %get3A_86] : memref<16x1024x128xbf16, #tpu.memory_space<vmem>>, vector<1x1024x128xbf16>
      %get3A_88 = vector.shape_cast %get3A_87 : vector<1x1024x128xbf16> to vector<1024x128xbf16>
      %swap3A_89 = arith.constant 0 : index
      %swap3A_90 = arith.constant 896 : index
      %swap3A_91 = vector.load %arg7[%swap3A_89, %swap3A_90] : memref<1024x2048xbf16, #tpu.memory_space<vmem>>, vector<1024x128xbf16>
      tpu.vector_store %arg7[%swap3A_89, %swap3A_90], %get3A_88 {strides = array<i32>} : memref<1024x2048xbf16, #tpu.memory_space<vmem>>, vector<1024x128xbf16>,
      %get3A_92 = arith.constant 8 : index
      %get3A_93 = arith.constant 0 : index
      %get3A_94 = arith.constant 0 : index
      %get3A_95 = vector.load %arg4[%get3A_92, %get3A_93, %get3A_94] : memref<16x1024x128xbf16, #tpu.memory_space<vmem>>, vector<1x1024x128xbf16>
      %get3A_96 = vector.shape_cast %get3A_95 : vector<1x1024x128xbf16> to vector<1024x128xbf16>
      %swap3A_97 = arith.constant 0 : index
      %swap3A_98 = arith.constant 1024 : index
      %swap3A_99 = vector.load %arg7[%swap3A_97, %swap3A_98] : memref<1024x2048xbf16, #tpu.memory_space<vmem>>, vector<1024x128xbf16>
      tpu.vector_store %arg7[%swap3A_97, %swap3A_98], %get3A_96 {strides = array<i32>} : memref<1024x2048xbf16, #tpu.memory_space<vmem>>, vector<1024x128xbf16>,
      %get3A_100 = arith.constant 9 : index
      %get3A_101 = arith.constant 0 : index
      %get3A_102 = arith.constant 0 : index
      %get3A_103 = vector.load %arg4[%get3A_100, %get3A_101, %get3A_102] : memref<16x1024x128xbf16, #tpu.memory_space<vmem>>, vector<1x1024x128xbf16>
      %get3A_104 = vector.shape_cast %get3A_103 : vector<1x1024x128xbf16> to vector<1024x128xbf16>
      %swap3A_105 = arith.constant 0 : index
      %swap3A_106 = arith.constant 1152 : index
      %swap3A_107 = vector.load %arg7[%swap3A_105, %swap3A_106] : memref<1024x2048xbf16, #tpu.memory_space<vmem>>, vector<1024x128xbf16>
      tpu.vector_store %arg7[%swap3A_105, %swap3A_106], %get3A_104 {strides = array<i32>} : memref<1024x2048xbf16, #tpu.memory_space<vmem>>, vector<1024x128xbf16>,
      %get3A_108 = arith.constant 10 : index
      %get3A_109 = arith.constant 0 : index
      %get3A_110 = arith.constant 0 : index
      %get3A_111 = vector.load %arg4[%get3A_108, %get3A_109, %get3A_110] : memref<16x1024x128xbf16, #tpu.memory_space<vmem>>, vector<1x1024x128xbf16>
      %get3A_112 = vector.shape_cast %get3A_111 : vector<1x1024x128xbf16> to vector<1024x128xbf16>
      %swap3A_113 = arith.constant 0 : index
      %swap3A_114 = arith.constant 1280 : index
      %swap3A_115 = vector.load %arg7[%swap3A_113, %swap3A_114] : memref<1024x2048xbf16, #tpu.memory_space<vmem>>, vector<1024x128xbf16>
      tpu.vector_store %arg7[%swap3A_113, %swap3A_114], %get3A_112 {strides = array<i32>} : memref<1024x2048xbf16, #tpu.memory_space<vmem>>, vector<1024x128xbf16>,
      %get3A_116 = arith.constant 11 : index
      %get3A_117 = arith.constant 0 : index
      %get3A_118 = arith.constant 0 : index
      %get3A_119 = vector.load %arg4[%get3A_116, %get3A_117, %get3A_118] : memref<16x1024x128xbf16, #tpu.memory_space<vmem>>, vector<1x1024x128xbf16>
      %get3A_120 = vector.shape_cast %get3A_119 : vector<1x1024x128xbf16> to vector<1024x128xbf16>
      %swap3A_121 = arith.constant 0 : index
      %swap3A_122 = arith.constant 1408 : index
      %swap3A_123 = vector.load %arg7[%swap3A_121, %swap3A_122] : memref<1024x2048xbf16, #tpu.memory_space<vmem>>, vector<1024x128xbf16>
      tpu.vector_store %arg7[%swap3A_121, %swap3A_122], %get3A_120 {strides = array<i32>} : memref<1024x2048xbf16, #tpu.memory_space<vmem>>, vector<1024x128xbf16>,
      %get3A_124 = arith.constant 12 : index
      %get3A_125 = arith.constant 0 : index
      %get3A_126 = arith.constant 0 : index
      %get3A_127 = vector.load %arg4[%get3A_124, %get3A_125, %get3A_126] : memref<16x1024x128xbf16, #tpu.memory_space<vmem>>, vector<1x1024x128xbf16>
      %get3A_128 = vector.shape_cast %get3A_127 : vector<1x1024x128xbf16> to vector<1024x128xbf16>
      %swap3A_129 = arith.constant 0 : index
      %swap3A_130 = arith.constant 1536 : index
      %swap3A_131 = vector.load %arg7[%swap3A_129, %swap3A_130] : memref<1024x2048xbf16, #tpu.memory_space<vmem>>, vector<1024x128xbf16>
      tpu.vector_store %arg7[%swap3A_129, %swap3A_130], %get3A_128 {strides = array<i32>} : memref<1024x2048xbf16, #tpu.memory_space<vmem>>, vector<1024x128xbf16>,
      %get3A_132 = arith.constant 13 : index
      %get3A_133 = arith.constant 0 : index
      %get3A_134 = arith.constant 0 : index
      %get3A_135 = vector.load %arg4[%get3A_132, %get3A_133, %get3A_134] : memref<16x1024x128xbf16, #tpu.memory_space<vmem>>, vector<1x1024x128xbf16>
      %get3A_136 = vector.shape_cast %get3A_135 : vector<1x1024x128xbf16> to vector<1024x128xbf16>
      %swap3A_137 = arith.constant 0 : index
      %swap3A_138 = arith.constant 1664 : index
      %swap3A_139 = vector.load %arg7[%swap3A_137, %swap3A_138] : memref<1024x2048xbf16, #tpu.memory_space<vmem>>, vector<1024x128xbf16>
      tpu.vector_store %arg7[%swap3A_137, %swap3A_138], %get3A_136 {strides = array<i32>} : memref<1024x2048xbf16, #tpu.memory_space<vmem>>, vector<1024x128xbf16>,
      %get3A_140 = arith.constant 14 : index
      %get3A_141 = arith.constant 0 : index
      %get3A_142 = arith.constant 0 : index
      %get3A_143 = vector.load %arg4[%get3A_140, %get3A_141, %get3A_142] : memref<16x1024x128xbf16, #tpu.memory_space<vmem>>, vector<1x1024x128xbf16>
      %get3A_144 = vector.shape_cast %get3A_143 : vector<1x1024x128xbf16> to vector<1024x128xbf16>
      %swap3A_145 = arith.constant 0 : index
      %swap3A_146 = arith.constant 1792 : index
      %swap3A_147 = vector.load %arg7[%swap3A_145, %swap3A_146] : memref<1024x2048xbf16, #tpu.memory_space<vmem>>, vector<1024x128xbf16>
      tpu.vector_store %arg7[%swap3A_145, %swap3A_146], %get3A_144 {strides = array<i32>} : memref<1024x2048xbf16, #tpu.memory_space<vmem>>, vector<1024x128xbf16>,
      %get3A_148 = arith.constant 15 : index
      %get3A_149 = arith.constant 0 : index
      %get3A_150 = arith.constant 0 : index
      %get3A_151 = vector.load %arg4[%get3A_148, %get3A_149, %get3A_150] : memref<16x1024x128xbf16, #tpu.memory_space<vmem>>, vector<1x1024x128xbf16>
      %get3A_152 = vector.shape_cast %get3A_151 : vector<1x1024x128xbf16> to vector<1024x128xbf16>
      %swap3A_153 = arith.constant 0 : index
      %swap3A_154 = arith.constant 1920 : index
      %swap3A_155 = vector.load %arg7[%swap3A_153, %swap3A_154] : memref<1024x2048xbf16, #tpu.memory_space<vmem>>, vector<1024x128xbf16>
      tpu.vector_store %arg7[%swap3A_153, %swap3A_154], %get3A_152 {strides = array<i32>} : memref<1024x2048xbf16, #tpu.memory_space<vmem>>, vector<1024x128xbf16>,
    } else {
    }
    %get3A = arith.constant 0 : index
    %get3A_2 = arith.constant 0 : index
    %get3A_3 = vector.load %arg2[%get3A, %get3A_2] : memref<16x512xf32, #tpu.memory_space<vmem>>, vector<16x512xf32>
    %convert_element_type3A_4 = arith.truncf %get3A_3 : vector<16x512xf32> to vector<16x512xbf16>
    %get3A_5 = arith.constant 0 : index
    %get3A_6 = arith.constant 0 : index
    %get3A_7 = vector.load %arg3[%get3A_5, %get3A_6] : memref<16x2048xbf16, #tpu.memory_space<vmem>>, vector<16x2048xbf16>
    %dot_general3A = arith.constant dense<0.000000e+00> : vector<512x2048xf32>
    %dot_general3A_8 = tpu.matmul %convert_element_type3A_4, %get3A_7, %dot_general3A {dimension_numbers = #tpu.dot_dimension_numbers<[0], [0], [1], [1], [0, 1, 1, 1], [], []>, transpose_lhs_hint = false} : vector<16x512xbf16>, vector<16x2048xbf16>, vector<512x2048xf32> -> vector<512x2048xf32>
    %get3A_9 = arith.constant 0 : index
    %get3A_10 = arith.constant 0 : index
    %get3A_11 = vector.load %arg1[%get3A_9, %get3A_10] : memref<512x1024xf32, #tpu.memory_space<vmem>>, vector<512x1024xf32>
    %convert_element_type3A_12 = arith.truncf %get3A_11 : vector<512x1024xf32> to vector<512x1024xbf16>
    %get3A_13 = arith.constant 0 : index
    %get3A_14 = arith.constant 0 : index
    %get3A_15 = vector.load %arg7[%get3A_13, %get3A_14] : memref<1024x2048xbf16, #tpu.memory_space<vmem>>, vector<1024x2048xbf16>
    %dot_general3A_16 = arith.constant dense<0.000000e+00> : vector<512x2048xf32>
    %dot_general3A_17 = tpu.matmul %convert_element_type3A_12, %get3A_15, %dot_general3A_16 {dimension_numbers = #tpu.dot_dimension_numbers<[1], [0], [0], [1], [0, 0, 1, 1], [], []>, transpose_lhs_hint = false} : vector<512x1024xbf16>, vector<1024x2048xbf16>, vector<512x2048xf32> -> vector<512x2048xf32>
    %add3A = arith.addf %dot_general3A_17, %dot_general3A_8 : vector<512x2048xf32>
    %max3A = arith.constant 0.000000e+00 : f32
    %max3A_18 = vector.broadcast %max3A : f32 to vector<512x2048xf32>
    %max3A_19 = arith.maximumf %add3A, %max3A_18 : vector<512x2048xf32>
    %convert_element_type3A_20 = arith.truncf %max3A_19 : vector<512x2048xf32> to vector<512x2048xbf16>
    %get3A_21 = arith.constant 0 : index
    %get3A_22 = arith.constant 0 : index
    %get3A_23 = vector.load %arg5[%get3A_21, %get3A_22] : memref<2048x1024xbf16, #tpu.memory_space<vmem>>, vector<2048x1024xbf16>
    %dot_general3A_24 = arith.constant dense<0.000000e+00> : vector<512x1024xf32>
    %dot_general3A_25 = tpu.matmul %convert_element_type3A_20, %get3A_23, %dot_general3A_24 {dimension_numbers = #tpu.dot_dimension_numbers<[1], [0], [0], [1], [0, 0, 1, 1], [], []>, transpose_lhs_hint = false} : vector<512x2048xbf16>, vector<2048x1024xbf16>, vector<512x1024xf32> -> vector<512x1024xf32>
    %swap3A = arith.constant 0 : index
    %swap3A_26 = arith.constant 0 : index
    %swap3A_27 = vector.load %arg6[%swap3A, %swap3A_26] : memref<512x1024xf32, #tpu.memory_space<vmem>>, vector<512x1024xf32>
    tpu.vector_store %arg6[%swap3A, %swap3A_26], %dot_general3A_25 {strides = array<i32>} : memref<512x1024xf32, #tpu.memory_space<vmem>>, vector<512x1024xf32>,
    return
  }
  func.func @transform_0(%arg0: i32) -> (i32, i32) {
    %c0_i32 = arith.constant 0 : i32
    %c0_i32_0 = arith.constant 0 : i32
    return %arg0, %c0_i32 : i32, i32
  }
  func.func @transform_1(%arg0: i32) -> (i32, i32) {
    %c0_i32 = arith.constant 0 : i32
    %c0_i32_0 = arith.constant 0 : i32
    return %c0_i32, %arg0 : i32, i32
  }
  func.func @transform_2(%arg0: i32) -> (i32, i32) {
    %c0_i32 = arith.constant 0 : i32
    %c0_i32_0 = arith.constant 0 : i32
    %c0_i32_1 = arith.constant 0 : i32
    return %c0_i32, %c0_i32_0 : i32, i32
  }
  func.func @transform_3(%arg0: i32) -> (i32, i32, i32) {
    %c0_i32 = arith.constant 0 : i32
    %c0_i32_0 = arith.constant 0 : i32
    %c0_i32_1 = arith.constant 0 : i32
    %c0_i32_2 = arith.constant 0 : i32
    return %c0_i32, %c0_i32_0, %c0_i32_1 : i32, i32, i32
  }
  func.func @transform_4(%arg0: i32) -> (i32, i32) {
    %c0_i32 = arith.constant 0 : i32
    %c0_i32_0 = arith.constant 0 : i32
    %c0_i32_1 = arith.constant 0 : i32
    return %c0_i32, %c0_i32_0 : i32, i32
  }
  func.func @transform_5(%arg0: i32) -> (i32, i32) {
    %c0_i32 = arith.constant 0 : i32
    %c0_i32_0 = arith.constant 0 : i32
    return %arg0, %c0_i32 : i32, i32
  }
}

module attributes {stable_mosaic.version = 14 : i64} {
  func.func @_sel_block(%arg0: i32, %arg1: memref<1024x1024xf32, #tpu.memory_space<vmem>>, %arg2: memref<16x1024xf32, #tpu.memory_space<vmem>>, %arg3: memref<16x1024xf32, #tpu.memory_space<vmem>>) attributes {dimension_semantics = [#tpu.dimension_semantics<arbitrary>], iteration_bounds = array<i64: 4>, scalar_prefetch = 0 : i64, scratch_operands = 0 : i64, tpu.core_type = #tpu.core_type<tc>, window_params = [{transform_indices = @transform_0, window_bounds = array<i64: 1024, 1024>}, {pipeline_mode = #tpu.pipeline_mode<synchronous>, transform_indices = @transform_1, window_bounds = array<i64: 16, 1024>}, {transform_indices = @transform_2, window_bounds = array<i64: 16, 1024>}]} {
    %get3A = arith.constant 0 : index
    %get3A_0 = arith.constant 0 : index
    %get3A_1 = vector.load %arg2[%get3A, %get3A_0] : memref<16x1024xf32, #tpu.memory_space<vmem>>, vector<16x1024xf32>
    %get3A_2 = arith.constant 0 : index
    %get3A_3 = arith.constant 0 : index
    %get3A_4 = vector.load %arg1[%get3A_2, %get3A_3] : memref<1024x1024xf32, #tpu.memory_space<vmem>>, vector<1024x1024xf32>
    %dot_general3A = arith.constant dense<0.000000e+00> : vector<16x1024xf32>
    %dot_general3A_5 = tpu.matmul %get3A_1, %get3A_4, %dot_general3A {dimension_numbers = #tpu.dot_dimension_numbers<[1], [1], [0], [0], [0, 0, 1, 0], [], []>, transpose_lhs_hint = false} : vector<16x1024xf32>, vector<1024x1024xf32>, vector<16x1024xf32> -> vector<16x1024xf32>
    %swap3A = arith.constant 0 : index
    %swap3A_6 = arith.constant 0 : index
    %swap3A_7 = vector.load %arg3[%swap3A, %swap3A_6] : memref<16x1024xf32, #tpu.memory_space<vmem>>, vector<16x1024xf32>
    tpu.vector_store %arg3[%swap3A, %swap3A_6], %dot_general3A_5 {strides = array<i32>} : memref<16x1024xf32, #tpu.memory_space<vmem>>, vector<16x1024xf32>,
    return
  }
  func.func @transform_0(%arg0: i32) -> (i32, i32) {
    %c0_i32 = arith.constant 0 : i32
    %c0_i32_0 = arith.constant 0 : i32
    return %arg0, %c0_i32 : i32, i32
  }
  func.func @transform_1(%arg0: i32) -> (i32, i32) {
    %c0_i32 = arith.constant 0 : i32
    %c0_i32_0 = arith.constant 0 : i32
    %c0_i32_1 = arith.constant 0 : i32
    return %c0_i32, %c0_i32_0 : i32, i32
  }
  func.func @transform_2(%arg0: i32) -> (i32, i32) {
    %c0_i32 = arith.constant 0 : i32
    %c0_i32_0 = arith.constant 0 : i32
    return %c0_i32, %arg0 : i32, i32
  }
}

</mosaic_0001>

<sc_bundles>
// kernel: kernel.5.cloned.1.call-start
scs
__scs_entry_jumppad:
0x0: {  	(pc) =	sbr.rel $0x88, $3  }
0x1: {  	(tag) =	ssettag $0x0;
	lr =	simm.s32 $0x1  }
0x2: {  	[smem:$0x3F9D] =	sst lr;
	_ =	strace $0xD0000000  }
0x3: {  	_ = 	snop  }
0x4: {  	_ = 	snop  }
0x5: {  	_ = 	snop  }
0x6: {  	_ = 	snop  }
0x7: {  	_ = 	snop  }
__scs_overlays_trampoline_lowered:
0x8: {  	[smem:$0x3FAC] =	sst s0  }
0x9: {  	[smem:$0x3FAD] =	sst s1  }
0xa: {  	[smem:$0x3FAE] =	sst s2  }
0xb: {  	[smem:$0x3FAF] =	sst s3  }
0xc: {  	[smem:$0x3FB0] =	sst s4  }
0xd: {  	[smem:$0x3FB1] =	sst s5  }
0xe: {  	[smem:$0x3FB2] =	sst s6  }
0xf: {  	[smem:$0x3FB3] =	sst s7  }
0x10: {  	[smem:$0x3FB4] =	sst s8  }
0x11: {  	[smem:$0x3FB5] =	sst s9;
	s0 =	simm.s32 @!p0 $0x0  }
0x12: {  	s1 =	sld [smem:$0x3F9B];
	s0 =	simm.s32 @p0 $0x1  }
0x13: {  	[smem:$0x3FB6] =	sst s0;
	s0 =	simm.s32 @!p1 $0x0  }
0x14: {  	s2 =	sld [smem:$0x3F9A];
	s0 =	simm.s32 @p1 $0x1  }
0x15: {  	[smem:$0x3FB7] =	sst s0;
	s0 =	simm.s32 @!p2 $0x0  }
0x16: {  	s3 =	sld [smem:$0x3FDB];
	s0 =	simm.s32 @p2 $0x1  }
0x17: {  	s4 =	simm.s32 $0x1BF5;
	[smem:$0x3FB9] =	sst s0  }
0x18: {  	s0 =	sld [smem:$0x3F9C];
	_ =	swait.ge [sflag:s4], $0x0  }
0x19: {  	s7 =	sld [smem:$0x3F9D]  }
0x1a: {  	s8 =	sadd.s32 $0xFFFFE003, lr  }
0x1b: {  	s9 =	sadd.s32 $0xFFFFFEF7, lr;
	s5 =	simm.s32 $0xFFFFFFFF;
	p2 =	slt.u32 s8, $0xFFFFF086  }
0x1c: {  	p1 =	slt.u32 s9, $0xF7A;
	s5 =	simm.s32 @!p2 $0x0  }
0x1d: {  	s5 =	simm.s32 @p1 $0x1;
	p0 =	seq.s32 s7, s2  }
0x1e: {  	s7 =	smul.u32 @!p0 $0xF7A, s2;
	p2 =	seq.s32 @!p0 s5, $0x0  }
0x1f: {  	s9 =	smul.u32 $0xF7A, s1;
	s8 =	simm.s32 @!p0 $0x1BF5;
	p2 =	por !p2, p0  }
0x20: {  	[sflag:s8] =	ssyncset.s32 @!p0 $0xFFFFF086;
	s6 =	sadd.s32 @!p0 s3, s7;
	s7 =	simm.s32 @!p0 $0x108  }
0x21: {  	s3 =	sadd.s32 s3, s9;
	s6 =	sadd.s32 @!p0 $0x88, s6;
	s7 =	simm.s32 @p2 $0x1082  }
0x22: {  	[simem:s7], [sflag:s8] =	dma.local @!p0 [hbm:s6], $0xF7A  }
0x23: {  	s9 =	sor.u32 $0xD0000000, s2;
	s6 =	simm.s32 $0x108;
	_ =	swait.ge @!p0 [sflag:s8], $0x0  }
0x24: {  	s3 =	sadd.s32 $0x88, s3;
	s6 =	simm.s32 @!p1 $0x1082;
	[sflag:s4] =	ssyncset.s32 $0xFFFFF086  }
0x25: {  	[simem:s6], [sflag:s4] =	dma.local [hbm:s3], $0xF7A  }
0x26: {  	[smem:$0x3F9D] =	sst s1;
	(tag) =	ssettag s2;
	_ =	strace s9  }
0x27: {  	s1 =	sld [smem:$0x3FAD]  }
0x28: {  	s2 =	sld [smem:$0x3FAE]  }
0x29: {  	s4 =	sld [smem:$0x3FB0]  }
0x2a: {  	p0 =	seq.s32 s5, $0x0;
	s5 =	sld [smem:$0x3FB1]  }
0x2b: {  	s6 =	sld [smem:$0x3FB2]  }
0x2c: {  	s7 =	sld [smem:$0x3FB3]  }
0x2d: {  	s3 =	simm.s32 $0x108;
	s8 =	sld [smem:$0x3FB4]  }
0x2e: {  	s3 =	simm.s32 @!p0 $0x1082;
	s9 =	sld [smem:$0x3FB5]  }
0x2f: {  	lr =	sadd.s32 s0, s3;
	s0 =	sld [smem:$0x3FAC]  }
0x30: {  	s3 =	sld [smem:$0x3FAF]  }
0x31: {  	[smem:$0x3FB8] =	sst s10  }
0x32: {  	s10 =	sld [smem:$0x3FB6];
	_ =	sdelay $0x3  }
0x33: {  	p0 =	seq.s32 s10, $0x1;
	s10 =	sld [smem:$0x3FB8];
	_ =	sdelay $0x3  }
0x34: {  	[smem:$0x3FB8] =	sst s10  }
0x35: {  	s10 =	sld [smem:$0x3FB7];
	_ =	sdelay $0x3  }
0x36: {  	p1 =	seq.s32 s10, $0x1;
	s10 =	sld [smem:$0x3FB8];
	_ =	sdelay $0x3  }
0x37: {  	[smem:$0x3FB8] =	sst s10  }
0x38: {  	s10 =	sld [smem:$0x3FB9]  }
0x39: {  	_ = 	snop;
	(pc) =	sbr.ind lr, $3  }
0x3a: {  	_ = 	snop  }
0x3b: {  	_ = 	snop  }
0x3c: {  	p2 =	seq.s32 s10, $0x1;
	s10 =	sld [smem:$0x3FB8]  }
0x3d: {  	_ =	shalt  }
0x3e: {  	_ =	shalt  }
0x3f: {  	_ =	shalt  }
0x40: {  	_ =	shalt  }
0x41: {  	_ =	shalt  }
0x42: {  	_ =	shalt  }
0x43: {  	_ =	shalt  }
0x44: {  	_ =	shalt  }
0x45: {  	_ =	shalt  }
0x46: {  	_ =	shalt  }
0x47: {  	_ =	shalt  }
0x48: {  	_ =	shalt  }
0x49: {  	_ =	shalt  }
0x4a: {  	_ =	shalt  }
0x4b: {  	_ =	shalt  }
0x4c: {  	_ =	shalt  }
0x4d: {  	_ =	shalt  }
0x4e: {  	_ =	shalt  }
0x4f: {  	_ =	shalt  }
0x50: {  	_ =	shalt  }
0x51: {  	_ =	shalt  }
0x52: {  	_ =	shalt  }
0x53: {  	_ =	shalt  }
0x54: {  	_ =	shalt  }
0x55: {  	_ =	shalt  }
0x56: {  	_ =	shalt  }
0x57: {  	_ =	shalt  }
0x58: {  	_ =	shalt  }
0x59: {  	_ =	shalt  }
0x5a: {  	_ =	shalt  }
0x5b: {  	_ =	shalt  }
0x5c: {  	_ =	shalt  }
0x5d: {  	_ =	shalt  }
0x5e: {  	_ =	shalt  }
0x5f: {  	_ =	shalt  }
0x60: {  	_ =	shalt  }
0x61: {  	_ =	shalt  }
0x62: {  	_ =	shalt  }
0x63: {  	_ =	shalt  }
0x64: {  	_ =	shalt  }
0x65: {  	_ =	shalt  }
0x66: {  	_ =	shalt  }
0x67: {  	_ =	shalt  }
0x68: {  	_ =	shalt  }
0x69: {  	_ =	shalt  }
0x6a: {  	_ =	shalt  }
0x6b: {  	_ =	shalt  }
0x6c: {  	_ =	shalt  }
0x6d: {  	_ =	shalt  }
0x6e: {  	_ =	shalt  }
0x6f: {  	_ =	shalt  }
0x70: {  	_ =	shalt  }
0x71: {  	_ =	shalt  }
0x72: {  	_ =	shalt  }
0x73: {  	_ =	shalt  }
0x74: {  	_ =	shalt  }
0x75: {  	_ =	shalt  }
0x76: {  	_ =	shalt  }
0x77: {  	_ =	shalt  }
0x78: {  	_ =	shalt  }
0x79: {  	_ =	shalt  }
0x7a: {  	_ =	shalt  }
0x7b: {  	_ =	shalt  }
0x7c: {  	_ =	shalt  }
0x7d: {  	_ =	shalt  }
0x7e: {  	_ =	shalt  }
0x7f: {  	_ =	shalt  }
0x80: {  	_ =	shalt  }
0x81: {  	_ =	shalt  }
0x82: {  	_ =	shalt  }
0x83: {  	_ =	shalt  }
0x84: {  	_ =	shalt  }
0x85: {  	_ =	shalt  }
0x86: {  	_ =	shalt  }
0x87: {  	_ =	shalt  }
.Lfunc_end0:
.L_simem_size_0:
called_computation_lowered:
.L_overlay_start_0:
0x88: {  	s2 =	sld [smem:$0x3FD9]  }
0x89: {  	s3 =	sld [smem:$0x3FFE];
	_ =	sdelay $0x1  }
0x8a: {  	s1 =	srdreg.scid  }
0x8b: {  	s0 =	sand.u32 $0x1, s1  }
0x8c: {  	s17 =	sshll.u32 s0, $0xA;
	s2 =	sadd.s32 s3, s2  }
0x8d: {  	s2 =	sadd.s32 s2, s17  }
0x8e: {  	[smem:$0x3FC4] =	sst s2  }
0x8f: {  	_ = 	snop  }
0x90: {  	s2 =	sld [smem:$0x3FD0];
	(tm) =	ssettm $0x1  }
0x91: {  	s18 =	sld [smem:$0x3FFB];
	_ =	sdelay $0x3  }
0x92: {  	_ =	strace s18  }
0x93: {  	s3 =	sld [smem:$0x3FFC];
	_ =	sdelay $0x3  }
0x94: {  	_ =	strace s3  }
0x95: {  	s3 =	sld [smem:$0x3FFD];
	_ =	sdelay $0x3  }
0x96: {  	_ =	strace s3  }
0x97: {  	_ =	strace $0x8FFFFFFF  }
0x98: {  	s19 =	sld [smem:$0x3FDB];
	_ =	sdelay $0x1  }
0x99: {  	s4 =	simm.s32 $_scs_section_size  }
0x9a: {  	s5 =	simm.s32 $_size__tile_overlayer_lowered;
	s6 =	simm.s32 $_tile_overlayer_lowered  }
0x9b: {  	s22 =	simm.s32 $0x1BFF;
	s21 =	sshll.u32 s6, $0x1;
	s3 =	sadd.s32 s4, s19  }
0x9c: {  	s7 =	simm.s32 $0x0;
	s20 =	sshll.u32 s5, $0x1;
	s5 =	sadd.s32 s21, s3  }
0x9d: {  	[timem:s7], [sflag:s22] =	dma.local [hbm:s5], s20  }
0x9e: {  	_ =	swait.ge [sflag:s22], s20  }
0x9f: {  	s4 =	ssub.s32 $0x0, s20;
	[sflag:s22] =	ssyncset.done $0x0  }
0xa0: {  	[sflag:s22] =	ssyncadd.s32 s4;
	_ =	sdelay $0x1  }
0xa1: {  	s23 =	simm.s32 $0x1B8B  }
0xa2: {  	_ =	swait.ge [sflag:s23], $0x1  }
0xa3: {  	[sflag:s23] =	ssyncset.done $0x0  }
0xa4: {  	s25 =	simm.s32 $0x1B8E;
	s24 =	sld [smem:$0x3FFE];
	[sflag:s23] =	ssyncadd.s32 $0xFFFFFFFF  }
0xa5: {  	s26 =	simm.s32 $execute0_lowered;
	[smem:$0x3FD2] =	sst s25  }
0xa6: {  	s5 =	sshll.u32 s26, $0x1;
	_ =	strace $0x80000046;
	[dreg:$0x1] =	wrdreg $0xFFFFFFFF  }
0xa7: {  	s28 =	simm.s32 $_size_execute0_lowered;
	s3 =	sadd.s32 s3, s5;
	[dreg:$0x0] =	wrdreg $0x0  }
0xa8: {  	s5 =	sshll.u32 s28, $0x1;
	[dreg:$0x2] =	wrdreg s3  }
0xa9: {  	[dreg:$0x3] =	wrdreg s5  }
0xaa: {  	[dreg:$0x4] =	wrdreg $0xC0  }
0xab: {  	_ =	task [dreg:s7], $0x5FFFF  }
0xac: {  	[dreg:$0x1] =	wrdreg $0xFFFFFFFF  }
0xad: {  	[dreg:$0x0] =	wrdreg $0x60  }
0xae: {  	[dreg:$0x2] =	wrdreg s2  }
0xaf: {  	[dreg:$0x3] =	wrdreg s24  }
0xb0: {  	[dreg:$0x4] =	wrdreg $0x9  }
0xb1: {  	_ =	task.clear_ibuf [dreg:s7], $0x5FFFF;
	_ =	strace $0x90000046  }
0xb2: {  	s29 =	simm.s32 $0x9;
	_ =	strace $0x80000048  }
0xb3: {  	_ =	swait.ge [sflag:s29], $0x1  }
0xb4: {  	[sflag:s29] =	ssyncadd.s32 $0xFFFFFFFF  }
0xb5: {  	_ =	strace $0x90000048  }
0xb6: {  	_ =	sfence  }
0xb7: {  	s30 =	sld [smem:$0x0];
	_ =	sdelay $0x2  }
0xb8: {  	s31 =	sshll.u32 s1, $0xD;
	s1 =	sshrl.u32 s1, $0x2  }
0xb9: {  	s3 =	sand.u32 $0x4000, s31;
	s1 =	sadd.s32 s1, s30  }
0xba: {  	s0 =	sor.u32 s3, s0;
	s1 =	sshll.u32 s1, $0x11  }
0xbb: {  	s0 =	sor.u32 s1, s0  }
0xbc: {  	s0 =	sadd.s32 $0x8F2B, s0  }
0xbd: {  	[sflag:s0] =	ssyncadd.remote.s32 $0x1  }
0xbe: {  	_ =	sfence.sel $0xFFFF  }
0xbf: {  	[dreg:$0x0] =	wrdreg $0xFFFFFFFF;
	(pc) =	sbr.abs _section_cstart, $3  }
0xc0: {  	[dreg:$0x1] =	wrdreg $0xFFFFFFFF  }
0xc1: {  	_ =	task.clear_ibuf [dreg:s7], $0x2FFFF;
	_ =	strace $0x9FFFFFFF  }
0xc2: {  	(tm) =	ssettm $0x7FFFFFFF  }
0xc3: {  	_ =	shalt  }
tec
execute0_lowered:
.L_overlay_start_1:
0x0: {  	(tag) =	ssettag $0x1  }
0x1: {  	s3 =	rddreg [dreg:$0x0]  }
0x2: {  	s4 =	rddreg [dreg:$0x1]  }
0x3: {  	s0 =	rddreg [dreg:$0x2];
	s2 =	simm.s32 $0x0;
	s5 =	srdreg.scid  }
0x4: {  	s1 =	stileid.u32;
	s8 =	simm.s32 $0x1;
	s9 =	simm.s32 $0x800  }
0x5: {  	[smem:$0x7FF] =	sst s2;
	s5 =	sand.u32 $0x1, s5;
	s6 =	sshll.u32 s1, $0x8  }
0x6: {  	s7 =	sshll.u32 s5, $0x7;
	s5 =	ssub.s32 $0x2, s5;
	_ =	strace $0x80000047  }
0x7: {  	s6 =	sor.u32 s7, s6;
	s31 =	sshrl.u32 s5, $0x1;
	s7 =	simm.s32 $0x8000  }
0x8: {  	s4 =	sadd.s32 s6, s4;
	s5 =	ssub.s32 s5, s31;
	s3 =	sadd.s32 s3, s6  }
0x9: {  	s6 =	simm.s32 $0x400;
	s4 =	sadd.s32 $0x1200, s4;
	s5 =	smax.u32 s5, $0x1  }
.LBB2_1:
0xa: {  	[tilespmem:s2], [sflag:$0x1] =	stream.strided.gather [hbm4b:s3+s6], $0x800, s7, s6, $0x38;
	[tilespmem:$0x1000] =	vst v63  }
0xb: {  	_ =	swait.ge [sflag:s8], $0x800  }
0xc: {  	[sflag:s8] =	ssyncset.done $0x0  }
0xd: {  	[sflag:s8] =	ssyncadd.s32 $0xFFFFF800  }
0xe: {  	v1 =	vld [tilespmem:$0x0]  }
0xf: {  	v2 =	vld [tilespmem:$0x80]  }
0x10: {  	v3 =	vld [tilespmem:$0x100]  }
0x11: {  	v6 =	vld [tilespmem:$0x180]  }
0x12: {  	v17 =	vld [tilespmem:$0x200]  }
0x13: {  	v20 =	vld [tilespmem:$0x280]  }
0x14: {  	v21 =	vld [tilespmem:$0x300]  }
0x15: {  	v22 =	vld [tilespmem:$0x380]  }
0x16: {  	v23 =	vld [tilespmem:$0x400]  }
0x17: {  	v24 =	vld [tilespmem:$0x480]  }
0x18: {  	v25 =	vld [tilespmem:$0x500]  }
0x19: {  	v26 =	vld [tilespmem:$0x580]  }
0x1a: {  	v19 =	vld [tilespmem:$0x600]  }
0x1b: {  	v16 =	vld [tilespmem:$0x680]  }
0x1c: {  	v0 =	vld [tilespmem:$0x700]  }
0x1d: {  	v4 =	vld [tilespmem:$0x780];
	_ =	sdelay $0x2  }
0x1e: {  	v5 =	vmax.f32 v1, v2;
	v7 =	vmax.f32 v3, v6;
	v8 =	vmax.f32 v17, v20  }
0x1f: {  	v9 =	vmax.f32 v21, v22;
	v10 =	vmax.f32 v23, v24;
	v11 =	vmax.f32 v25, v26  }
0x20: {  	v12 =	vmax.f32 v19, v16;
	v13 =	vmax.f32 v0, v4;
	v5 =	vmax.f32 v5, v7  }
0x21: {  	v48 =	vmax.f32 v8, v9;
	v49 =	vmax.f32 v10, v11;
	v50 =	vmax.f32 v12, v13  }
0x22: {  	v5 =	vmax.f32 v5, v48;
	v51 =	vmax.f32 v49, v50  }
0x23: {  	v59 =	vimm.s32 $0x0;
	v5 =	vmax.f32 v5, v51  }
0x24: {  	vm15 =	veq.f32 v1, v5;
	vm13 =	veq.f32 v2, v5;
	vm14 =	veq.f32 v3, v5  }
0x25: {  	vm12 =	veq.f32 v6, v5;
	vm10 =	veq.f32 v17, v5;
	vm11 =	veq.f32 v20, v5  }
0x26: {  	vm9 =	veq.f32 v21, v5;
	vm7 =	veq.f32 v22, v5;
	vm8 =	veq.f32 v23, v5  }
0x27: {  	vm6 =	veq.f32 v24, v5;
	vm4 =	veq.f32 v25, v5;
	vm5 =	veq.f32 v26, v5  }
0x28: {  	vm3 =	veq.f32 v19, v5;
	vm2 =	veq.f32 v16, v5;
	vm0 =	veq.f32 v0, v5  }
0x29: {  	vm1 =	veq.f32 v4, v5;
	v52 =	vsel vm15, $0xFF61B1E6, v1;
	v53 =	vsel vm13, $0xFF61B1E6, v2  }
0x2a: {  	v54 =	vsel vm14, $0xFF61B1E6, v3;
	v55 =	vsel vm12, $0xFF61B1E6, v6;
	v56 =	vsel vm10, $0xFF61B1E6, v17  }
0x2b: {  	v57 =	vsel vm11, $0xFF61B1E6, v20;
	v58 =	vsel vm9, $0xFF61B1E6, v21;
	v14 =	vsel vm7, $0xFF61B1E6, v22  }
0x2c: {  	v15 =	vsel vm8, $0xFF61B1E6, v23;
	v18 =	vsel vm6, $0xFF61B1E6, v24;
	v27 =	vsel vm4, $0xFF61B1E6, v25  }
0x2d: {  	v9 =	vld [tilespmem:$0x190];
	v28 =	vsel vm5, $0xFF61B1E6, v26;
	v29 =	vsel vm3, $0xFF61B1E6, v19;
	v5 =	vsel vm1, $0xFFFFFFFF, v59  }
0x2e: {  	v10 =	vld [tilespmem:$0x210];
	v60 =	vsel vm2, $0xFF61B1E6, v16;
	v30 =	vsel vm0, $0xFF61B1E6, v0;
	v31 =	vsel vm1, $0xFF61B1E6, v4  }
0x2f: {  	v12 =	vld [tilespmem:$0x290];
	v7 =	vmax.f32 v52, v53;
	v61 =	vmax.f32 v54, v55;
	v62 =	vmax.f32 v56, v57  }
0x30: {  	v63 =	vmax.f32 v58, v14;
	v18 =	vmax.f32 v15, v18;
	v32 =	vmax.f32 v27, v28;
	v14 =	vld [tilespmem:$0x10]  }
0x31: {  	[tilespmem:$0x1FBA0] =	vst v5;
	v5 =	vmax.f32 v29, v60;
	v33 =	vmax.f32 v30, v31;
	v15 =	vld [tilespmem:$0x90];
	v7 =	vmax.f32 v7, v61  }
0x32: {  	v34 =	vmax.f32 v62, v63;
	v35 =	vmax.f32 v18, v32;
	v5 =	vmax.f32 v5, v33;
	v18 =	vld [tilespmem:$0x110]  }
0x33: {  	v8 =	vld [tilespmem:$0x390];
	v7 =	vmax.f32 v7, v34;
	v5 =	vmax.f32 v35, v5  }
0x34: {  	v13 =	vld [tilespmem:$0x410];
	v28 =	vmax.f32 v7, v5  }
0x35: {  	v40 =	vmax.f32 v10, v12;
	v35 =	vimm.s32 $0x0;
	v5 =	vld [tilespmem:$0x310];
	vm1 =	veq.f32 v1, v28  }
0x36: {  	v7 =	vld [tilespmem:$0x490];
	vm1 =	vmor vm15, vm1;
	vm15 =	veq.f32 v3, v28;
	v38 =	vmax.f32 v14, v15  }
0x37: {  	v55 =	vnsel vm1, $0xF149F2CA, v1;
	vm1 =	veq.f32 v2, v28;
	v39 =	vmax.f32 v18, v9  }
0x38: {  	vm1 =	vmor vm13, vm1;
	vm13 =	vmor vm14, vm15;
	vm14 =	veq.f32 v6, v28  }
0x39: {  	vm15 =	veq.f32 v21, v28;
	v36 =	vnsel vm1, $0xF149F2CA, v2;
	v60 =	vnsel vm13, $0xF149F2CA, v3  }
0x3a: {  	vm13 =	vmor vm12, vm14;
	vm1 =	veq.f32 v17, v28;
	vm12 =	veq.f32 v20, v28  }
0x3b: {  	v41 =	vmax.f32 v5, v8;
	v42 =	vmax.f32 v13, v7;
	v58 =	vnsel vm13, $0xF149F2CA, v6  }
0x3c: {  	v11 =	vld [tilespmem:$0x510];
	vm1 =	vmor vm10, vm1;
	vm14 =	vmor vm11, vm12;
	vm11 =	vmor vm9, vm15  }
0x3d: {  	v1 =	vld [tilespmem:$0x610];
	vm12 =	veq.f32 v22, v28;
	vm13 =	veq.f32 v23, v28;
	vm15 =	veq.f32 v24, v28  }
0x3e: {  	v2 =	vld [tilespmem:$0x690];
	v46 =	vmax.f32 v40, v41;
	vm9 =	veq.f32 v16, v28;
	v32 =	vnsel vm1, $0xF149F2CA, v17  }
0x3f: {  	v3 =	vld [tilespmem:$0x710];
	v62 =	vnsel vm14, $0xF149F2CA, v20;
	v56 =	vnsel vm11, $0xF149F2CA, v21;
	vm1 =	vmor vm7, vm12  }
0x40: {  	v6 =	vld [tilespmem:$0x790];
	vm14 =	vmor vm8, vm13;
	vm11 =	vmor vm6, vm15;
	vm12 =	veq.f32 v25, v28  }
0x41: {  	v17 =	vld [tilespmem:$0x590];
	vm13 =	veq.f32 v26, v28;
	vm15 =	veq.f32 v19, v28;
	v20 =	vmax.f32 v38, v39  }
0x42: {  	vm10 =	vmor vm2, vm9;
	v54 =	vnsel vm1, $0xF149F2CA, v22;
	v63 =	vnsel vm14, $0xF149F2CA, v23  }
0x43: {  	v59 =	vnsel vm11, $0xF149F2CA, v24;
	vm1 =	vmor vm4, vm12;
	vm14 =	vmor vm5, vm13  }
0x44: {  	vm8 =	vmor vm3, vm15;
	v20 =	vmax.f32 v20, v46;
	v16 =	vnsel vm10, $0xF149F2CA, v16  }
0x45: {  	vm11 =	veq.f32 v0, v28;
	v37 =	vnsel vm1, $0xF149F2CA, v25;
	v61 =	vnsel vm14, $0xF149F2CA, v26  }
0x46: {  	v44 =	vmax.f32 v1, v2;
	v45 =	vmax.f32 v3, v6;
	v43 =	vmax.f32 v11, v17  }
0x47: {  	vm1 =	vmor vm0, vm11;
	v48 =	vmax.f32 v44, v45;
	v47 =	vmax.f32 v42, v43  }
0x48: {  	v19 =	vnsel vm8, $0xF149F2CA, v19;
	v22 =	vnsel vm1, $0xF149F2CA, v0;
	v49 =	vmax.f32 v47, v48  }
0x49: {  	v45 =	vimm.s32 $0x0;
	v43 =	vimm.s32 $0x0;
	v50 =	vmax.f32 v20, v49  }
0x4a: {  	vm14 =	veq.f32 v14, v50;
	vm15 =	veq.f32 v15, v50;
	vm3 =	veq.f32 v18, v50  }
0x4b: {  	vm11 =	veq.f32 v9, v50;
	vm12 =	veq.f32 v10, v50;
	vm13 =	veq.f32 v12, v50  }
0x4c: {  	vm8 =	veq.f32 v5, v50;
	vm9 =	veq.f32 v8, v50;
	vm10 =	veq.f32 v13, v50  }
0x4d: {  	vm5 =	veq.f32 v7, v50;
	vm6 =	veq.f32 v11, v50;
	vm7 =	veq.f32 v17, v50  }
0x4e: {  	v27 =	vld [tilespmem:$0x120];
	vm4 =	veq.f32 v1, v50;
	vm2 =	veq.f32 v3, v50;
	vm0 =	veq.f32 v6, v50  }
0x4f: {  	v29 =	vld [tilespmem:$0x1A0];
	[tilespmem:$0x1FC20] =	vst v36;
	v51 =	vsel vm14, $0xFF61B1E6, v14;
	v52 =	vsel vm15, $0xFF61B1E6, v15;
	v53 =	vsel vm3, $0xFF61B1E6, v18  }
0x50: {  	v21 =	vld [tilespmem:$0x4A0];
	[tilespmem:$0x1FC30] =	vst v37;
	v57 =	vsel vm11, $0xFF61B1E6, v9;
	v36 =	vsel vm12, $0xFF61B1E6, v10;
	v37 =	vsel vm13, $0xFF61B1E6, v12  }
0x51: {  	v23 =	vld [tilespmem:$0x5A0];
	v38 =	vsel vm8, $0xFF61B1E6, v5;
	v39 =	vsel vm9, $0xFF61B1E6, v8;
	v40 =	vsel vm10, $0xFF61B1E6, v13  }
0x52: {  	v25 =	vld [tilespmem:$0x20];
	v41 =	vsel vm5, $0xFF61B1E6, v7;
	v42 =	vsel vm6, $0xFF61B1E6, v11;
	v31 =	vsel vm4, $0xFFFFFFFF, v43  }
0x53: {  	v26 =	vld [tilespmem:$0x520];
	v44 =	vsel vm7, $0xFF61B1E6, v17;
	v33 =	vsel vm4, $0xFF61B1E6, v1;
	vm4 =	veq.f32 v2, v50  }
0x54: {  	[tilespmem:$0x1FC40] =	vst v19;
	v20 =	vld [tilespmem:$0x420];
	v35 =	vsel vm2, $0xFFFFFFFF, v35;
	v19 =	vsel vm0, $0xFFFFFFFF, v45;
	v46 =	vsel vm2, $0xFF61B1E6, v3  }
0x55: {  	v47 =	vsel vm0, $0xFF61B1E6, v6;
	vm2 =	veq.f32 v4, v28;
	[tilespmem:$0x1FBB0] =	vst v31;
	v34 =	vsel vm4, $0xFF61B1E6, v2;
	v31 =	vld [tilespmem:$0x1FBA0]  }
0x56: {  	[tilespmem:$0x1FC60] =	vst v16;
	v16 =	vmax.f32 v51, v52;
	v48 =	vmax.f32 v53, v57;
	v50 =	vmax.f32 v38, v39;
	v38 =	vld [tilespmem:$0x220]  }
0x57: {  	v49 =	vmax.f32 v36, v37;
	v51 =	vmax.f32 v40, v41;
	v52 =	vmax.f32 v42, v44;
	v36 =	vld [tilespmem:$0x2A0]  }
0x58: {  	[tilespmem:$0x1FBD0] =	vst v19;
	v19 =	vmax.f32 v46, v47;
	v47 =	vmax.f32 v27, v29;
	v53 =	vmax.f32 v33, v34;
	v33 =	vld [tilespmem:$0xA0]  }
0x59: {  	v16 =	vmax.f32 v16, v48;
	v57 =	vmax.f32 v49, v50;
	v24 =	vmax.f32 v51, v52  }
0x5a: {  	v51 =	vmax.f32 v26, v23;
	v19 =	vmax.f32 v53, v19;
	v16 =	vmax.f32 v16, v57  }
0x5b: {  	v50 =	vmax.f32 v20, v21;
	v19 =	vmax.f32 v24, v19;
	vm0 =	vnez.u8 v31  }
0x5c: {  	v31 =	vmax.f32 v16, v19;
	v48 =	vmax.f32 v38, v36;
	vm2 =	vmor vm0, vm2  }
0x5d: {  	vm1 =	veq.f32 v14, v31;
	vm0 =	veq.f32 v18, v31;
	v46 =	vmax.f32 v25, v33  }
0x5e: {  	v34 =	vnsel vm2, $0xF149F2CA, v4;
	vm2 =	veq.f32 v15, v31;
	vm1 =	vmor vm14, vm1  }
0x5f: {  	vm0 =	vmor vm3, vm0;
	vm14 =	veq.f32 v10, v31;
	vm2 =	vmor vm15, vm2  }
0x60: {  	[tilespmem:$0x1FBC0] =	vst v35;
	v14 =	vnsel vm1, $0xF149F2CA, v14;
	v35 =	vnsel vm0, $0xF149F2CA, v18;
	vm0 =	veq.f32 v9, v31  }
0x61: {  	v24 =	vld [tilespmem:$0x3A0];
	vm15 =	veq.f32 v12, v31;
	vm1 =	vmor vm12, vm14;
	vm14 =	veq.f32 v5, v31  }
0x62: {  	v16 =	vld [tilespmem:$0x320];
	vm12 =	veq.f32 v7, v31;
	v18 =	vmax.f32 v50, v51;
	v28 =	vnsel vm2, $0xF149F2CA, v15  }
0x63: {  	vm0 =	vmor vm11, vm0;
	vm2 =	vmor vm13, vm15;
	v37 =	vnsel vm1, $0xF149F2CA, v10  }
0x64: {  	v0 =	vld [tilespmem:$0x7A0];
	vm15 =	veq.f32 v8, v31;
	vm11 =	veq.f32 v13, v31;
	vm13 =	veq.f32 v11, v31  }
0x65: {  	v4 =	vld [tilespmem:$0x720];
	v19 =	vnsel vm0, $0xF149F2CA, v9;
	v39 =	vnsel vm2, $0xF149F2CA, v12;
	vm0 =	vmor vm8, vm14  }
0x66: {  	v15 =	vld [tilespmem:$0x6A0];
	vm1 =	vmor vm9, vm15;
	vm2 =	vmor vm10, vm11;
	vm14 =	veq.f32 v17, v31  }
0x67: {  	v12 =	vld [tilespmem:$0x620];
	v49 =	vmax.f32 v16, v24;
	vm15 =	veq.f32 v1, v31;
	v40 =	vnsel vm0, $0xF149F2CA, v5  }
0x68: {  	[tilespmem:$0x1FC80] =	vst v35;
	v35 =	vld [tilespmem:$0x1FBB0];
	v41 =	vnsel vm1, $0xF149F2CA, v8;
	v42 =	vnsel vm2, $0xF149F2CA, v13;
	vm0 =	vmor vm5, vm12  }
0x69: {  	[tilespmem:$0x1FC90] =	vst v37;
	v37 =	vld [tilespmem:$0x1FBC0];
	vm1 =	vmor vm6, vm13;
	vm2 =	vmor vm7, vm14;
	v5 =	vmax.f32 v46, v47  }
0x6a: {  	v57 =	vmax.f32 v48, v49;
	vm6 =	veq.f32 v2, v31;
	vm7 =	veq.f32 v3, v31  }
0x6b: {  	v43 =	vnsel vm0, $0xF149F2CA, v7;
	v44 =	vnsel vm1, $0xF149F2CA, v11;
	v45 =	vnsel vm2, $0xF149F2CA, v17  }
0x6c: {  	v53 =	vmax.f32 v4, v0;
	v5 =	vmax.f32 v5, v57;
	v52 =	vmax.f32 v12, v15  }
0x6d: {  	vm11 =	vmor vm4, vm6;
	vm5 =	vnez.u8 v35;
	v30 =	vmax.f32 v52, v53  }
0x6e: {  	[tilespmem:$0x1FC70] =	vst v34;
	vm0 =	vmor vm5, vm15;
	vm12 =	vnez.u8 v37;
	v34 =	vmax.f32 v18, v30  }
0x6f: {  	vm2 =	vmor vm12, vm7;
	v17 =	vnsel vm0, $0xF149F2CA, v1;
	v30 =	vmax.f32 v5, v34  }
0x70: {  	v18 =	vnsel vm11, $0xF149F2CA, v2;
	vm10 =	veq.f32 v25, v30;
	vm15 =	veq.f32 v33, v30  }
0x71: {  	v10 =	vld [tilespmem:$0x230];
	vm12 =	veq.f32 v27, v30;
	vm7 =	veq.f32 v29, v30;
	vm14 =	veq.f32 v38, v30  }
0x72: {  	v9 =	vld [tilespmem:$0x4B0];
	vm3 =	veq.f32 v36, v30;
	vm5 =	veq.f32 v16, v30;
	vm8 =	veq.f32 v24, v30  }
0x73: {  	v13 =	vld [tilespmem:$0x130];
	vm4 =	veq.f32 v20, v30;
	vm6 =	veq.f32 v21, v30;
	vm9 =	veq.f32 v26, v30  }
0x74: {  	[tilespmem:$0x1FCA0] =	vst v39;
	v46 =	vld [tilespmem:$0x1B0];
	vm13 =	veq.f32 v23, v30;
	vm11 =	veq.f32 v4, v30;
	vm0 =	veq.f32 v0, v30  }
0x75: {  	v8 =	vld [tilespmem:$0x3B0];
	[tilespmem:$0x1FCC0] =	vst v41;
	v39 =	vsel vm10, $0xFF61B1E6, v25;
	v41 =	vsel vm15, $0xFF61B1E6, v33;
	v48 =	vsel vm12, $0xFF61B1E6, v27  }
0x76: {  	[tilespmem:$0x1FCD0] =	vst v42;
	v42 =	vld [tilespmem:$0x30];
	v49 =	vsel vm7, $0xFF61B1E6, v29;
	v50 =	vsel vm14, $0xFF61B1E6, v38;
	v51 =	vsel vm3, $0xFF61B1E6, v36  }
0x77: {  	[tilespmem:$0x1FCB0] =	vst v40;
	v11 =	vld [tilespmem:$0x2B0];
	v52 =	vsel vm5, $0xFF61B1E6, v16;
	v53 =	vsel vm8, $0xFF61B1E6, v24;
	v57 =	vsel vm4, $0xFF61B1E6, v20  }
0x78: {  	[tilespmem:$0x1FCF0] =	vst v44;
	v44 =	vld [tilespmem:$0xB0];
	v47 =	vsel vm11, $0xFF61B1E6, v4;
	v37 =	vmax.f32 v39, v41;
	v39 =	vmax.f32 v48, v49  }
0x79: {  	[tilespmem:$0x1FD00] =	vst v45;
	v45 =	vld [tilespmem:$0x330];
	v48 =	vimm.s32 $0x0;
	v40 =	vmax.f32 v50, v51;
	v49 =	vsel vm6, $0xFF61B1E6, v21  }
0x7a: {  	v1 =	vld [tilespmem:$0x530];
	v50 =	vsel vm9, $0xFF61B1E6, v26;
	v51 =	vsel vm13, $0xFF61B1E6, v23;
	v34 =	vmax.f32 v52, v53  }
0x7b: {  	v2 =	vld [tilespmem:$0x5B0];
	v52 =	vnsel vm2, $0xF149F2CA, v3;
	vm2 =	veq.f32 v12, v30;
	v7 =	vsel vm13, $0xFFFFFFFF, v48  }
0x7c: {  	v5 =	vld [tilespmem:$0x630];
	v35 =	vmax.f32 v57, v49;
	v41 =	vmax.f32 v50, v51;
	vm13 =	veq.f32 v15, v30  }
0x7d: {  	v3 =	vld [tilespmem:$0x6B0];
	v53 =	vsel vm2, $0xFF61B1E6, v12;
	v57 =	vimm.s32 $0x0;
	v48 =	vsel vm0, $0xFF61B1E6, v0  }
0x7e: {  	[tilespmem:$0x1FCE0] =	vst v43;
	v39 =	vmax.f32 v37, v39;
	v34 =	vmax.f32 v40, v34;
	v51 =	vld [tilespmem:$0x1FBD0];
	v43 =	vsel vm13, $0xFF61B1E6, v15  }
0x7f: {  	[tilespmem:$0x1FD20] =	vst v52;
	v37 =	vld [tilespmem:$0x7B0];
	v30 =	vsel vm0, $0xFFFFFFFF, v57;
	v48 =	vmax.f32 v47, v48;
	v35 =	vmax.f32 v35, v41  }
0x80: {  	[tilespmem:$0x1FBE0] =	vst v7;
	v7 =	vld [tilespmem:$0x430];
	vm0 =	veq.f32 v6, v31;
	v52 =	vmax.f32 v39, v34;
	v43 =	vmax.f32 v53, v43  }
0x81: {  	v57 =	vmax.f32 v42, v44;
	v47 =	vmax.f32 v10, v11;
	[tilespmem:$0x1FBF0] =	vst v30;
	v30 =	vld [tilespmem:$0x730];
	v50 =	vmax.f32 v43, v48  }
0x82: {  	v43 =	vmax.f32 v13, v46;
	v48 =	vmax.f32 v45, v8;
	v53 =	vmax.f32 v35, v50  }
0x83: {  	v31 =	vmax.f32 v57, v43;
	v49 =	vmax.f32 v47, v48;
	vm1 =	vnez.u8 v51  }
0x84: {  	v51 =	vmax.f32 v1, v2;
	v31 =	vmax.f32 v31, v49;
	vm0 =	vmor vm1, vm0  }
0x85: {  	v49 =	vimm.s32 $0x0;
	v50 =	vmax.f32 v7, v9;
	v6 =	vnsel vm0, $0xF149F2CA, v6  }
0x86: {  	[tilespmem:$0x1FD30] =	vst v6;
	v6 =	vmax.f32 v52, v53;
	v52 =	vmax.f32 v5, v3;
	v53 =	vmax.f32 v30, v37  }
0x87: {  	v35 =	vmax.f32 v50, v51;
	v57 =	vmax.f32 v52, v53;
	vm0 =	veq.f32 v25, v6  }
0x88: {  	vm1 =	veq.f32 v33, v6;
	v43 =	vmax.f32 v35, v57;
	vm0 =	vmor vm10, vm0  }
0x89: {  	vm1 =	vmor vm15, vm1;
	vm10 =	veq.f32 v27, v6;
	vm15 =	veq.f32 v38, v6  }
0x8a: {  	v31 =	vmax.f32 v31, v43;
	v25 =	vnsel vm0, $0xF149F2CA, v25;
	v35 =	vnsel vm1, $0xF149F2CA, v33  }
0x8b: {  	vm0 =	vmor vm12, vm10;
	vm12 =	veq.f32 v29, v6;
	vm15 =	vmor vm14, vm15  }
0x8c: {  	vm10 =	veq.f32 v16, v6;
	v27 =	vnsel vm0, $0xF149F2CA, v27;
	vm12 =	vmor vm7, vm12  }
0x8d: {  	v47 =	vnsel vm15, $0xF149F2CA, v38;
	vm7 =	veq.f32 v36, v6;
	vm14 =	veq.f32 v11, v31  }
0x8e: {  	vm15 =	veq.f32 v20, v6;
	vm1 =	veq.f32 v45, v31;
	v29 =	vnsel vm12, $0xF149F2CA, v29  }
0x8f: {  	vm0 =	vmor vm3, vm7;
	vm12 =	veq.f32 v24, v6;
	vm7 =	veq.f32 v13, v31  }
0x90: {  	v34 =	vsel vm14, $0xFF61B1E6, v11;
	v48 =	vnsel vm0, $0xF149F2CA, v36;
	vm0 =	vmor vm5, vm10  }
0x91: {  	vm3 =	vmor vm8, vm12;
	vm5 =	veq.f32 v42, v31;
	vm10 =	veq.f32 v44, v31  }
0x92: {  	[tilespmem:$0x1FD60] =	vst v29;
	vm8 =	veq.f32 v46, v31;
	vm12 =	veq.f32 v10, v31;
	v29 =	vsel vm14, $0xFFFFFFFF, v49  }
0x93: {  	v52 =	vsel vm7, $0xFF61B1E6, v13;
	vm14 =	veq.f32 v21, v6;
	v50 =	vsel vm5, $0xFF61B1E6, v42  }
0x94: {  	v51 =	vsel vm10, $0xFF61B1E6, v44;
	v53 =	vsel vm8, $0xFF61B1E6, v46;
	v57 =	vsel vm12, $0xFF61B1E6, v10  }
0x95: {  	v16 =	vnsel vm0, $0xF149F2CA, v16;
	v39 =	vnsel vm3, $0xF149F2CA, v24;
	vm0 =	vmor vm4, vm15  }
0x96: {  	[tilespmem:$0x1FD70] =	vst v47;
	vm15 =	veq.f32 v26, v6;
	vm14 =	vmor vm6, vm14;
	vm6 =	veq.f32 v23, v6  }
0x97: {  	v47 =	vld [tilespmem:$0x1FBE0];
	[tilespmem:$0x1FD80] =	vst v48;
	vm4 =	veq.f32 v4, v6;
	v48 =	vmax.f32 v50, v51;
	v49 =	vmax.f32 v52, v53  }
0x98: {  	v50 =	vmax.f32 v57, v34;
	v40 =	vnsel vm0, $0xF149F2CA, v20;
	vm15 =	vmor vm9, vm15  }
0x99: {  	v33 =	vld [tilespmem:$0x2C0];
	v41 =	vnsel vm14, $0xF149F2CA, v21;
	vm14 =	veq.f32 v12, v6;
	v52 =	vsel vm1, $0xFF61B1E6, v45  }
0x9a: {  	v38 =	vld [tilespmem:$0x1C0];
	vm11 =	vmor vm11, vm4;
	vm4 =	veq.f32 v30, v31;
	v43 =	vnsel vm15, $0xF149F2CA, v26  }
0x9b: {  	v36 =	vld [tilespmem:$0x3C0];
	vm15 =	veq.f32 v15, v6;
	vm2 =	vmor vm2, vm14;
	vm14 =	veq.f32 v9, v31  }
0x9c: {  	[tilespmem:$0x1FC00] =	vst v29;
	v29 =	vld [tilespmem:$0x440];
	vm9 =	vnez.u8 v47;
	vm3 =	vmor vm13, vm15;
	vm15 =	veq.f32 v8, v31  }
0x9d: {  	[tilespmem:$0x1FDA0] =	vst v39;
	v39 =	vld [tilespmem:$0x240];
	vm13 =	veq.f32 v7, v31;
	v34 =	vsel vm14, $0xFF61B1E6, v9;
	v12 =	vnsel vm2, $0xF149F2CA, v12  }
0x9e: {  	[tilespmem:$0x1FD90] =	vst v16;
	v20 =	vld [tilespmem:$0x540];
	vm2 =	veq.f32 v5, v31;
	vm0 =	vmor vm9, vm6;
	vm9 =	veq.f32 v1, v31  }
0x9f: {  	v16 =	vld [tilespmem:$0x6C0];
	[tilespmem:$0x1FDB0] =	vst v40;
	vm6 =	veq.f32 v2, v31;
	v53 =	vsel vm15, $0xFF61B1E6, v8;
	v21 =	vsel vm13, $0xFF61B1E6, v7  }
0xa0: {  	v40 =	vld [tilespmem:$0x40];
	[tilespmem:$0x1FDD0] =	vst v41;
	v51 =	vnsel vm0, $0xF149F2CA, v23;
	v47 =	vsel vm9, $0xFF61B1E6, v1;
	v57 =	vsel vm6, $0xFF61B1E6, v2  }
0xa1: {  	v41 =	vld [tilespmem:$0xC0];
	[tilespmem:$0x1FDE0] =	vst v43;
	v24 =	vmax.f32 v21, v34;
	v21 =	vnsel vm3, $0xF149F2CA, v15;
	vm3 =	veq.f32 v3, v31  }
0xa2: {  	v43 =	vld [tilespmem:$0x140];
	v34 =	vsel vm2, $0xFF61B1E6, v5;
	vm0 =	veq.f32 v37, v31;
	[tilespmem:$0x1FDF0] =	vst v51;
	v51 =	vmax.f32 v52, v53  }
0xa3: {  	[tilespmem:$0x1FE00] =	vst v12;
	v23 =	vld [tilespmem:$0x340];
	v26 =	vmax.f32 v47, v57;
	v53 =	vimm.s32 $0x0;
	v57 =	vsel vm3, $0xFF61B1E6, v3  }
0xa4: {  	[tilespmem:$0x1FE10] =	vst v21;
	v21 =	vld [tilespmem:$0x4C0];
	v52 =	vsel vm4, $0xFF61B1E6, v30;
	v12 =	vsel vm0, $0xFFFFFFFF, v53;
	v53 =	vsel vm0, $0xFF61B1E6, v37  }
0xa5: {  	v4 =	vnsel vm11, $0xF149F2CA, v4;
	v47 =	vld [tilespmem:$0x5C0];
	v31 =	vmax.f32 v34, v57;
	v52 =	vmax.f32 v52, v53  }
0xa6: {  	v48 =	vmax.f32 v48, v49;
	[tilespmem:$0x1FE20] =	vst v4;
	v4 =	vmax.f32 v39, v33;
	v31 =	vmax.f32 v31, v52;
	v52 =	vld [tilespmem:$0x1FBF0]  }
0xa7: {  	v34 =	vmax.f32 v50, v51;
	v24 =	vmax.f32 v24, v26;
	vm0 =	veq.f32 v0, v6;
	[tilespmem:$0x1FC10] =	vst v12;
	v12 =	vld [tilespmem:$0x640]  }
0xa8: {  	v26 =	vld [tilespmem:$0x740];
	v50 =	vimm.s32 $0x0;
	v48 =	vmax.f32 v48, v34;
	v53 =	vmax.f32 v40, v41  }
0xa9: {  	v57 =	vmax.f32 v43, v38;
	v24 =	vmax.f32 v24, v31;
	v31 =	vld [tilespmem:$0x7C0];
	v6 =	vmax.f32 v23, v36  }
0xaa: {  	v24 =	vmax.f32 v48, v24;
	v48 =	vmax.f32 v29, v21;
	v15 =	vmax.f32 v20, v47  }
0xab: {  	v4 =	vmax.f32 v4, v6;
	v15 =	vmax.f32 v48, v15;
	vm11 =	vnez.u8 v52  }
0xac: {  	v34 =	vmax.f32 v12, v16;
	vm0 =	vmor vm11, vm0;
	vm11 =	veq.f32 v42, v24  }
0xad: {  	v0 =	vnsel vm0, $0xF149F2CA, v0;
	vm0 =	vmor vm5, vm11;
	vm11 =	veq.f32 v44, v24  }
0xae: {  	[tilespmem:$0x1FE30] =	vst v0;
	v0 =	vmax.f32 v53, v57;
	v57 =	vmax.f32 v26, v31;
	v53 =	vnsel vm0, $0xF149F2CA, v42  }
0xaf: {  	vm10 =	vmor vm10, vm11;
	vm11 =	veq.f32 v13, v24;
	v34 =	vmax.f32 v34, v57  }
0xb0: {  	v0 =	vmax.f32 v0, v4;
	v57 =	vnsel vm10, $0xF149F2CA, v44;
	vm10 =	veq.f32 v46, v24  }
0xb1: {  	vm0 =	vmor vm7, vm11;
	vm11 =	veq.f32 v10, v24;
	v52 =	vmax.f32 v15, v34  }
0xb2: {  	vm5 =	vmor vm8, vm10;
	v15 =	vnsel vm0, $0xF149F2CA, v13;
	vm0 =	vmor vm12, vm11  }
0xb3: {  	vm8 =	veq.f32 v45, v24;
	v0 =	vmax.f32 v0, v52;
	v34 =	vnsel vm5, $0xF149F2CA, v46  }
0xb4: {  	[tilespmem:$0x1FE50] =	vst v57;
	vm5 =	veq.f32 v11, v24;
	vm1 =	vmor vm1, vm8;
	v57 =	vnsel vm0, $0xF149F2CA, v10  }
0xb5: {  	vm0 =	veq.f32 v8, v24;
	vm7 =	veq.f32 v40, v0;
	vm11 =	veq.f32 v41, v0  }
0xb6: {  	[tilespmem:$0x990] =	vst v19;
	v19 =	vld [tilespmem:$0x1FCF0];
	v49 =	vnsel vm1, $0xF149F2CA, v45;
	vm8 =	veq.f32 v39, v0;
	vm10 =	veq.f32 v33, v0  }
0xb7: {  	vm0 =	vmor vm15, vm0;
	vm15 =	veq.f32 v9, v24;
	vm1 =	veq.f32 v1, v24  }
0xb8: {  	[tilespmem:$0xA80] =	vst v62;
	v46 =	vld [tilespmem:$0x1FC00];
	v42 =	vsel vm7, $0xFF61B1E6, v40;
	v44 =	vsel vm11, $0xFF61B1E6, v41;
	v4 =	vsel vm10, $0xFFFFFFFF, v50  }
0xb9: {  	[tilespmem:$0x1FE70] =	vst v34;
	v6 =	vsel vm8, $0xFF61B1E6, v39;
	v34 =	vsel vm10, $0xFF61B1E6, v33;
	vm10 =	vmor vm14, vm15  }
0xba: {  	[tilespmem:$0x1FE40] =	vst v53;
	vm15 =	veq.f32 v29, v0;
	vm14 =	veq.f32 v21, v0;
	v53 =	vmax.f32 v42, v44  }
0xbb: {  	[tilespmem:$0xD10] =	vst v19;
	v45 =	vmax.f32 v6, v34;
	v50 =	vnsel vm10, $0xF149F2CA, v9;
	vm10 =	veq.f32 v2, v24  }
0xbc: {  	v62 =	vld [tilespmem:$0x1FC60];
	[tilespmem:$0x820] =	vst v25;
	v34 =	vsel vm15, $0xFF61B1E6, v29;
	vm6 =	vmor vm6, vm10;
	vm10 =	veq.f32 v20, v0  }
0xbd: {  	v25 =	vld [tilespmem:$0x5E0];
	[tilespmem:$0x1FEC0] =	vst v50;
	v50 =	vimm.s32 $0x0;
	vm12 =	vnez.u8 v46;
	v13 =	vnsel vm6, $0xF149F2CA, v2  }
0xbe: {  	[tilespmem:$0x8A0] =	vst v35;
	v35 =	vld [tilespmem:$0x660];
	vm6 =	veq.f32 v47, v0;
	vm5 =	vmor vm12, vm5;
	vm12 =	veq.f32 v38, v0  }
0xbf: {  	[tilespmem:$0x920] =	vst v27;
	v27 =	vld [tilespmem:$0x6E0];
	v48 =	vnsel vm5, $0xF149F2CA, v11;
	vm5 =	veq.f32 v43, v0;
	v52 =	vsel vm12, $0xFF61B1E6, v38  }
0xc0: {  	v19 =	vld [tilespmem:$0x1FD60];
	[tilespmem:$0x1FE80] =	vst v48;
	v51 =	vsel vm5, $0xFF61B1E6, v43;
	v48 =	vnsel vm0, $0xF149F2CA, v8;
	vm0 =	veq.f32 v7, v24  }
0xc1: {  	[tilespmem:$0x800] =	vst v55;
	v10 =	vld [tilespmem:$0x350];
	v44 =	vmax.f32 v51, v52;
	vm0 =	vmor vm13, vm0;
	vm13 =	veq.f32 v23, v0  }
0xc2: {  	[tilespmem:$0x1FE90] =	vst v49;
	v42 =	vld [tilespmem:$0x50];
	v49 =	vnsel vm0, $0xF149F2CA, v7;
	vm0 =	vmor vm9, vm1;
	vm9 =	veq.f32 v36, v0  }
0xc3: {  	[tilespmem:$0x1FC50] =	vst v4;
	v4 =	vld [tilespmem:$0x150];
	vm1 =	veq.f32 v5, v24;
	v51 =	vsel vm13, $0xFF61B1E6, v23;
	v44 =	vmax.f32 v53, v44  }
0xc4: {  	[tilespmem:$0xC80] =	vst v59;
	v9 =	vld [tilespmem:$0x250];
	v52 =	vsel vm9, $0xFF61B1E6, v36;
	vm2 =	vmor vm2, vm1;
	v1 =	vnsel vm0, $0xF149F2CA, v1  }
0xc5: {  	[tilespmem:$0x1FE60] =	vst v15;
	v6 =	vld [tilespmem:$0x2D0];
	vm0 =	veq.f32 v3, v24;
	vm1 =	veq.f32 v16, v0;
	v46 =	vmax.f32 v51, v52  }
0xc6: {  	v59 =	vld [tilespmem:$0x1FC50];
	[tilespmem:$0x1FED0] =	vst v1;
	v15 =	vnsel vm2, $0xF149F2CA, v5;
	v52 =	vsel vm14, $0xFF61B1E6, v21;
	v1 =	vsel vm10, $0xFF61B1E6, v20  }
0xc7: {  	v11 =	vld [tilespmem:$0x3D0];
	[tilespmem:$0x1FEB0] =	vst v49;
	vm0 =	vmor vm3, vm0;
	vm2 =	veq.f32 v12, v0;
	vm3 =	veq.f32 v26, v0  }
0xc8: {  	v7 =	vld [tilespmem:$0xD0];
	v51 =	vimm.s32 $0x0;
	[tilespmem:$0x1FEF0] =	vst v15;
	v15 =	vsel vm6, $0xFF61B1E6, v47;
	v49 =	vmax.f32 v34, v52  }
0xc9: {  	[tilespmem:$0x1FEE0] =	vst v13;
	v8 =	vld [tilespmem:$0x1D0];
	v34 =	vnsel vm0, $0xF149F2CA, v3;
	vm0 =	veq.f32 v31, v0;
	v52 =	vimm.s32 $0x0  }
0xca: {  	[tilespmem:$0x1FEA0] =	vst v48;
	v13 =	vsel vm3, $0xFF61B1E6, v26;
	v3 =	vld [tilespmem:$0x5D0];
	v45 =	vmax.f32 v45, v46;
	v48 =	vmax.f32 v1, v15  }
0xcb: {  	v46 =	vld [tilespmem:$0x750];
	[tilespmem:$0x1FF00] =	vst v34;
	v1 =	vsel vm1, $0xFFFFFFFF, v50;
	v50 =	vsel vm2, $0xFF61B1E6, v12;
	v0 =	vsel vm0, $0xFFFFFFFF, v52  }
0xcc: {  	v15 =	vld [tilespmem:$0x550];
	v34 =	vsel vm0, $0xFF61B1E6, v31;
	v44 =	vmax.f32 v44, v45;
	[tilespmem:$0x1FD10] =	vst v1;
	v1 =	vsel vm3, $0xFFFFFFFF, v51  }
0xcd: {  	v52 =	vld [tilespmem:$0x1FC10];
	[tilespmem:$0x1FD50] =	vst v0;
	v0 =	vsel vm1, $0xFF61B1E6, v16;
	vm3 =	veq.f32 v30, v24;
	v55 =	vmax.f32 v42, v7  }
0xce: {  	[tilespmem:$0x1FD40] =	vst v1;
	v0 =	vmax.f32 v50, v0;
	v1 =	vmax.f32 v13, v34;
	v13 =	vld [tilespmem:$0x650];
	v34 =	vmax.f32 v49, v48  }
0xcf: {  	v50 =	vld [tilespmem:$0x6D0];
	vm3 =	vmor vm4, vm3;
	vm4 =	veq.f32 v37, v24;
	v0 =	vmax.f32 v0, v1  }
0xd0: {  	v48 =	vld [tilespmem:$0x7D0];
	v49 =	vmax.f32 v9, v6;
	v51 =	vnsel vm3, $0xF149F2CA, v30;
	v0 =	vmax.f32 v34, v0  }
0xd1: {  	v2 =	vld [tilespmem:$0x450];
	[tilespmem:$0x1FF10] =	vst v51;
	v34 =	vmax.f32 v4, v8;
	v51 =	vmax.f32 v10, v11;
	v0 =	vmax.f32 v44, v0  }
0xd2: {  	[tilespmem:$0x900] =	vst v60;
	v5 =	vld [tilespmem:$0x4D0];
	vm0 =	vnez.u8 v52;
	v24 =	vmax.f32 v55, v34;
	v52 =	vmax.f32 v49, v51  }
0xd3: {  	[tilespmem:$0xE90] =	vst v18;
	v18 =	vld [tilespmem:$0x1FD50];
	v55 =	vmax.f32 v15, v3;
	vm3 =	vmor vm0, vm4;
	vm1 =	veq.f32 v40, v0  }
0xd4: {  	[tilespmem:$0x980] =	vst v58;
	v30 =	vld [tilespmem:$0x1FC20];
	v24 =	vmax.f32 v24, v52;
	vm0 =	veq.f32 v41, v0;
	v53 =	vnsel vm3, $0xF149F2CA, v37  }
0xd5: {  	[tilespmem:$0xE10] =	vst v17;
	v17 =	vld [tilespmem:$0x1FD40];
	vm3 =	vmor vm7, vm1;
	v58 =	vmax.f32 v13, v50;
	v60 =	vmax.f32 v46, v48  }
0xd6: {  	[tilespmem:$0xA00] =	vst v32;
	vm1 =	veq.f32 v43, v0;
	vm4 =	vmor vm11, vm0;
	v44 =	vmax.f32 v58, v60;
	v58 =	vld [tilespmem:$0x1FC40]  }
0xd7: {  	vm7 =	veq.f32 v39, v0;
	[tilespmem:$0x1FF20] =	vst v53;
	v53 =	vmax.f32 v2, v5;
	v49 =	vnsel vm4, $0xF149F2CA, v41;
	v41 =	vld [tilespmem:$0x1FC80]  }
0xd8: {  	[tilespmem:$0xB00] =	vst v56;
	v60 =	vnsel vm3, $0xF149F2CA, v40;
	vm3 =	vmor vm8, vm7;
	vm8 =	vnez.u8 v59;
	v59 =	vld [tilespmem:$0x1FCE0]  }
0xd9: {  	[tilespmem:$0xB80] =	vst v54;
	vm11 =	vmor vm5, vm1;
	vm1 =	veq.f32 v38, v0;
	v1 =	vmax.f32 v53, v55;
	v55 =	vld [tilespmem:$0x1FC30]  }
0xda: {  	v52 =	vimm.s32 $0x0;
	vm0 =	veq.f32 v21, v0;
	vm1 =	vmor vm12, vm1;
	[tilespmem:$0x840] =	vst v60;
	v60 =	vld [tilespmem:$0x470]  }
0xdb: {  	[tilespmem:$0xD80] =	vst v61;
	vm7 =	veq.f32 v33, v0;
	vm4 =	veq.f32 v47, v0;
	v61 =	vnsel vm1, $0xF149F2CA, v38;
	v38 =	vld [tilespmem:$0x1FC70]  }
0xdc: {  	[tilespmem:$0xC00] =	vst v63;
	v51 =	vnsel vm11, $0xF149F2CA, v43;
	vm12 =	veq.f32 v23, v0;
	v45 =	vmax.f32 v1, v44;
	v44 =	vld [tilespmem:$0x1FC90]  }
0xdd: {  	[tilespmem:$0x880] =	vst v30;
	vm1 =	vmor vm8, vm7;
	vm7 =	vmor vm13, vm12;
	v30 =	vmax.f32 v24, v45;
	v24 =	vld [tilespmem:$0x2E0]  }
0xde: {  	[tilespmem:$0xE80] =	vst v62;
	v56 =	vnsel vm3, $0xF149F2CA, v39;
	v34 =	vnsel vm1, $0xF149F2CA, v33;
	v39 =	vnsel vm7, $0xF149F2CA, v23;
	v23 =	vld [tilespmem:$0x1FD10]  }
0xdf: {  	vm12 =	veq.f32 v36, v0;
	vm13 =	veq.f32 v29, v0;
	vm5 =	veq.f32 v7, v30;
	[tilespmem:$0x1FF60] =	vst v34;
	v34 =	vld [tilespmem:$0x260]  }
0xe0: {  	[tilespmem:$0x890] =	vst v28;
	vm1 =	vmor vm9, vm12;
	vm3 =	vmor vm15, vm13;
	v1 =	vsel vm5, $0xFFFFFFFF, v52;
	v52 =	vld [tilespmem:$0x1FCA0]  }
0xe1: {  	vm7 =	veq.f32 v20, v0;
	v32 =	vnsel vm1, $0xF149F2CA, v36;
	v40 =	vnsel vm3, $0xF149F2CA, v29;
	[tilespmem:$0x910] =	vst v41;
	v41 =	vld [tilespmem:$0x1E0]  }
0xe2: {  	vm1 =	vmor vm14, vm0;
	vm13 =	veq.f32 v9, v30;
	vm14 =	veq.f32 v6, v30;
	[tilespmem:$0x1FFA0] =	vst v40;
	v40 =	vld [tilespmem:$0x1FDA0]  }
0xe3: {  	vm11 =	veq.f32 v42, v30;
	v43 =	vsel vm13, $0xFF61B1E6, v9;
	v45 =	vsel vm14, $0xFF61B1E6, v6;
	[tilespmem:$0xBC0] =	vst v32;
	v32 =	vld [tilespmem:$0x7F0]  }
0xe4: {  	[tilespmem:$0x1FF30] =	vst v49;
	v53 =	vsel vm11, $0xFF61B1E6, v42;
	v54 =	vsel vm5, $0xFF61B1E6, v7;
	v28 =	vmax.f32 v43, v45;
	v43 =	vld [tilespmem:$0x60]  }
0xe5: {  	[tilespmem:$0x1FF40] =	vst v51;
	vm8 =	veq.f32 v4, v30;
	vm12 =	veq.f32 v10, v30;
	v37 =	vmax.f32 v53, v54;
	v53 =	vld [tilespmem:$0x1FCB0]  }
0xe6: {  	[tilespmem:$0x1FF50] =	vst v56;
	vm9 =	veq.f32 v11, v30;
	vm3 =	vmor vm10, vm7;
	vm10 =	veq.f32 v2, v30;
	v45 =	vld [tilespmem:$0xE0]  }
0xe7: {  	vm7 =	veq.f32 v12, v0;
	vm5 =	veq.f32 v8, v30;
	v63 =	vsel vm8, $0xFF61B1E6, v4;
	[tilespmem:$0x1FDC0] =	vst v1;
	v54 =	vld [tilespmem:$0x1FCC0]  }
0xe8: {  	v49 =	vsel vm12, $0xFF61B1E6, v10;
	v51 =	vsel vm9, $0xFF61B1E6, v11;
	v62 =	vnsel vm1, $0xF149F2CA, v21;
	[tilespmem:$0xD00] =	vst v55;
	v55 =	vld [tilespmem:$0x1FCD0]  }
0xe9: {  	vm1 =	vmor vm6, vm4;
	vm6 =	veq.f32 v5, v30;
	v1 =	vsel vm5, $0xFF61B1E6, v8;
	[tilespmem:$0xA10] =	vst v44;
	v44 =	vld [tilespmem:$0x160]  }
0xea: {  	[tilespmem:$0xE00] =	vst v58;
	v56 =	vsel vm10, $0xFF61B1E6, v2;
	v1 =	vmax.f32 v63, v1;
	v63 =	vnsel vm3, $0xF149F2CA, v20;
	v20 =	vld [tilespmem:$0x1FD00]  }
0xeb: {  	vm15 =	vmor vm2, vm7;
	vm7 =	veq.f32 v15, v30;
	v58 =	vsel vm6, $0xFF61B1E6, v5;
	[tilespmem:$0xF80] =	vst v38;
	v38 =	vld [tilespmem:$0x360]  }
0xec: {  	[tilespmem:$0xF00] =	vst v22;
	v29 =	vmax.f32 v49, v51;
	v36 =	vmax.f32 v56, v58;
	v58 =	vnsel vm1, $0xF149F2CA, v47;
	v47 =	vld [tilespmem:$0x1FD20]  }
0xed: {  	[tilespmem:$0xC90] =	vst v59;
	v59 =	vnsel vm15, $0xF149F2CA, v12;
	vm15 =	veq.f32 v3, v30;
	v28 =	vmax.f32 v28, v29;
	v29 =	vld [tilespmem:$0x1FD80]  }
0xee: {  	[tilespmem:$0x810] =	vst v14;
	v21 =	vsel vm7, $0xFF61B1E6, v15;
	v22 =	vsel vm15, $0xFF61B1E6, v3;
	vm4 =	vnez.u8 v23;
	v23 =	vld [tilespmem:$0x3E0]  }
0xef: {  	[tilespmem:$0x1FF70] =	vst v39;
	vm0 =	veq.f32 v16, v0;
	vm2 =	veq.f32 v13, v30;
	v12 =	vmax.f32 v21, v22;
	v21 =	vld [tilespmem:$0x460]  }
0xf0: {  	v51 =	vimm.s32 $0x0;
	vm1 =	veq.f32 v46, v30;
	v22 =	vld [tilespmem:$0x4E0];
	v37 =	vmax.f32 v37, v1;
	[tilespmem:$0xA90] =	vst v52  }
0xf1: {  	vm3 =	veq.f32 v48, v30;
	vm0 =	vmor vm4, vm0;
	v28 =	vmax.f32 v37, v28;
	v37 =	vld [tilespmem:$0x760];
	[tilespmem:$0xB10] =	vst v53  }
0xf2: {  	v56 =	vnsel vm0, $0xF149F2CA, v16;
	v16 =	vsel vm1, $0xFFFFFFFF, v51;
	v52 =	vimm.s32 $0x0;
	[tilespmem:$0xC10] =	vst v55;
	v53 =	vld [tilespmem:$0x1FD30]  }
0xf3: {  	v33 =	vsel vm2, $0xFF61B1E6, v13;
	[tilespmem:$0x1FF80] =	vst v16;
	v16 =	vsel vm3, $0xFFFFFFFF, v52;
	v52 =	vld [tilespmem:$0x1FDD0]  }
0xf4: {  	v14 =	vsel vm3, $0xFF61B1E6, v48;
	v12 =	vmax.f32 v36, v12;
	vm0 =	veq.f32 v50, v30;
	[tilespmem:$0xD90] =	vst v20;
	v20 =	vld [tilespmem:$0x560]  }
0xf5: {  	vm4 =	vnez.u8 v17;
	v49 =	vsel vm0, $0xFF61B1E6, v50;
	v55 =	vsel vm1, $0xFF61B1E6, v46;
	[tilespmem:$0xF10] =	vst v47;
	v47 =	vld [tilespmem:$0x1FDB0]  }
0xf6: {  	[tilespmem:$0xB90] =	vst v54;
	vm1 =	veq.f32 v26, v0;
	v54 =	vmax.f32 v33, v49;
	v39 =	vmax.f32 v55, v14;
	v49 =	vld [tilespmem:$0x1FDC0]  }
0xf7: {  	[tilespmem:$0x1FF90] =	vst v16;
	vm1 =	vmor vm4, vm1;
	vm4 =	vnez.u8 v18;
	v18 =	vld [tilespmem:$0x1FDE0];
	v16 =	vmax.f32 v54, v39  }
0xf8: {  	v33 =	vld [tilespmem:$0x1FD90];
	v12 =	vmax.f32 v12, v16  }
0xf9: {  	vm3 =	veq.f32 v31, v0;
	v0 =	vmax.f32 v28, v12;
	v28 =	vld [tilespmem:$0x1FD70]  }
0xfa: {  	v36 =	vmax.f32 v34, v24;
	v30 =	vmax.f32 v43, v45;
	vm3 =	vmor vm4, vm3;
	[tilespmem:$0xCA0] =	vst v52;
	v52 =	vld [tilespmem:$0x1FE20]  }
0xfb: {  	v54 =	vnsel vm1, $0xF149F2CA, v26;
	v51 =	vmax.f32 v21, v22;
	vm4 =	veq.f32 v42, v0;
	[tilespmem:$0xC20] =	vst v47;
	v47 =	vld [tilespmem:$0x1FE00]  }
0xfc: {  	v55 =	vnsel vm3, $0xF149F2CA, v31;
	vm1 =	vmor vm11, vm4;
	vm11 =	vnez.u8 v49;
	[tilespmem:$0xD20] =	vst v18;
	v18 =	vld [tilespmem:$0x1FE90]  }
0xfd: {  	[tilespmem:$0xF90] =	vst v53;
	v14 =	vmax.f32 v20, v25;
	v53 =	vnsel vm1, $0xF149F2CA, v42;
	vm1 =	veq.f32 v7, v0;
	v42 =	vld [tilespmem:$0x1FDF0]  }
0xfe: {  	[tilespmem:$0x9A0] =	vst v19;
	v19 =	vmax.f32 v51, v14;
	v51 =	vld [tilespmem:$0x1FE10];
	vm1 =	vmor vm11, vm1;
	vm11 =	veq.f32 v4, v0  }
0xff: {  	[tilespmem:$0xBA0] =	vst v40;
	v31 =	vmax.f32 v44, v41;
	vm4 =	veq.f32 v8, v0;
	v14 =	vld [tilespmem:$0x1FE70];
	vm3 =	vmor vm8, vm11  }
0x100: {  	[tilespmem:$0xA20] =	vst v28;
	v28 =	vld [tilespmem:$0x7E0];
	v40 =	vnsel vm1, $0xF149F2CA, v7;
	vm1 =	vmor vm5, vm4;
	vm8 =	veq.f32 v9, v0  }
0x101: {  	[tilespmem:$0xAA0] =	vst v29;
	v12 =	vmax.f32 v30, v31;
	v29 =	vnsel vm1, $0xF149F2CA, v8;
	vm13 =	vmor vm13, vm8;
	v8 =	vld [tilespmem:$0x1FE30]  }
0x102: {  	[tilespmem:$0xA30] =	vst v57;
	vm11 =	veq.f32 v6, v0;
	vm8 =	veq.f32 v10, v0;
	v30 =	vnsel vm13, $0xF149F2CA, v9;
	v9 =	vld [tilespmem:$0x1FE40]  }
0x103: {  	vm14 =	vmor vm14, vm11;
	vm11 =	veq.f32 v11, v0;
	vm1 =	vmor vm12, vm8;
	[tilespmem:$0xB30] =	vst v18;
	v18 =	vld [tilespmem:$0xF0]  }
0x104: {  	[tilespmem:$0x9C0] =	vst v61;
	v39 =	vmax.f32 v38, v23;
	vm13 =	vmor vm9, vm11;
	v31 =	vnsel vm1, $0xF149F2CA, v10;
	v10 =	vld [tilespmem:$0x1FE50]  }
0x105: {  	v26 =	vmax.f32 v36, v39;
	[tilespmem:$0xB20] =	vst v33;
	vm9 =	veq.f32 v15, v0;
	v36 =	vnsel vm13, $0xF149F2CA, v11;
	v11 =	vld [tilespmem:$0x1FE60]  }
0x106: {  	vm8 =	veq.f32 v5, v0;
	[tilespmem:$0x9B0] =	vst v14;
	vm11 =	vmor vm7, vm9;
	v14 =	vld [tilespmem:$0x1FED0]  }
0x107: {  	[tilespmem:$0xDA0] =	vst v42;
	vm1 =	vmor vm6, vm8;
	vm13 =	veq.f32 v13, v0;
	v42 =	vnsel vm11, $0xF149F2CA, v15;
	v15 =	vld [tilespmem:$0x1FEE0]  }
0x108: {  	v16 =	vmax.f32 v35, v27;
	[tilespmem:$0xE20] =	vst v47;
	v47 =	vnsel vm1, $0xF149F2CA, v5;
	vm1 =	vmor vm2, vm13;
	v5 =	vld [tilespmem:$0x1FF00]  }
0x109: {  	v49 =	vnsel vm3, $0xF149F2CA, v4;
	[tilespmem:$0xF20] =	vst v52;
	v17 =	vmax.f32 v37, v28;
	v39 =	vnsel vm1, $0xF149F2CA, v13;
	v13 =	vld [tilespmem:$0x1FEC0]  }
0x10a: {  	vm12 =	veq.f32 v2, v0;
	[tilespmem:$0xEA0] =	vst v51;
	v51 =	vnsel vm14, $0xF149F2CA, v6;
	v33 =	vmax.f32 v16, v17;
	v16 =	vld [tilespmem:$0x1FE80]  }
0x10b: {  	vm14 =	vmor vm10, vm12;
	vm10 =	veq.f32 v3, v0;
	[tilespmem:$0xFA0] =	vst v8;
	v17 =	vmax.f32 v12, v26;
	v26 =	vld [tilespmem:$0x1FEB0]  }
0x10c: {  	v52 =	vnsel vm14, $0xF149F2CA, v2;
	vm12 =	vmor vm15, vm10;
	v1 =	vmax.f32 v19, v33;
	v19 =	vld [tilespmem:$0x1FEA0];
	[tilespmem:$0x930] =	vst v11  }
0x10d: {  	vm14 =	veq.f32 v50, v0;
	v57 =	vnsel vm12, $0xF149F2CA, v3;
	v11 =	vmax.f32 v17, v1;
	[tilespmem:$0xD30] =	vst v14;
	v17 =	vld [tilespmem:$0x170]  }
0x10e: {  	vm2 =	vmor vm0, vm14;
	v14 =	vld [tilespmem:$0x2F0];
	vm1 =	veq.f32 v43, v11;
	vm4 =	veq.f32 v45, v11;
	[tilespmem:$0xDB0] =	vst v15  }
0x10f: {  	vm12 =	veq.f32 v44, v11;
	vm13 =	veq.f32 v41, v11;
	vm6 =	veq.f32 v34, v11;
	v15 =	vld [tilespmem:$0x270];
	[tilespmem:$0xEB0] =	vst v5  }
0x110: {  	vm15 =	veq.f32 v23, v11;
	v6 =	vsel vm12, $0xFF61B1E6, v44;
	v7 =	vsel vm13, $0xFF61B1E6, v41;
	[tilespmem:$0xC30] =	vst v26;
	v26 =	vld [tilespmem:$0x1FEF0]  }
0x111: {  	v33 =	vsel vm1, $0xFF61B1E6, v43;
	v12 =	vsel vm4, $0xFF61B1E6, v45;
	[tilespmem:$0xCB0] =	vst v13;
	v5 =	vmax.f32 v6, v7;
	v6 =	vld [tilespmem:$0x1FF10]  }
0x112: {  	vm11 =	veq.f32 v35, v11;
	[tilespmem:$0xAB0] =	vst v16;
	v16 =	vimm.s32 $0x0;
	v13 =	vmax.f32 v33, v12;
	v12 =	vld [tilespmem:$0x370]  }
0x113: {  	[tilespmem:$0x830] =	vst v9;
	v33 =	vsel vm15, $0xFF61B1E6, v23;
	v7 =	vld [tilespmem:$0x1FF20];
	v1 =	vsel vm15, $0xFFFFFFFF, v16;
	vm15 =	veq.f32 v27, v11  }
0x114: {  	vm8 =	veq.f32 v38, v11;
	v3 =	vsel vm11, $0xFF61B1E6, v35;
	[tilespmem:$0xBB0] =	vst v19;
	v19 =	vld [tilespmem:$0x70];
	v61 =	vsel vm15, $0xFF61B1E6, v27  }
0x115: {  	[tilespmem:$0x8B0] =	vst v10;
	vm7 =	veq.f32 v24, v11;
	v10 =	vsel vm8, $0xFF61B1E6, v38;
	v3 =	vmax.f32 v3, v61;
	v61 =	vld [tilespmem:$0x1FF60]  }
0x116: {  	vm10 =	veq.f32 v21, v11;
	vm5 =	veq.f32 v22, v11;
	[tilespmem:$0xE30] =	vst v26;
	v26 =	vmax.f32 v10, v33;
	v33 =	vld [tilespmem:$0x1FF30]  }
0x117: {  	vm14 =	veq.f32 v20, v11;
	vm9 =	veq.f32 v25, v11;
	vm3 =	veq.f32 v37, v11;
	v16 =	vld [tilespmem:$0x1F0];
	[tilespmem:$0x1FFB0] =	vst v1  }
0x118: {  	vm0 =	veq.f32 v28, v11;
	v8 =	vsel vm6, $0xFF61B1E6, v34;
	v9 =	vsel vm7, $0xFF61B1E6, v24;
	v11 =	vld [tilespmem:$0x5F0];
	[tilespmem:$0xF30] =	vst v6  }
0x119: {  	v2 =	vsel vm10, $0xFF61B1E6, v21;
	v8 =	vmax.f32 v8, v9;
	v9 =	vsel vm5, $0xFF61B1E6, v22;
	[tilespmem:$0xFB0] =	vst v7;
	v6 =	vld [tilespmem:$0x1FF40]  }
0x11a: {  	v4 =	vmax.f32 v2, v9;
	v7 =	vld [tilespmem:$0x3F0];
	[tilespmem:$0xAC0] =	vst v61  }
0x11b: {  	v1 =	vsel vm9, $0xFF61B1E6, v25;
	v10 =	vsel vm14, $0xFF61B1E6, v20;
	v61 =	vld [tilespmem:$0x1FF70];
	[tilespmem:$0x8C0] =	vst v33;
	v33 =	vimm.s32 $0x0  }
0x11c: {  	[tilespmem:$0xD40] =	vst v63;
	v9 =	vmax.f32 v10, v1;
	v10 =	vld [tilespmem:$0x4F0];
	v1 =	vsel vm3, $0xFFFFFFFF, v33;
	v33 =	vimm.s32 $0x0  }
0x11d: {  	[tilespmem:$0x1FFC0] =	vst v1;
	v1 =	vsel vm0, $0xFFFFFFFF, v33;
	v33 =	vld [tilespmem:$0x1FF50]  }
0x11e: {  	v4 =	vmax.f32 v4, v9;
	v9 =	vld [tilespmem:$0x1FF90];
	[tilespmem:$0x940] =	vst v6  }
0x11f: {  	v6 =	vld [tilespmem:$0x570];
	[tilespmem:$0x1FFD0] =	vst v1  }
0x120: {  	v2 =	vsel vm3, $0xFF61B1E6, v37;
	v1 =	vsel vm0, $0xFF61B1E6, v28;
	[tilespmem:$0xB40] =	vst v61;
	v61 =	vld [tilespmem:$0x1FFA0]  }
0x121: {  	[tilespmem:$0xBD0] =	vst v36;
	v1 =	vmax.f32 v2, v1;
	v2 =	vmax.f32 v13, v5;
	v13 =	vld [tilespmem:$0x670]  }
0x122: {  	v36 =	vimm.s32 $0x0;
	v63 =	vmax.f32 v17, v16;
	[tilespmem:$0xA40] =	vst v33;
	v33 =	vmax.f32 v8, v26;
	v8 =	vld [tilespmem:$0x1FF80]  }
0x123: {  	[tilespmem:$0xDC0] =	vst v58;
	vm3 =	veq.f32 v48, v0;
	v58 =	vmax.f32 v60, v10;
	v5 =	vmax.f32 v15, v14;
	v26 =	vld [tilespmem:$0x6F0]  }
0x124: {  	v1 =	vmax.f32 v3, v1;
	v3 =	vnsel vm2, $0xF149F2CA, v50;
	v2 =	vmax.f32 v2, v33;
	v33 =	vld [tilespmem:$0x770]  }
0x125: {  	vm2 =	veq.f32 v46, v0;
	v1 =	vmax.f32 v4, v1;
	[tilespmem:$0xC40] =	vst v61;
	v61 =	vmax.f32 v6, v11  }
0x126: {  	v50 =	vmax.f32 v2, v1;
	v2 =	vmax.f32 v19, v18;
	v58 =	vmax.f32 v58, v61  }
0x127: {  	v2 =	vmax.f32 v2, v63;
	vm0 =	vnez.u8 v8;
	v8 =	vmax.f32 v12, v7  }
0x128: {  	[tilespmem:$0xCC0] =	vst v62;
	v62 =	vmax.f32 v13, v26;
	vm2 =	vmor vm0, vm2;
	vm0 =	vnez.u8 v9  }
0x129: {  	v63 =	vmax.f32 v33, v32;
	v5 =	vmax.f32 v5, v8;
	vm3 =	vmor vm0, vm3  }
0x12a: {  	vm0 =	veq.f32 v43, v50;
	v0 =	vnsel vm2, $0xF149F2CA, v46;
	v4 =	vmax.f32 v62, v63  }
0x12b: {  	v2 =	vmax.f32 v2, v5;
	v1 =	vnsel vm3, $0xF149F2CA, v48;
	vm0 =	vmor vm1, vm0  }
0x12c: {  	[tilespmem:$0xE40] =	vst v59;
	v4 =	vmax.f32 v58, v4;
	v59 =	vnsel vm0, $0xF149F2CA, v43;
	vm0 =	veq.f32 v45, v50  }
0x12d: {  	[tilespmem:$0xEC0] =	vst v56;
	v2 =	vmax.f32 v2, v4;
	vm0 =	vmor vm4, vm0;
	vm4 =	veq.f32 v44, v50  }
0x12e: {  	[tilespmem:$0xF40] =	vst v54;
	vm1 =	veq.f32 v19, v2;
	vm2 =	veq.f32 v17, v2;
	vm3 =	veq.f32 v33, v2  }
0x12f: {  	[tilespmem:$0x950] =	vst v49;
	v61 =	vnsel vm0, $0xF149F2CA, v45;
	vm4 =	vmor vm12, vm4;
	vm12 =	veq.f32 v41, v50  }
0x130: {  	[tilespmem:$0xC50] =	vst v52;
	v46 =	vld [tilespmem:$0x1FFB0];
	v49 =	vsel vm1, $0xFF61B1E6, v19;
	v52 =	vsel vm2, $0xFF61B1E6, v17;
	v62 =	vnsel vm4, $0xF149F2CA, v44  }
0x131: {  	[tilespmem:$0xFC0] =	vst v55;
	vm13 =	vmor vm13, vm12;
	vm4 =	veq.f32 v34, v50;
	vm12 =	veq.f32 v24, v50  }
0x132: {  	[tilespmem:$0x850] =	vst v53;
	v63 =	vnsel vm13, $0xF149F2CA, v41;
	vm6 =	vmor vm6, vm4;
	vm13 =	vmor vm7, vm12  }
0x133: {  	[tilespmem:$0x8D0] =	vst v40;
	vm4 =	veq.f32 v38, v50;
	vm7 =	veq.f32 v23, v50;
	vm12 =	veq.f32 v21, v50  }
0x134: {  	[tilespmem:$0x9D0] =	vst v29;
	v44 =	vnsel vm6, $0xF149F2CA, v34;
	v24 =	vnsel vm13, $0xF149F2CA, v24;
	vm6 =	vmor vm8, vm4  }
0x135: {  	[tilespmem:$0xA50] =	vst v30;
	vm8 =	vnez.u8 v46;
	vm13 =	vmor vm10, vm12;
	vm4 =	veq.f32 v22, v50  }
0x136: {  	[tilespmem:$0xAD0] =	vst v51;
	vm10 =	veq.f32 v35, v50;
	v45 =	vnsel vm6, $0xF149F2CA, v38;
	vm0 =	vmor vm8, vm7  }
0x137: {  	[tilespmem:$0xB50] =	vst v31;
	v21 =	vnsel vm13, $0xF149F2CA, v21;
	vm5 =	vmor vm5, vm4;
	vm6 =	veq.f32 v20, v50  }
0x138: {  	[tilespmem:$0xCD0] =	vst v47;
	vm8 =	veq.f32 v25, v50;
	vm12 =	vmor vm11, vm10;
	vm13 =	veq.f32 v27, v50  }
0x139: {  	[tilespmem:$0xD50] =	vst v42;
	vm11 =	veq.f32 v12, v2;
	vm4 =	veq.f32 v7, v2;
	vm10 =	veq.f32 v26, v2  }
0x13a: {  	[tilespmem:$0xDD0] =	vst v57;
	v38 =	vsel vm3, $0xFF61B1E6, v33;
	v23 =	vnsel vm0, $0xF149F2CA, v23;
	v22 =	vnsel vm5, $0xF149F2CA, v22  }
0x13b: {  	[tilespmem:$0xE50] =	vst v39;
	vm7 =	vmor vm14, vm6;
	vm9 =	vmor vm9, vm8;
	v47 =	vnsel vm12, $0xF149F2CA, v35  }
0x13c: {  	[tilespmem:$0xED0] =	vst v3;
	vm14 =	vmor vm15, vm13;
	vm15 =	veq.f32 v18, v2;
	vm12 =	veq.f32 v15, v2  }
0x13d: {  	[tilespmem:$0xF50] =	vst v0;
	vm13 =	veq.f32 v14, v2;
	v56 =	vsel vm11, $0xFF61B1E6, v12;
	v57 =	vsel vm4, $0xFF61B1E6, v7  }
0x13e: {  	[tilespmem:$0xFD0] =	vst v1;
	vm5 =	veq.f32 v60, v2;
	vm6 =	veq.f32 v10, v2;
	vm8 =	veq.f32 v11, v2  }
0x13f: {  	[tilespmem:$0x860] =	vst v59;
	v34 =	vsel vm10, $0xFF61B1E6, v26;
	v35 =	vimm.s32 $0x0;
	vm0 =	veq.f32 v32, v2  }
0x140: {  	v42 =	vld [tilespmem:$0x1FFC0];
	[tilespmem:$0x8E0] =	vst v61;
	v20 =	vnsel vm7, $0xF149F2CA, v20;
	v25 =	vnsel vm9, $0xF149F2CA, v25;
	v48 =	vnsel vm14, $0xF149F2CA, v27  }
0x141: {  	[tilespmem:$0x960] =	vst v62;
	v51 =	vsel vm15, $0xFF61B1E6, v18;
	vm14 =	veq.f32 v16, v2;
	v54 =	vsel vm12, $0xFF61B1E6, v15  }
0x142: {  	[tilespmem:$0x9E0] =	vst v63;
	v55 =	vsel vm13, $0xFF61B1E6, v14;
	v58 =	vsel vm5, $0xFF61B1E6, v60;
	v59 =	vsel vm6, $0xFF61B1E6, v10  }
0x143: {  	[tilespmem:$0xA60] =	vst v44;
	vm7 =	veq.f32 v6, v2;
	v8 =	vmax.f32 v56, v57;
	v62 =	vsel vm8, $0xFF61B1E6, v11  }
0x144: {  	[tilespmem:$0xAE0] =	vst v24;
	vm9 =	veq.f32 v13, v2;
	v29 =	vsel vm3, $0xFFFFFFFF, v35;
	v2 =	vsel vm0, $0xFFFFFFFF, v36  }
0x145: {  	[tilespmem:$0xB60] =	vst v45;
	v40 =	vsel vm0, $0xFF61B1E6, v32;
	vm3 =	veq.f32 v37, v50;
	vm0 =	vnez.u8 v42  }
0x146: {  	[tilespmem:$0xC60] =	vst v21;
	v53 =	vsel vm14, $0xFF61B1E6, v16;
	v3 =	vmax.f32 v49, v51;
	v5 =	vmax.f32 v54, v55  }
0x147: {  	v44 =	vld [tilespmem:$0x1FFD0];
	[tilespmem:$0xBE0] =	vst v23;
	v61 =	vsel vm7, $0xFF61B1E6, v6;
	v1 =	vmax.f32 v58, v59;
	v63 =	vsel vm9, $0xFF61B1E6, v13  }
0x148: {  	[tilespmem:$0x1FFF0] =	vst v2;
	v2 =	vmax.f32 v38, v40;
	vm3 =	vmor vm0, vm3;
	v0 =	vmax.f32 v52, v53  }
0x149: {  	[tilespmem:$0xCE0] =	vst v22;
	v39 =	vmax.f32 v61, v62;
	v9 =	vmax.f32 v63, v34;
	v41 =	vmax.f32 v5, v8  }
0x14a: {  	[tilespmem:$0xE60] =	vst v47;
	v0 =	vmax.f32 v3, v0;
	v1 =	vmax.f32 v1, v39;
	v2 =	vmax.f32 v9, v2  }
0x14b: {  	[tilespmem:$0x1FFE0] =	vst v29;
	vm0 =	veq.f32 v28, v50;
	v0 =	vmax.f32 v0, v41;
	v1 =	vmax.f32 v1, v2  }
0x14c: {  	[tilespmem:$0xD60] =	vst v20;
	v43 =	vnsel vm3, $0xF149F2CA, v37;
	vm3 =	vnez.u8 v44;
	v0 =	vmax.f32 v0, v1  }
0x14d: {  	[tilespmem:$0xDE0] =	vst v25;
	vm0 =	vmor vm3, vm0;
	vm3 =	veq.f32 v19, v0  }
0x14e: {  	[tilespmem:$0xEE0] =	vst v48;
	v45 =	vnsel vm0, $0xF149F2CA, v28;
	vm0 =	vmor vm1, vm3;
	vm1 =	veq.f32 v18, v0  }
0x14f: {  	[tilespmem:$0xF60] =	vst v43;
	v46 =	vnsel vm0, $0xF149F2CA, v19;
	vm0 =	vmor vm15, vm1;
	vm15 =	veq.f32 v17, v0  }
0x150: {  	[tilespmem:$0xFE0] =	vst v45;
	v47 =	vnsel vm0, $0xF149F2CA, v18;
	vm0 =	vmor vm2, vm15;
	vm15 =	veq.f32 v16, v0  }
0x151: {  	[tilespmem:$0x870] =	vst v46;
	v48 =	vnsel vm0, $0xF149F2CA, v17;
	vm14 =	vmor vm14, vm15;
	vm15 =	veq.f32 v15, v0  }
0x152: {  	[tilespmem:$0x8F0] =	vst v47;
	v49 =	vnsel vm14, $0xF149F2CA, v16;
	vm14 =	vmor vm12, vm15;
	vm15 =	veq.f32 v14, v0  }
0x153: {  	[tilespmem:$0x970] =	vst v48;
	v50 =	vnsel vm14, $0xF149F2CA, v15;
	vm12 =	vmor vm13, vm15  }
0x154: {  	v62 =	vld [tilespmem:$0x1FFF0];
	[tilespmem:$0x9F0] =	vst v49;
	vm13 =	veq.f32 v12, v0;
	vm15 =	veq.f32 v7, v0;
	v51 =	vnsel vm12, $0xF149F2CA, v14  }
0x155: {  	[tilespmem:$0xA70] =	vst v50;
	vm14 =	vmor vm11, vm13;
	vm4 =	vmor vm4, vm15;
	vm11 =	veq.f32 v60, v0  }
0x156: {  	vm13 =	veq.f32 v10, v0;
	v52 =	vnsel vm14, $0xF149F2CA, v12;
	[tilespmem:$0xAF0] =	vst v51;
	vm12 =	vmor vm5, vm11  }
0x157: {  	vm15 =	veq.f32 v6, v0;
	v53 =	vnsel vm4, $0xF149F2CA, v7;
	[tilespmem:$0xB70] =	vst v52;
	v54 =	vnsel vm12, $0xF149F2CA, v60;
	v60 =	vld [tilespmem:$0x1FFE0]  }
0x158: {  	vm14 =	vmor vm6, vm13;
	vm4 =	vmor vm7, vm15;
	vm5 =	veq.f32 v11, v0;
	[tilespmem:$0xBF0] =	vst v53  }
0x159: {  	vm7 =	veq.f32 v13, v0;
	vm15 =	vnez.u8 v62;
	v55 =	vnsel vm14, $0xF149F2CA, v10;
	[tilespmem:$0xC70] =	vst v54  }
0x15a: {  	v56 =	vnsel vm4, $0xF149F2CA, v6;
	vm6 =	vmor vm8, vm5;
	vm8 =	vmor vm9, vm7;
	[tilespmem:$0xCF0] =	vst v55  }
0x15b: {  	vm9 =	veq.f32 v26, v0;
	vm12 =	veq.f32 v33, v0;
	v57 =	vnsel vm6, $0xF149F2CA, v11;
	[tilespmem:$0xD70] =	vst v56  }
0x15c: {  	v58 =	vnsel vm8, $0xF149F2CA, v13;
	vm11 =	vmor vm10, vm9;
	[tilespmem:$0xDF0] =	vst v57;
	vm13 =	vnez.u8 v60  }
0x15d: {  	vm14 =	veq.f32 v32, v0;
	v59 =	vnsel vm11, $0xF149F2CA, v26;
	[tilespmem:$0xE70] =	vst v58;
	vm0 =	vmor vm13, vm12  }
0x15e: {  	[tilespmem:$0xEF0] =	vst v59;
	v61 =	vnsel vm0, $0xF149F2CA, v33;
	vm0 =	vmor vm15, vm14  }
0x15f: {  	p0 =	sne.s32 s5, $0x1;
	v63 =	vnsel vm0, $0xF149F2CA, v32;
	[tilespmem:$0xF70] =	vst v61  }
.Ltmp0:
0x160: {  	[tilespmem:$0xFF0] =	vst v63;
	(pc) =	sbr.rel @p0 .LBB2_1-.Ltmp0, $4  }
0x161: {  	[hbm4b:s4+s6] =	stream.strided.scatter [tilespmem:s9], [sflag:$0x1], $0x800, s7, s6, $0x38;
	[tilespmem:$0x1000] =	vst v63  }
0x162: {  	_ =	swait.ge [sflag:s8], $0x800  }
0x163: {  	[sflag:s8] =	ssyncset.done $0x0  }
0x164: {  	s5 =	sadd.s32 $0xFFFFFFFF, s5;
	[sflag:s8] =	ssyncadd.s32 $0xFFFFF800  }
0x165: {  	_ =	sfence.sel $0x180000  }
0x166: {  	[bflag:$0x0] =	sbarrier.arrive $0xFFFF  }
0x167: {  	p0 =	sne.s32 s1, $0x0;
	_ =	strace $0x90000047  }
0x168: {  	s0 =	sadd.s32 @!p0 $0x100000, s0;
	[bflag:$0x2] =	sbarrier.arrive $0xFFFF  }
0x169: {  	[sflag:s0] =	ssyncadd.tile.s32 @!p0 $0x1;
	_ =	shalt  }
.Lfunc_end2:
_tile_overlayer_lowered:
.L_overlay_start_2:
0x16a: {  	(tag) =	ssettag $0x2  }
0x16b: {  	s0 =	rddreg [dreg:$0x0];
	s2 =	stileid.u32  }
0x16c: {  	s1 =	rddreg [dreg:$0x1];
	p0 =	sne.s32 s2, $0x0  }
0x16d: {  	s3 =	rddreg [dreg:$0x2];
	[bflag:$0x3] =	sbarrier.arrive $0xFFFF;
	s2 =	simm.s32 @!p0 $0x1C01  }
0x16e: {  	[timem:s3], [sflag:s2] =	dma.local @!p0 [hbm:s0], s1  }
0x16f: {  	s0 =	simm.s32 @!p0 $0x1  }
0x170: {  	_ =	swait.ge @!p0 [sflag:s0], s1  }
0x171: {  	s1 =	ssub.s32 @!p0 $0x0, s1;
	[sflag:s0] =	ssyncset.done @!p0 $0x0  }
0x172: {  	[sflag:s0] =	ssyncadd.s32 @!p0 s1  }
0x173: {  	[bflag:$0x3] =	sbarrier.arrive $0xFFFF  }
0x174: {  	_ =	shalt  }

</sc_bundles>
